<compile_context>
chip_gen: v7x
topology: tpu7x:2x2x1
jax: 0.10.2.dev20260603
libtpu: 0.0.44.dev20260713+nightly
codegen_flags: <defaults>
</compile_context>

<pallas_src>
import functools

import jax
import jax.numpy as jnp
from jax import lax
from jax.experimental import pallas as pl
from jax.experimental.pallas import tpu as pltpu
from jax.experimental.pallas import tpu_sc as plsc

N = 10000
E = 320000
D = 128
H = 128
G = 64
EPS = 1e-5

NC = 2
NS = 16
NW = NC * NS
CH = 128
CPW = 80
EPAD = NW * CPW * CH
BI = 8
NSUP = CPW // (2 * BI)
PADN = 10240
RZ = PADN // NS
RSTG = 128

ROWS_TC = 400
GRID_TC = N // ROWS_TC


def _sc_mesh():
    return plsc.VectorSubcoreMesh(core_axis_name="c", subcore_axis_name="s")


@functools.partial(
    pl.kernel,
    out_type=jax.ShapeDtypeStruct((NC * PADN,), jnp.float32),
    mesh=_sc_mesh(),
    scratch_types=[
        pltpu.VMEM((CPW, CH), jnp.int32),
        pltpu.VMEM((CH,), jnp.float32),
        pltpu.VMEM((RZ,), jnp.float32),
        pltpu.VMEM_SHARED((PADN,), jnp.float32),
    ],
)
def _deg_kernel(dst_hbm, out_hbm, didx, ones, stg, deg):
    cid = lax.axis_index("c")
    sid = lax.axis_index("s")
    wid = cid * NS + sid

    def fill0(i, c):
        stg[pl.ds(i * 16, 16)] = jnp.zeros((16,), jnp.float32)
        return c
    lax.fori_loop(0, RZ // 16, fill0, 0)

    def fill1(i, c):
        ones[pl.ds(i * 16, 16)] = jnp.full((16,), 1.0, jnp.float32)
        return c
    lax.fori_loop(0, CH // 16, fill1, 0)

    pltpu.sync_copy(dst_hbm.at[pl.ds(wid * CPW, CPW)], didx)
    pltpu.sync_copy(stg, deg.at[pl.ds(sid * RZ, RZ)])
    plsc.subcore_barrier()

    def body(c, acc):
        pltpu.sync_copy(ones, deg.at[didx.at[c]], add=True)
        return acc
    lax.fori_loop(0, CPW, body, 0)

    plsc.subcore_barrier()

    pltpu.sync_copy(deg.at[pl.ds(sid * RZ, RZ)], stg)
    pltpu.sync_copy(stg, out_hbm.at[pl.ds(cid * PADN + sid * RZ, RZ)])


@functools.partial(
    pl.kernel,
    out_type=jax.ShapeDtypeStruct((NC, PADN, H), jnp.float32),
    mesh=_sc_mesh(),
    scratch_types=[
        pltpu.VMEM((2 * CPW, CH), jnp.int32),
        pltpu.VMEM((CH, H), jnp.float32),
        pltpu.VMEM_SHARED((PADN, H), jnp.float32),
    ],
)
def _edge_kernel(s_hbm, idx_hbm, out_hbm, ibuf, rows, agg):
    cid = lax.axis_index("c")
    sid = lax.axis_index("s")
    wid = cid * NS + sid
    r0 = sid * RZ
    base = wid * CPW

    def fill0(i, c):
        rows[i // 8, pl.ds((i % 8) * 16, 16)] = jnp.zeros((16,), jnp.float32)
        return c
    lax.fori_loop(0, RSTG * (H // 16), fill0, 0)
    for k in range(RZ // RSTG):
        pltpu.sync_copy(rows, agg.at[pl.ds(r0 + k * RSTG, RSTG)])
    plsc.subcore_barrier()

    pltpu.sync_copy(idx_hbm.at[pl.ds(2 * base, 2 * CPW)], ibuf)

    def body(c, acc):
        pltpu.sync_copy(s_hbm.at[ibuf.at[2 * c]], rows)
        pltpu.sync_copy(rows, agg.at[ibuf.at[2 * c + 1]], add=True)
        return acc
    lax.fori_loop(0, CPW, body, 0)

    plsc.subcore_barrier()

    for k in range(RZ // RSTG):
        pltpu.sync_copy(agg.at[pl.ds(r0 + k * RSTG, RSTG)], rows)
        pltpu.sync_copy(rows, out_hbm.at[cid, pl.ds(r0 + k * RSTG, RSTG)])


def _prep_body(x_ref, m_ref, d0_ref, d1_ref, w_ref, s_ref, dinv_ref):
    deg = d0_ref[...] + d1_ref[...] + 1.0
    dv = lax.rsqrt(deg)
    dinv_ref[...] = dv
    xm = x_ref[...] * m_ref[...] * dv
    s_ref[...] = jnp.dot(xm, w_ref[...], preferred_element_type=jnp.float32)


def _prep(x, mask, d0, d1, w):
    return pl.pallas_call(
        _prep_body,
        grid=(GRID_TC,),
        in_specs=[
            pl.BlockSpec((ROWS_TC, D), lambda i: (i, 0)),
            pl.BlockSpec((ROWS_TC, 1), lambda i: (i, 0)),
            pl.BlockSpec((ROWS_TC, 1), lambda i: (i, 0)),
            pl.BlockSpec((ROWS_TC, 1), lambda i: (i, 0)),
            pl.BlockSpec((D, H), lambda i: (0, 0)),
        ],
        out_specs=[
            pl.BlockSpec((ROWS_TC, H), lambda i: (i, 0)),
            pl.BlockSpec((ROWS_TC, 1), lambda i: (i, 0)),
        ],
        out_shape=[
            jax.ShapeDtypeStruct((N, H), jnp.float32),
            jax.ShapeDtypeStruct((N, 1), jnp.float32),
        ],
    )(x, mask, d0, d1, w)


def _dense_body(a0_ref, a1_ref, s_ref, dinv_ref, m_ref, b_ref, w_ref, o_ref):
    dv = dinv_ref[...]
    pre = dv * (a0_ref[...] + a1_ref[...] + s_ref[...]) + b_ref[...]
    h = jnp.maximum(pre, 0.0) * m_ref[...] * dv
    o_ref[...] = jnp.dot(h, w_ref[...], preferred_element_type=jnp.float32)


def _dense(a0, a1, s, dinv, mask, b, w):
    return pl.pallas_call(
        _dense_body,
        grid=(GRID_TC,),
        in_specs=[
            pl.BlockSpec((ROWS_TC, H), lambda i: (i, 0)),
            pl.BlockSpec((ROWS_TC, H), lambda i: (i, 0)),
            pl.BlockSpec((ROWS_TC, H), lambda i: (i, 0)),
            pl.BlockSpec((ROWS_TC, 1), lambda i: (i, 0)),
            pl.BlockSpec((ROWS_TC, 1), lambda i: (i, 0)),
            pl.BlockSpec((1, H), lambda i: (0, 0)),
            pl.BlockSpec((H, H), lambda i: (0, 0)),
        ],
        out_specs=pl.BlockSpec((ROWS_TC, H), lambda i: (i, 0)),
        out_shape=jax.ShapeDtypeStruct((N, H), jnp.float32),
    )(a0, a1, s, dinv, mask, b, w)


def _final_body(a0_ref, a1_ref, s_ref, dinv_ref, m_ref, b_ref, batch_ref,
                wout_ref, bout_ref, out_ref, gsum, gcnt):
    i = pl.program_id(0)
    dv = dinv_ref[...]
    pre = dv * (a0_ref[...] + a1_ref[...] + s_ref[...]) + b_ref[...]
    h = jnp.maximum(pre, 0.0) * m_ref[...]
    onehot = (batch_ref[...] ==
              lax.broadcasted_iota(jnp.int32, (ROWS_TC, G), 1)).astype(jnp.float32)
    dn = (((0,), (0,)), ((), ()))
    gs = lax.dot_general(onehot, h, dn, preferred_element_type=jnp.float32)
    cn = lax.dot_general(onehot, jnp.ones((ROWS_TC, H), jnp.float32), dn,
                         preferred_element_type=jnp.float32)

    @pl.when(i == 0)
    def _():
        gsum[...] = gs
        gcnt[...] = cn

    @pl.when(i > 0)
    def _():
        gsum[...] += gs
        gcnt[...] += cn

    @pl.when(i == pl.num_programs(0) - 1)
    def _():
        gr = gsum[...] / jnp.maximum(gcnt[...], 1.0)
        out_ref[...] = (jnp.dot(gr, wout_ref[...],
                                preferred_element_type=jnp.float32)
                        + bout_ref[...])


def _final(a0, a1, s, dinv, mask, b, batch2d, wout, bout2d):
    return pl.pallas_call(
        _final_body,
        grid=(GRID_TC,),
        in_specs=[
            pl.BlockSpec((ROWS_TC, H), lambda i: (i, 0)),
            pl.BlockSpec((ROWS_TC, H), lambda i: (i, 0)),
            pl.BlockSpec((ROWS_TC, H), lambda i: (i, 0)),
            pl.BlockSpec((ROWS_TC, 1), lambda i: (i, 0)),
            pl.BlockSpec((ROWS_TC, 1), lambda i: (i, 0)),
            pl.BlockSpec((1, H), lambda i: (0, 0)),
            pl.BlockSpec((ROWS_TC, 1), lambda i: (i, 0)),
            pl.BlockSpec((H, 1), lambda i: (0, 0)),
            pl.BlockSpec((1, 1), lambda i: (0, 0)),
        ],
        out_specs=pl.BlockSpec((G, 1), lambda i: (0, 0)),
        out_shape=jax.ShapeDtypeStruct((G, 1), jnp.float32),
        scratch_shapes=[
            pltpu.VMEM((G, H), jnp.float32),
            pltpu.VMEM((G, H), jnp.float32),
        ],
        compiler_params=pltpu.CompilerParams(
            dimension_semantics=("arbitrary",)),
    )(a0, a1, s, dinv, mask, b, batch2d, wout, bout2d)


def kernel(x, edge_index, mask, batch,
           W0, b0, gamma0, beta0, rm0, rv0,
           W1, b1, gamma1, beta1, rm1, rv1,
           W2, b2, gamma2, beta2, rm2, rv2,
           Wout, bout):
    pad = EPAD - E
    src2d = jnp.concatenate(
        [edge_index[0], jnp.zeros((pad,), jnp.int32)]).reshape(EPAD // CH, CH)
    dstpad = jnp.full((pad,), N, jnp.int32)
    dst2d = jnp.concatenate(
        [edge_index[1], dstpad]).reshape(EPAD // CH, CH)
    idx2 = jnp.stack([src2d, dst2d], axis=1).reshape(2 * (EPAD // CH), CH)

    def fold(Wl, bl, gl, bel, rml, rvl):
        scale = gl * lax.rsqrt(rvl + EPS)
        return Wl * scale[None, :], (bl * scale + bel - rml * scale).reshape(1, H)

    W0p, b0p = fold(W0, b0, gamma0, beta0, rm0, rv0)
    W1p, b1p = fold(W1, b1, gamma1, beta1, rm1, rv1)
    W2p, b2p = fold(W2, b2, gamma2, beta2, rm2, rv2)

    degp = _deg_kernel(dst2d).reshape(NC, PADN)
    d0 = degp[0, :N].reshape(N, 1)
    d1 = degp[1, :N].reshape(N, 1)

    s1, dinv = _prep(x, mask, d0, d1, W0p)

    agg = _edge_kernel(s1, idx2)
    s2 = _dense(agg[0, :N], agg[1, :N], s1, dinv, mask, b0p, W1p)
    agg = _edge_kernel(s2, idx2)
    s3 = _dense(agg[0, :N], agg[1, :N], s2, dinv, mask, b1p, W2p)
    agg = _edge_kernel(s3, idx2)
    return _final(agg[0, :N], agg[1, :N], s3, dinv, mask, b2p,
                  batch.reshape(N, 1), Wout, bout.reshape(1, 1))

# --- scband reference (transcript-rebuilt; emitter-appended) ---
"""Pipeline reference for scband-mcx-m-gnn-16003048145031 (READ-ONLY COPY).

The authoritative reference and input builder live on the scoring server;
editing this copy changes nothing except your own understanding.
"""

import jax, jax.numpy as jnp
import numpy as np

N = 10000
E = 320000
D = 128
H = 128
G = 64
EPS = 1e-5


def setup_inputs(seed: int = 0):
    key = jax.random.key(seed)
    ks = jax.random.split(key, 12)
    inp = {}
    inp['x'] = jax.random.normal(ks[0], (N, D), dtype=jnp.float32)
    inp['edge_index'] = jax.random.randint(ks[1], (2, E), 0, N, dtype=jnp.int32)
    inp['mask'] = jax.random.uniform(ks[2], (N, 1), dtype=jnp.float32)
    inp['batch'] = jnp.sort(jax.random.randint(ks[3], (N,), 0, G, dtype=jnp.int32))
    for i in range(3):
        din = D if i == 0 else H
        inp['W%d' % i] = 0.05 * jax.random.normal(ks[4 + i], (din, H), dtype=jnp.float32)
        inp['b%d' % i] = jnp.zeros((H,), jnp.float32)
        inp['gamma%d' % i] = jnp.ones((H,), jnp.float32)
        inp['beta%d' % i] = jnp.zeros((H,), jnp.float32)
        inp['rm%d' % i] = jnp.zeros((H,), jnp.float32)
        inp['rv%d' % i] = jnp.ones((H,), jnp.float32)
    inp['Wout'] = 0.05 * jax.random.normal(ks[8], (H, 1), dtype=jnp.float32)
    inp['bout'] = jnp.zeros((1,), jnp.float32)
    return inp


def _gcn_conv(h, W, b, src, dst, norm):
    hw = h @ W
    msg = hw[src] * norm[:, None]
    agg = jax.ops.segment_sum(msg, dst, num_segments=N)
    return agg + b


def reference(x, edge_index, mask, batch,
              W0, b0, gamma0, beta0, rm0, rv0,
              W1, b1, gamma1, beta1, rm1, rv1,
              W2, b2, gamma2, beta2, rm2, rv2,
              Wout, bout):
    loop = jnp.arange(N, dtype=edge_index.dtype)
    src = jnp.concatenate([edge_index[0], loop])
    dst = jnp.concatenate([edge_index[1], loop])
    deg = jax.ops.segment_sum(jnp.ones_like(src, dtype=jnp.float32), dst, num_segments=N)
    dinv = jnp.where(deg > 0, 1.0 / jnp.sqrt(deg), 0.0)
    norm = dinv[src] * dinv[dst]
    layers = [(W0, b0, gamma0, beta0, rm0, rv0),
              (W1, b1, gamma1, beta1, rm1, rv1),
              (W2, b2, gamma2, beta2, rm2, rv2)]
    h = x
    for (W, b, g, be, rm, rv) in layers:
        h = h * mask
        h = _gcn_conv(h, W, b, src, dst, norm)
        h = (h - rm) / jnp.sqrt(rv + EPS) * g + be
        h = jax.nn.relu(h)
        # dropout is identity in eval mode
    h = h * mask
    sums = jax.ops.segment_sum(h, batch, num_segments=G)
    counts = jax.ops.segment_sum(jnp.ones((N, 1), jnp.float32), batch, num_segments=G)
    graph_repr = sums / jnp.maximum(counts, 1.0)
    out = graph_repr @ Wout + bout
    return out

if __name__ == "__main__":
    import jax
    _d = setup_inputs()
    print(jax.jit(kernel)(*tuple(_d.values())))

</pallas_src>

<mosaic_0001>
#map = affine_map<(d0, d1) -> (0, 0)>
#map1 = affine_map<(d0, d1) -> (0, 0, 0)>
module attributes {stable_mosaic.version = 14 : i64} {
  func.func @_edge_kernel(%arg0: i32, %arg1: i32, %arg2: memref<10000x128xf32, #tpu.memory_space<hbm>>, %arg3: memref<5120x128xi32, #tpu.memory_space<hbm>>, %arg4: memref<2x10240x128xf32, #tpu.memory_space<hbm>>, %arg5: memref<160x128xi32, #tpu.memory_space<vmem>>, %arg6: memref<128x128xf32, #tpu.memory_space<vmem>>, %arg7: memref<10240x128xf32, #tpu.memory_space<vmem_shared>>) attributes {dimension_semantics = [#tpu.dimension_semantics<core_parallel>, #tpu.dimension_semantics<subcore_parallel>], iteration_bounds = array<i64: 2, 16>, scalar_prefetch = 0 : i64, scratch_operands = 3 : i64, tpu.core_type = #tpu.core_type<sc_vector_subcore>, window_params = [{transform_indices = #map}, {transform_indices = #map}, {transform_indices = #map1}]} {
    %mul3A = arith.constant 16 : i32
    %mul3A_0 = arith.muli %arg0, %mul3A : i32
    %add3A = arith.addi %mul3A_0, %arg1 : i32
    %mul3A_1 = arith.constant 640 : i32
    %mul3A_2 = arith.muli %arg1, %mul3A_1 : i32
    %mul3A_3 = arith.constant 80 : i32
    %mul3A_4 = arith.muli %add3A, %mul3A_3 : i32
    %scan3A = arith.constant 0 : i32
    %scan3A_5 = arith.constant 0 : i32
    %scan3A_6 = arith.constant 1024 : i32
    %scan3A_7 = arith.addi %scan3A_5, %scan3A_6 : i32
    %scan3A_8 = arith.constant 1 : i32
    scf.for %scan3A_49 = %scan3A_5 to %scan3A_7 step %scan3A_8  : i32 {
      %broadcast_in_dim3A = arith.constant 0.000000e+00 : f32
      %broadcast_in_dim3A_50 = vector.broadcast %broadcast_in_dim3A : f32 to vector<16xf32>
      %jit3A = arith.constant 8 : i32
      %div3A = arith.divsi %scan3A_49, %jit3A : i32
      %sign3A = arith.constant 0 : i32
      %sign3A_51 = arith.cmpi sgt, %scan3A_49, %sign3A : i32
      %sign3A_52 = arith.extui %sign3A_51 : i1 to i32
      %sign3A_53 = arith.constant 0 : i32
      %sign3A_54 = arith.cmpi slt, %scan3A_49, %sign3A_53 : i32
      %sign3A_55 = arith.extui %sign3A_54 : i1 to i32
      %sign3A_56 = arith.subi %sign3A_52, %sign3A_55 : i32
      %sign3A_57 = arith.constant 0 : i32
      %sign3A_58 = arith.cmpi sgt, %jit3A, %sign3A_57 : i32
      %sign3A_59 = arith.extui %sign3A_58 : i1 to i32
      %sign3A_60 = arith.constant 0 : i32
      %sign3A_61 = arith.cmpi slt, %jit3A, %sign3A_60 : i32
      %sign3A_62 = arith.extui %sign3A_61 : i1 to i32
      %sign3A_63 = arith.subi %sign3A_59, %sign3A_62 : i32
      %ne3A = arith.cmpi ne, %sign3A_56, %sign3A_63 : i32
      %rem3A = arith.remsi %scan3A_49, %jit3A : i32
      %ne3A_64 = arith.constant 0 : i32
      %ne3A_65 = arith.cmpi ne, %rem3A, %ne3A_64 : i32
      %and3A = arith.andi %ne3A, %ne3A_65 : i1
      %sub3A = arith.constant 1 : i32
      %sub3A_66 = arith.subi %div3A, %sub3A : i32
      %select_n3A = arith.select %and3A, %sub3A_66, %div3A : i32
      %jit3A_67 = arith.constant 8 : i32
      %eq3A = arith.constant 0 : i32
      %eq3A_68 = arith.cmpi eq, %jit3A_67, %eq3A : i32
      %jit3A_69 = arith.constant 1 : i32
      %select_n3A_70 = arith.select %eq3A_68, %jit3A_69, %jit3A_67 : i32
      %rem3A_71 = arith.remsi %scan3A_49, %select_n3A_70 : i32
      %ne3A_72 = arith.constant 0 : i32
      %ne3A_73 = arith.cmpi ne, %rem3A_71, %ne3A_72 : i32
      %lt3A = arith.constant 0 : i32
      %lt3A_74 = arith.cmpi slt, %rem3A_71, %lt3A : i32
      %lt3A_75 = arith.constant 0 : i32
      %lt3A_76 = arith.cmpi slt, %select_n3A_70, %lt3A_75 : i32
      %ne3A_77 = arith.xori %lt3A_74, %lt3A_76 : i1
      %and3A_78 = arith.andi %ne3A_77, %ne3A_73 : i1
      %add3A_79 = arith.addi %rem3A_71, %select_n3A_70 : i32
      %select_n3A_80 = arith.select %and3A_78, %add3A_79, %rem3A_71 : i32
      %mul3A_81 = arith.constant 16 : i32
      %mul3A_82 = arith.muli %select_n3A_80, %mul3A_81 : i32
      %swap3A = arith.index_cast %select_n3A : i32 to index
      %swap3A_83 = arith.index_cast %mul3A_82 : i32 to index
      %swap3A_84 = tpu.vector_load %arg6[%swap3A, %swap3A_83] {strides = array<i32>} : memref<128x128xf32, #tpu.memory_space<vmem>>, vector<1x16xf32>,
      %swap3A_85 = vector.shape_cast %swap3A_84 : vector<1x16xf32> to vector<16xf32>
      %swap3A_86 = vector.shape_cast %broadcast_in_dim3A_50 : vector<16xf32> to vector<1x16xf32>
      tpu.vector_store %arg6[%swap3A, %swap3A_83], %swap3A_86 {strides = array<i32>} : memref<128x128xf32, #tpu.memory_space<vmem>>, vector<1x16xf32>,
    }
    %scan3A_9 = arith.constant 1024 : i32
    %add3A_10 = arith.constant 0 : i32
    %add3A_11 = arith.addi %mul3A_2, %add3A_10 : i32
    "tpu.region"() ({
      %run_scoped3A = tpu.sem_alloc : memref<!tpu.dma_semaphore, #tpu.memory_space<semaphore_mem>>
      %dma_start3A = arith.constant 0 : i32
      %dma_start3A_49 = tpu.memref_slice %arg7[%add3A_11, %dma_start3A] : memref<10240x128xf32, #tpu.memory_space<vmem_shared>> -> memref<128x128xf32, #tpu.memory_space<vmem_shared>>
      %dma_start3A_50 = arith.constant 0 : i32
      %dma_start3A_51 = tpu.memref_slice %arg7[%add3A_11, %dma_start3A_50] : memref<10240x128xf32, #tpu.memory_space<vmem_shared>> -> memref<128x128xf32, #tpu.memory_space<vmem_shared>>
      tpu.enqueue_dma source(%arg6 : memref<128x128xf32, #tpu.memory_space<vmem>>) target(%dma_start3A_51 : memref<128x128xf32, #tpu.memory_space<vmem_shared>>) target_semaphore(%run_scoped3A : memref<!tpu.dma_semaphore, #tpu.memory_space<semaphore_mem>>)
      %dma_wait3A = arith.constant 0 : i32
      %dma_wait3A_52 = tpu.memref_slice %arg7[%add3A_11, %dma_wait3A] : memref<10240x128xf32, #tpu.memory_space<vmem_shared>> -> memref<128x128xf32, #tpu.memory_space<vmem_shared>>
      %dma_wait3A_53 = arith.constant 0 : i32
      %dma_wait3A_54 = tpu.memref_slice %arg7[%add3A_11, %dma_wait3A_53] : memref<10240x128xf32, #tpu.memory_space<vmem_shared>> -> memref<128x128xf32, #tpu.memory_space<vmem_shared>>
      tpu.wait_dma2 semaphore(%run_scoped3A : memref<!tpu.dma_semaphore, #tpu.memory_space<semaphore_mem>>) src(%arg6 : memref<128x128xf32, #tpu.memory_space<vmem>>) dst(%dma_wait3A_54 : memref<128x128xf32, #tpu.memory_space<vmem_shared>>)
      tpu.yield
    }) : () -> ()
    %add3A_12 = arith.constant 128 : i32
    %add3A_13 = arith.addi %mul3A_2, %add3A_12 : i32
    "tpu.region"() ({
      %run_scoped3A = tpu.sem_alloc : memref<!tpu.dma_semaphore, #tpu.memory_space<semaphore_mem>>
      %dma_start3A = arith.constant 0 : i32
      %dma_start3A_49 = tpu.memref_slice %arg7[%add3A_13, %dma_start3A] : memref<10240x128xf32, #tpu.memory_space<vmem_shared>> -> memref<128x128xf32, #tpu.memory_space<vmem_shared>>
      %dma_start3A_50 = arith.constant 0 : i32
      %dma_start3A_51 = tpu.memref_slice %arg7[%add3A_13, %dma_start3A_50] : memref<10240x128xf32, #tpu.memory_space<vmem_shared>> -> memref<128x128xf32, #tpu.memory_space<vmem_shared>>
      tpu.enqueue_dma source(%arg6 : memref<128x128xf32, #tpu.memory_space<vmem>>) target(%dma_start3A_51 : memref<128x128xf32, #tpu.memory_space<vmem_shared>>) target_semaphore(%run_scoped3A : memref<!tpu.dma_semaphore, #tpu.memory_space<semaphore_mem>>)
      %dma_wait3A = arith.constant 0 : i32
      %dma_wait3A_52 = tpu.memref_slice %arg7[%add3A_13, %dma_wait3A] : memref<10240x128xf32, #tpu.memory_space<vmem_shared>> -> memref<128x128xf32, #tpu.memory_space<vmem_shared>>
      %dma_wait3A_53 = arith.constant 0 : i32
      %dma_wait3A_54 = tpu.memref_slice %arg7[%add3A_13, %dma_wait3A_53] : memref<10240x128xf32, #tpu.memory_space<vmem_shared>> -> memref<128x128xf32, #tpu.memory_space<vmem_shared>>
      tpu.wait_dma2 semaphore(%run_scoped3A : memref<!tpu.dma_semaphore, #tpu.memory_space<semaphore_mem>>) src(%arg6 : memref<128x128xf32, #tpu.memory_space<vmem>>) dst(%dma_wait3A_54 : memref<128x128xf32, #tpu.memory_space<vmem_shared>>)
      tpu.yield
    }) : () -> ()
    %add3A_14 = arith.constant 256 : i32
    %add3A_15 = arith.addi %mul3A_2, %add3A_14 : i32
    "tpu.region"() ({
      %run_scoped3A = tpu.sem_alloc : memref<!tpu.dma_semaphore, #tpu.memory_space<semaphore_mem>>
      %dma_start3A = arith.constant 0 : i32
      %dma_start3A_49 = tpu.memref_slice %arg7[%add3A_15, %dma_start3A] : memref<10240x128xf32, #tpu.memory_space<vmem_shared>> -> memref<128x128xf32, #tpu.memory_space<vmem_shared>>
      %dma_start3A_50 = arith.constant 0 : i32
      %dma_start3A_51 = tpu.memref_slice %arg7[%add3A_15, %dma_start3A_50] : memref<10240x128xf32, #tpu.memory_space<vmem_shared>> -> memref<128x128xf32, #tpu.memory_space<vmem_shared>>
      tpu.enqueue_dma source(%arg6 : memref<128x128xf32, #tpu.memory_space<vmem>>) target(%dma_start3A_51 : memref<128x128xf32, #tpu.memory_space<vmem_shared>>) target_semaphore(%run_scoped3A : memref<!tpu.dma_semaphore, #tpu.memory_space<semaphore_mem>>)
      %dma_wait3A = arith.constant 0 : i32
      %dma_wait3A_52 = tpu.memref_slice %arg7[%add3A_15, %dma_wait3A] : memref<10240x128xf32, #tpu.memory_space<vmem_shared>> -> memref<128x128xf32, #tpu.memory_space<vmem_shared>>
      %dma_wait3A_53 = arith.constant 0 : i32
      %dma_wait3A_54 = tpu.memref_slice %arg7[%add3A_15, %dma_wait3A_53] : memref<10240x128xf32, #tpu.memory_space<vmem_shared>> -> memref<128x128xf32, #tpu.memory_space<vmem_shared>>
      tpu.wait_dma2 semaphore(%run_scoped3A : memref<!tpu.dma_semaphore, #tpu.memory_space<semaphore_mem>>) src(%arg6 : memref<128x128xf32, #tpu.memory_space<vmem>>) dst(%dma_wait3A_54 : memref<128x128xf32, #tpu.memory_space<vmem_shared>>)
      tpu.yield
    }) : () -> ()
    %add3A_16 = arith.constant 384 : i32
    %add3A_17 = arith.addi %mul3A_2, %add3A_16 : i32
    "tpu.region"() ({
      %run_scoped3A = tpu.sem_alloc : memref<!tpu.dma_semaphore, #tpu.memory_space<semaphore_mem>>
      %dma_start3A = arith.constant 0 : i32
      %dma_start3A_49 = tpu.memref_slice %arg7[%add3A_17, %dma_start3A] : memref<10240x128xf32, #tpu.memory_space<vmem_shared>> -> memref<128x128xf32, #tpu.memory_space<vmem_shared>>
      %dma_start3A_50 = arith.constant 0 : i32
      %dma_start3A_51 = tpu.memref_slice %arg7[%add3A_17, %dma_start3A_50] : memref<10240x128xf32, #tpu.memory_space<vmem_shared>> -> memref<128x128xf32, #tpu.memory_space<vmem_shared>>
      tpu.enqueue_dma source(%arg6 : memref<128x128xf32, #tpu.memory_space<vmem>>) target(%dma_start3A_51 : memref<128x128xf32, #tpu.memory_space<vmem_shared>>) target_semaphore(%run_scoped3A : memref<!tpu.dma_semaphore, #tpu.memory_space<semaphore_mem>>)
      %dma_wait3A = arith.constant 0 : i32
      %dma_wait3A_52 = tpu.memref_slice %arg7[%add3A_17, %dma_wait3A] : memref<10240x128xf32, #tpu.memory_space<vmem_shared>> -> memref<128x128xf32, #tpu.memory_space<vmem_shared>>
      %dma_wait3A_53 = arith.constant 0 : i32
      %dma_wait3A_54 = tpu.memref_slice %arg7[%add3A_17, %dma_wait3A_53] : memref<10240x128xf32, #tpu.memory_space<vmem_shared>> -> memref<128x128xf32, #tpu.memory_space<vmem_shared>>
      tpu.wait_dma2 semaphore(%run_scoped3A : memref<!tpu.dma_semaphore, #tpu.memory_space<semaphore_mem>>) src(%arg6 : memref<128x128xf32, #tpu.memory_space<vmem>>) dst(%dma_wait3A_54 : memref<128x128xf32, #tpu.memory_space<vmem_shared>>)
      tpu.yield
    }) : () -> ()
    %add3A_18 = arith.constant 512 : i32
    %add3A_19 = arith.addi %mul3A_2, %add3A_18 : i32
    "tpu.region"() ({
      %run_scoped3A = tpu.sem_alloc : memref<!tpu.dma_semaphore, #tpu.memory_space<semaphore_mem>>
      %dma_start3A = arith.constant 0 : i32
      %dma_start3A_49 = tpu.memref_slice %arg7[%add3A_19, %dma_start3A] : memref<10240x128xf32, #tpu.memory_space<vmem_shared>> -> memref<128x128xf32, #tpu.memory_space<vmem_shared>>
      %dma_start3A_50 = arith.constant 0 : i32
      %dma_start3A_51 = tpu.memref_slice %arg7[%add3A_19, %dma_start3A_50] : memref<10240x128xf32, #tpu.memory_space<vmem_shared>> -> memref<128x128xf32, #tpu.memory_space<vmem_shared>>
      tpu.enqueue_dma source(%arg6 : memref<128x128xf32, #tpu.memory_space<vmem>>) target(%dma_start3A_51 : memref<128x128xf32, #tpu.memory_space<vmem_shared>>) target_semaphore(%run_scoped3A : memref<!tpu.dma_semaphore, #tpu.memory_space<semaphore_mem>>)
      %dma_wait3A = arith.constant 0 : i32
      %dma_wait3A_52 = tpu.memref_slice %arg7[%add3A_19, %dma_wait3A] : memref<10240x128xf32, #tpu.memory_space<vmem_shared>> -> memref<128x128xf32, #tpu.memory_space<vmem_shared>>
      %dma_wait3A_53 = arith.constant 0 : i32
      %dma_wait3A_54 = tpu.memref_slice %arg7[%add3A_19, %dma_wait3A_53] : memref<10240x128xf32, #tpu.memory_space<vmem_shared>> -> memref<128x128xf32, #tpu.memory_space<vmem_shared>>
      tpu.wait_dma2 semaphore(%run_scoped3A : memref<!tpu.dma_semaphore, #tpu.memory_space<semaphore_mem>>) src(%arg6 : memref<128x128xf32, #tpu.memory_space<vmem>>) dst(%dma_wait3A_54 : memref<128x128xf32, #tpu.memory_space<vmem_shared>>)
      tpu.yield
    }) : () -> ()
    %barrier3A = arith.constant 0 : index
    tpu.barrier barrier_id(%barrier3A)
    %mul3A_20 = arith.constant 2 : i32
    %mul3A_21 = arith.muli %mul3A_20, %mul3A_4 : i32
    "tpu.region"() ({
      %run_scoped3A = tpu.sem_alloc : memref<!tpu.dma_semaphore, #tpu.memory_space<semaphore_mem>>
      %dma_start3A = arith.constant 0 : i32
      %dma_start3A_49 = tpu.memref_slice %arg3[%mul3A_21, %dma_start3A] : memref<5120x128xi32, #tpu.memory_space<hbm>> -> memref<160x128xi32, #tpu.memory_space<hbm>>
      %dma_start3A_50 = arith.constant 0 : i32
      %dma_start3A_51 = tpu.memref_slice %arg3[%mul3A_21, %dma_start3A_50] : memref<5120x128xi32, #tpu.memory_space<hbm>> -> memref<160x128xi32, #tpu.memory_space<hbm>>
      tpu.enqueue_dma source(%dma_start3A_51 : memref<160x128xi32, #tpu.memory_space<hbm>>) target(%arg5 : memref<160x128xi32, #tpu.memory_space<vmem>>) target_semaphore(%run_scoped3A : memref<!tpu.dma_semaphore, #tpu.memory_space<semaphore_mem>>)
      %dma_wait3A = arith.constant 0 : i32
      %dma_wait3A_52 = tpu.memref_slice %arg3[%mul3A_21, %dma_wait3A] : memref<5120x128xi32, #tpu.memory_space<hbm>> -> memref<160x128xi32, #tpu.memory_space<hbm>>
      %dma_wait3A_53 = arith.constant 0 : i32
      %dma_wait3A_54 = tpu.memref_slice %arg3[%mul3A_21, %dma_wait3A_53] : memref<5120x128xi32, #tpu.memory_space<hbm>> -> memref<160x128xi32, #tpu.memory_space<hbm>>
      tpu.wait_dma2 semaphore(%run_scoped3A : memref<!tpu.dma_semaphore, #tpu.memory_space<semaphore_mem>>) src(%dma_wait3A_54 : memref<160x128xi32, #tpu.memory_space<hbm>>) dst(%arg5 : memref<160x128xi32, #tpu.memory_space<vmem>>)
      tpu.yield
    }) : () -> ()
    %scan3A_22 = arith.constant 0 : i32
    %scan3A_23 = arith.constant 0 : i32
    %scan3A_24 = arith.constant 80 : i32
    %scan3A_25 = arith.addi %scan3A_23, %scan3A_24 : i32
    %scan3A_26 = arith.constant 1 : i32
    scf.for %scan3A_49 = %scan3A_23 to %scan3A_25 step %scan3A_26  : i32 {
      %mul3A_50 = arith.constant 2 : i32
      %mul3A_51 = arith.muli %mul3A_50, %scan3A_49 : i32
      "tpu.region"() ({
        %run_scoped3A = tpu.sem_alloc : memref<!tpu.dma_semaphore, #tpu.memory_space<semaphore_mem>>
        %dma_start3A = arith.constant 0 : i32
        %dma_start3A_56 = tpu.memref_slice %arg5[%mul3A_51, %dma_start3A] : memref<160x128xi32, #tpu.memory_space<vmem>> -> memref<1x128xi32, #tpu.memory_space<vmem>>
        %dma_start3A_57 = tpu.memref_squeeze %dma_start3A_56 : memref<1x128xi32, #tpu.memory_space<vmem>> -> memref<128xi32, #tpu.memory_space<vmem>>
        %dma_start3A_58 = arith.constant 0 : i32
        %dma_start3A_59 = arith.constant 0 : i32
        %dma_start3A_60 = tpu.memref_slice %arg2[%dma_start3A_58, %dma_start3A_59] : memref<10000x128xf32, #tpu.memory_space<hbm>> -> memref<10000x128xf32, #tpu.memory_space<hbm>>
        tpu.enqueue_indirect_dma source(%dma_start3A_60 : memref<10000x128xf32, #tpu.memory_space<hbm>>) target(%arg6 : memref<128x128xf32, #tpu.memory_space<vmem>>) offsets(%dma_start3A_57 : memref<128xi32, #tpu.memory_space<vmem>>) semaphore(%run_scoped3A : memref<!tpu.dma_semaphore, #tpu.memory_space<semaphore_mem>>)
        %dma_wait3A = arith.constant 0 : i32
        %dma_wait3A_61 = tpu.memref_slice %arg5[%mul3A_51, %dma_wait3A] : memref<160x128xi32, #tpu.memory_space<vmem>> -> memref<1x128xi32, #tpu.memory_space<vmem>>
        %dma_wait3A_62 = tpu.memref_squeeze %dma_wait3A_61 : memref<1x128xi32, #tpu.memory_space<vmem>> -> memref<128xi32, #tpu.memory_space<vmem>>
        %dma_wait3A_63 = arith.constant 0 : i32
        %dma_wait3A_64 = arith.constant 0 : i32
        %dma_wait3A_65 = tpu.memref_slice %arg2[%dma_wait3A_63, %dma_wait3A_64] : memref<10000x128xf32, #tpu.memory_space<hbm>> -> memref<10000x128xf32, #tpu.memory_space<hbm>>
        tpu.wait_indirect_dma semaphore(%run_scoped3A : memref<!tpu.dma_semaphore, #tpu.memory_space<semaphore_mem>>) src(%dma_wait3A_65 : memref<10000x128xf32, #tpu.memory_space<hbm>>) dst(%arg6 : memref<128x128xf32, #tpu.memory_space<vmem>>)
        tpu.yield
      }) : () -> ()
      %mul3A_52 = arith.constant 2 : i32
      %mul3A_53 = arith.muli %mul3A_52, %scan3A_49 : i32
      %add3A_54 = arith.constant 1 : i32
      %add3A_55 = arith.addi %mul3A_53, %add3A_54 : i32
      "tpu.region"() ({
        %run_scoped3A = tpu.sem_alloc : memref<!tpu.dma_semaphore, #tpu.memory_space<semaphore_mem>>
        %dma_start3A = arith.constant 0 : i32
        %dma_start3A_56 = tpu.memref_slice %arg5[%add3A_55, %dma_start3A] : memref<160x128xi32, #tpu.memory_space<vmem>> -> memref<1x128xi32, #tpu.memory_space<vmem>>
        %dma_start3A_57 = tpu.memref_squeeze %dma_start3A_56 : memref<1x128xi32, #tpu.memory_space<vmem>> -> memref<128xi32, #tpu.memory_space<vmem>>
        %dma_start3A_58 = arith.constant 0 : i32
        %dma_start3A_59 = arith.constant 0 : i32
        %dma_start3A_60 = tpu.memref_slice %arg7[%dma_start3A_58, %dma_start3A_59] : memref<10240x128xf32, #tpu.memory_space<vmem_shared>> -> memref<10240x128xf32, #tpu.memory_space<vmem_shared>>
        tpu.enqueue_indirect_dma source(%arg6 : memref<128x128xf32, #tpu.memory_space<vmem>>) target(%dma_start3A_60 : memref<10240x128xf32, #tpu.memory_space<vmem_shared>>) offsets(%dma_start3A_57 : memref<128xi32, #tpu.memory_space<vmem>>) semaphore(%run_scoped3A : memref<!tpu.dma_semaphore, #tpu.memory_space<semaphore_mem>>) {add = true}
        %dma_wait3A = arith.constant 0 : i32
        %dma_wait3A_61 = tpu.memref_slice %arg5[%add3A_55, %dma_wait3A] : memref<160x128xi32, #tpu.memory_space<vmem>> -> memref<1x128xi32, #tpu.memory_space<vmem>>
        %dma_wait3A_62 = tpu.memref_squeeze %dma_wait3A_61 : memref<1x128xi32, #tpu.memory_space<vmem>> -> memref<128xi32, #tpu.memory_space<vmem>>
        %dma_wait3A_63 = arith.constant 0 : i32
        %dma_wait3A_64 = arith.constant 0 : i32
        %dma_wait3A_65 = tpu.memref_slice %arg7[%dma_wait3A_63, %dma_wait3A_64] : memref<10240x128xf32, #tpu.memory_space<vmem_shared>> -> memref<10240x128xf32, #tpu.memory_space<vmem_shared>>
        tpu.wait_indirect_dma semaphore(%run_scoped3A : memref<!tpu.dma_semaphore, #tpu.memory_space<semaphore_mem>>) src(%arg6 : memref<128x128xf32, #tpu.memory_space<vmem>>) dst(%dma_wait3A_65 : memref<10240x128xf32, #tpu.memory_space<vmem_shared>>)
        tpu.yield
      }) : () -> ()
    }
    %scan3A_27 = arith.constant 80 : i32
    %barrier3A_28 = arith.constant 0 : index
    tpu.barrier barrier_id(%barrier3A_28)
    %add3A_29 = arith.constant 0 : i32
    %add3A_30 = arith.addi %mul3A_2, %add3A_29 : i32
    "tpu.region"() ({
      %run_scoped3A = tpu.sem_alloc : memref<!tpu.dma_semaphore, #tpu.memory_space<semaphore_mem>>
      %dma_start3A = arith.constant 0 : i32
      %dma_start3A_49 = tpu.memref_slice %arg7[%add3A_30, %dma_start3A] : memref<10240x128xf32, #tpu.memory_space<vmem_shared>> -> memref<128x128xf32, #tpu.memory_space<vmem_shared>>
      %dma_start3A_50 = arith.constant 0 : i32
      %dma_start3A_51 = tpu.memref_slice %arg7[%add3A_30, %dma_start3A_50] : memref<10240x128xf32, #tpu.memory_space<vmem_shared>> -> memref<128x128xf32, #tpu.memory_space<vmem_shared>>
      tpu.enqueue_dma source(%dma_start3A_51 : memref<128x128xf32, #tpu.memory_space<vmem_shared>>) target(%arg6 : memref<128x128xf32, #tpu.memory_space<vmem>>) target_semaphore(%run_scoped3A : memref<!tpu.dma_semaphore, #tpu.memory_space<semaphore_mem>>)
      %dma_wait3A = arith.constant 0 : i32
      %dma_wait3A_52 = tpu.memref_slice %arg7[%add3A_30, %dma_wait3A] : memref<10240x128xf32, #tpu.memory_space<vmem_shared>> -> memref<128x128xf32, #tpu.memory_space<vmem_shared>>
      %dma_wait3A_53 = arith.constant 0 : i32
      %dma_wait3A_54 = tpu.memref_slice %arg7[%add3A_30, %dma_wait3A_53] : memref<10240x128xf32, #tpu.memory_space<vmem_shared>> -> memref<128x128xf32, #tpu.memory_space<vmem_shared>>
      tpu.wait_dma2 semaphore(%run_scoped3A : memref<!tpu.dma_semaphore, #tpu.memory_space<semaphore_mem>>) src(%dma_wait3A_54 : memref<128x128xf32, #tpu.memory_space<vmem_shared>>) dst(%arg6 : memref<128x128xf32, #tpu.memory_space<vmem>>)
      tpu.yield
    }) : () -> ()
    %add3A_31 = arith.constant 0 : i32
    %add3A_32 = arith.addi %mul3A_2, %add3A_31 : i32
    "tpu.region"() ({
      %run_scoped3A = tpu.sem_alloc : memref<!tpu.dma_semaphore, #tpu.memory_space<semaphore_mem>>
      %dma_start3A = arith.constant 0 : i32
      %dma_start3A_49 = tpu.memref_slice %arg4[%arg0, %add3A_32, %dma_start3A] : memref<2x10240x128xf32, #tpu.memory_space<hbm>> -> memref<1x128x128xf32, #tpu.memory_space<hbm>>
      %dma_start3A_50 = tpu.memref_squeeze %dma_start3A_49 : memref<1x128x128xf32, #tpu.memory_space<hbm>> -> memref<128x128xf32, #tpu.memory_space<hbm>>
      %dma_start3A_51 = arith.constant 0 : i32
      %dma_start3A_52 = tpu.memref_slice %arg4[%arg0, %add3A_32, %dma_start3A_51] : memref<2x10240x128xf32, #tpu.memory_space<hbm>> -> memref<1x128x128xf32, #tpu.memory_space<hbm>>
      %dma_start3A_53 = tpu.memref_squeeze %dma_start3A_52 : memref<1x128x128xf32, #tpu.memory_space<hbm>> -> memref<128x128xf32, #tpu.memory_space<hbm>>
      tpu.enqueue_dma source(%arg6 : memref<128x128xf32, #tpu.memory_space<vmem>>) target(%dma_start3A_53 : memref<128x128xf32, #tpu.memory_space<hbm>>) target_semaphore(%run_scoped3A : memref<!tpu.dma_semaphore, #tpu.memory_space<semaphore_mem>>)
      %dma_wait3A = arith.constant 0 : i32
      %dma_wait3A_54 = tpu.memref_slice %arg4[%arg0, %add3A_32, %dma_wait3A] : memref<2x10240x128xf32, #tpu.memory_space<hbm>> -> memref<1x128x128xf32, #tpu.memory_space<hbm>>
      %dma_wait3A_55 = tpu.memref_squeeze %dma_wait3A_54 : memref<1x128x128xf32, #tpu.memory_space<hbm>> -> memref<128x128xf32, #tpu.memory_space<hbm>>
      %dma_wait3A_56 = arith.constant 0 : i32
      %dma_wait3A_57 = tpu.memref_slice %arg4[%arg0, %add3A_32, %dma_wait3A_56] : memref<2x10240x128xf32, #tpu.memory_space<hbm>> -> memref<1x128x128xf32, #tpu.memory_space<hbm>>
      %dma_wait3A_58 = tpu.memref_squeeze %dma_wait3A_57 : memref<1x128x128xf32, #tpu.memory_space<hbm>> -> memref<128x128xf32, #tpu.memory_space<hbm>>
      tpu.wait_dma2 semaphore(%run_scoped3A : memref<!tpu.dma_semaphore, #tpu.memory_space<semaphore_mem>>) src(%arg6 : memref<128x128xf32, #tpu.memory_space<vmem>>) dst(%dma_wait3A_58 : memref<128x128xf32, #tpu.memory_space<hbm>>)
      tpu.yield
    }) : () -> ()
    %add3A_33 = arith.constant 128 : i32
    %add3A_34 = arith.addi %mul3A_2, %add3A_33 : i32
    "tpu.region"() ({
      %run_scoped3A = tpu.sem_alloc : memref<!tpu.dma_semaphore, #tpu.memory_space<semaphore_mem>>
      %dma_start3A = arith.constant 0 : i32
      %dma_start3A_49 = tpu.memref_slice %arg7[%add3A_34, %dma_start3A] : memref<10240x128xf32, #tpu.memory_space<vmem_shared>> -> memref<128x128xf32, #tpu.memory_space<vmem_shared>>
      %dma_start3A_50 = arith.constant 0 : i32
      %dma_start3A_51 = tpu.memref_slice %arg7[%add3A_34, %dma_start3A_50] : memref<10240x128xf32, #tpu.memory_space<vmem_shared>> -> memref<128x128xf32, #tpu.memory_space<vmem_shared>>
      tpu.enqueue_dma source(%dma_start3A_51 : memref<128x128xf32, #tpu.memory_space<vmem_shared>>) target(%arg6 : memref<128x128xf32, #tpu.memory_space<vmem>>) target_semaphore(%run_scoped3A : memref<!tpu.dma_semaphore, #tpu.memory_space<semaphore_mem>>)
      %dma_wait3A = arith.constant 0 : i32
      %dma_wait3A_52 = tpu.memref_slice %arg7[%add3A_34, %dma_wait3A] : memref<10240x128xf32, #tpu.memory_space<vmem_shared>> -> memref<128x128xf32, #tpu.memory_space<vmem_shared>>
      %dma_wait3A_53 = arith.constant 0 : i32
      %dma_wait3A_54 = tpu.memref_slice %arg7[%add3A_34, %dma_wait3A_53] : memref<10240x128xf32, #tpu.memory_space<vmem_shared>> -> memref<128x128xf32, #tpu.memory_space<vmem_shared>>
      tpu.wait_dma2 semaphore(%run_scoped3A : memref<!tpu.dma_semaphore, #tpu.memory_space<semaphore_mem>>) src(%dma_wait3A_54 : memref<128x128xf32, #tpu.memory_space<vmem_shared>>) dst(%arg6 : memref<128x128xf32, #tpu.memory_space<vmem>>)
      tpu.yield
    }) : () -> ()
    %add3A_35 = arith.constant 128 : i32
    %add3A_36 = arith.addi %mul3A_2, %add3A_35 : i32
    "tpu.region"() ({
      %run_scoped3A = tpu.sem_alloc : memref<!tpu.dma_semaphore, #tpu.memory_space<semaphore_mem>>
      %dma_start3A = arith.constant 0 : i32
      %dma_start3A_49 = tpu.memref_slice %arg4[%arg0, %add3A_36, %dma_start3A] : memref<2x10240x128xf32, #tpu.memory_space<hbm>> -> memref<1x128x128xf32, #tpu.memory_space<hbm>>
      %dma_start3A_50 = tpu.memref_squeeze %dma_start3A_49 : memref<1x128x128xf32, #tpu.memory_space<hbm>> -> memref<128x128xf32, #tpu.memory_space<hbm>>
      %dma_start3A_51 = arith.constant 0 : i32
      %dma_start3A_52 = tpu.memref_slice %arg4[%arg0, %add3A_36, %dma_start3A_51] : memref<2x10240x128xf32, #tpu.memory_space<hbm>> -> memref<1x128x128xf32, #tpu.memory_space<hbm>>
      %dma_start3A_53 = tpu.memref_squeeze %dma_start3A_52 : memref<1x128x128xf32, #tpu.memory_space<hbm>> -> memref<128x128xf32, #tpu.memory_space<hbm>>
      tpu.enqueue_dma source(%arg6 : memref<128x128xf32, #tpu.memory_space<vmem>>) target(%dma_start3A_53 : memref<128x128xf32, #tpu.memory_space<hbm>>) target_semaphore(%run_scoped3A : memref<!tpu.dma_semaphore, #tpu.memory_space<semaphore_mem>>)
      %dma_wait3A = arith.constant 0 : i32
      %dma_wait3A_54 = tpu.memref_slice %arg4[%arg0, %add3A_36, %dma_wait3A] : memref<2x10240x128xf32, #tpu.memory_space<hbm>> -> memref<1x128x128xf32, #tpu.memory_space<hbm>>
      %dma_wait3A_55 = tpu.memref_squeeze %dma_wait3A_54 : memref<1x128x128xf32, #tpu.memory_space<hbm>> -> memref<128x128xf32, #tpu.memory_space<hbm>>
      %dma_wait3A_56 = arith.constant 0 : i32
      %dma_wait3A_57 = tpu.memref_slice %arg4[%arg0, %add3A_36, %dma_wait3A_56] : memref<2x10240x128xf32, #tpu.memory_space<hbm>> -> memref<1x128x128xf32, #tpu.memory_space<hbm>>
      %dma_wait3A_58 = tpu.memref_squeeze %dma_wait3A_57 : memref<1x128x128xf32, #tpu.memory_space<hbm>> -> memref<128x128xf32, #tpu.memory_space<hbm>>
      tpu.wait_dma2 semaphore(%run_scoped3A : memref<!tpu.dma_semaphore, #tpu.memory_space<semaphore_mem>>) src(%arg6 : memref<128x128xf32, #tpu.memory_space<vmem>>) dst(%dma_wait3A_58 : memref<128x128xf32, #tpu.memory_space<hbm>>)
      tpu.yield
    }) : () -> ()
    %add3A_37 = arith.constant 256 : i32
    %add3A_38 = arith.addi %mul3A_2, %add3A_37 : i32
    "tpu.region"() ({
      %run_scoped3A = tpu.sem_alloc : memref<!tpu.dma_semaphore, #tpu.memory_space<semaphore_mem>>
      %dma_start3A = arith.constant 0 : i32
      %dma_start3A_49 = tpu.memref_slice %arg7[%add3A_38, %dma_start3A] : memref<10240x128xf32, #tpu.memory_space<vmem_shared>> -> memref<128x128xf32, #tpu.memory_space<vmem_shared>>
      %dma_start3A_50 = arith.constant 0 : i32
      %dma_start3A_51 = tpu.memref_slice %arg7[%add3A_38, %dma_start3A_50] : memref<10240x128xf32, #tpu.memory_space<vmem_shared>> -> memref<128x128xf32, #tpu.memory_space<vmem_shared>>
      tpu.enqueue_dma source(%dma_start3A_51 : memref<128x128xf32, #tpu.memory_space<vmem_shared>>) target(%arg6 : memref<128x128xf32, #tpu.memory_space<vmem>>) target_semaphore(%run_scoped3A : memref<!tpu.dma_semaphore, #tpu.memory_space<semaphore_mem>>)
      %dma_wait3A = arith.constant 0 : i32
      %dma_wait3A_52 = tpu.memref_slice %arg7[%add3A_38, %dma_wait3A] : memref<10240x128xf32, #tpu.memory_space<vmem_shared>> -> memref<128x128xf32, #tpu.memory_space<vmem_shared>>
      %dma_wait3A_53 = arith.constant 0 : i32
      %dma_wait3A_54 = tpu.memref_slice %arg7[%add3A_38, %dma_wait3A_53] : memref<10240x128xf32, #tpu.memory_space<vmem_shared>> -> memref<128x128xf32, #tpu.memory_space<vmem_shared>>
      tpu.wait_dma2 semaphore(%run_scoped3A : memref<!tpu.dma_semaphore, #tpu.memory_space<semaphore_mem>>) src(%dma_wait3A_54 : memref<128x128xf32, #tpu.memory_space<vmem_shared>>) dst(%arg6 : memref<128x128xf32, #tpu.memory_space<vmem>>)
      tpu.yield
    }) : () -> ()
    %add3A_39 = arith.constant 256 : i32
    %add3A_40 = arith.addi %mul3A_2, %add3A_39 : i32
    "tpu.region"() ({
      %run_scoped3A = tpu.sem_alloc : memref<!tpu.dma_semaphore, #tpu.memory_space<semaphore_mem>>
      %dma_start3A = arith.constant 0 : i32
      %dma_start3A_49 = tpu.memref_slice %arg4[%arg0, %add3A_40, %dma_start3A] : memref<2x10240x128xf32, #tpu.memory_space<hbm>> -> memref<1x128x128xf32, #tpu.memory_space<hbm>>
      %dma_start3A_50 = tpu.memref_squeeze %dma_start3A_49 : memref<1x128x128xf32, #tpu.memory_space<hbm>> -> memref<128x128xf32, #tpu.memory_space<hbm>>
      %dma_start3A_51 = arith.constant 0 : i32
      %dma_start3A_52 = tpu.memref_slice %arg4[%arg0, %add3A_40, %dma_start3A_51] : memref<2x10240x128xf32, #tpu.memory_space<hbm>> -> memref<1x128x128xf32, #tpu.memory_space<hbm>>
      %dma_start3A_53 = tpu.memref_squeeze %dma_start3A_52 : memref<1x128x128xf32, #tpu.memory_space<hbm>> -> memref<128x128xf32, #tpu.memory_space<hbm>>
      tpu.enqueue_dma source(%arg6 : memref<128x128xf32, #tpu.memory_space<vmem>>) target(%dma_start3A_53 : memref<128x128xf32, #tpu.memory_space<hbm>>) target_semaphore(%run_scoped3A : memref<!tpu.dma_semaphore, #tpu.memory_space<semaphore_mem>>)
      %dma_wait3A = arith.constant 0 : i32
      %dma_wait3A_54 = tpu.memref_slice %arg4[%arg0, %add3A_40, %dma_wait3A] : memref<2x10240x128xf32, #tpu.memory_space<hbm>> -> memref<1x128x128xf32, #tpu.memory_space<hbm>>
      %dma_wait3A_55 = tpu.memref_squeeze %dma_wait3A_54 : memref<1x128x128xf32, #tpu.memory_space<hbm>> -> memref<128x128xf32, #tpu.memory_space<hbm>>
      %dma_wait3A_56 = arith.constant 0 : i32
      %dma_wait3A_57 = tpu.memref_slice %arg4[%arg0, %add3A_40, %dma_wait3A_56] : memref<2x10240x128xf32, #tpu.memory_space<hbm>> -> memref<1x128x128xf32, #tpu.memory_space<hbm>>
      %dma_wait3A_58 = tpu.memref_squeeze %dma_wait3A_57 : memref<1x128x128xf32, #tpu.memory_space<hbm>> -> memref<128x128xf32, #tpu.memory_space<hbm>>
      tpu.wait_dma2 semaphore(%run_scoped3A : memref<!tpu.dma_semaphore, #tpu.memory_space<semaphore_mem>>) src(%arg6 : memref<128x128xf32, #tpu.memory_space<vmem>>) dst(%dma_wait3A_58 : memref<128x128xf32, #tpu.memory_space<hbm>>)
      tpu.yield
    }) : () -> ()
    %add3A_41 = arith.constant 384 : i32
    %add3A_42 = arith.addi %mul3A_2, %add3A_41 : i32
    "tpu.region"() ({
      %run_scoped3A = tpu.sem_alloc : memref<!tpu.dma_semaphore, #tpu.memory_space<semaphore_mem>>
      %dma_start3A = arith.constant 0 : i32
      %dma_start3A_49 = tpu.memref_slice %arg7[%add3A_42, %dma_start3A] : memref<10240x128xf32, #tpu.memory_space<vmem_shared>> -> memref<128x128xf32, #tpu.memory_space<vmem_shared>>
      %dma_start3A_50 = arith.constant 0 : i32
      %dma_start3A_51 = tpu.memref_slice %arg7[%add3A_42, %dma_start3A_50] : memref<10240x128xf32, #tpu.memory_space<vmem_shared>> -> memref<128x128xf32, #tpu.memory_space<vmem_shared>>
      tpu.enqueue_dma source(%dma_start3A_51 : memref<128x128xf32, #tpu.memory_space<vmem_shared>>) target(%arg6 : memref<128x128xf32, #tpu.memory_space<vmem>>) target_semaphore(%run_scoped3A : memref<!tpu.dma_semaphore, #tpu.memory_space<semaphore_mem>>)
      %dma_wait3A = arith.constant 0 : i32
      %dma_wait3A_52 = tpu.memref_slice %arg7[%add3A_42, %dma_wait3A] : memref<10240x128xf32, #tpu.memory_space<vmem_shared>> -> memref<128x128xf32, #tpu.memory_space<vmem_shared>>
      %dma_wait3A_53 = arith.constant 0 : i32
      %dma_wait3A_54 = tpu.memref_slice %arg7[%add3A_42, %dma_wait3A_53] : memref<10240x128xf32, #tpu.memory_space<vmem_shared>> -> memref<128x128xf32, #tpu.memory_space<vmem_shared>>
      tpu.wait_dma2 semaphore(%run_scoped3A : memref<!tpu.dma_semaphore, #tpu.memory_space<semaphore_mem>>) src(%dma_wait3A_54 : memref<128x128xf32, #tpu.memory_space<vmem_shared>>) dst(%arg6 : memref<128x128xf32, #tpu.memory_space<vmem>>)
      tpu.yield
    }) : () -> ()
    %add3A_43 = arith.constant 384 : i32
    %add3A_44 = arith.addi %mul3A_2, %add3A_43 : i32
    "tpu.region"() ({
      %run_scoped3A = tpu.sem_alloc : memref<!tpu.dma_semaphore, #tpu.memory_space<semaphore_mem>>
      %dma_start3A = arith.constant 0 : i32
      %dma_start3A_49 = tpu.memref_slice %arg4[%arg0, %add3A_44, %dma_start3A] : memref<2x10240x128xf32, #tpu.memory_space<hbm>> -> memref<1x128x128xf32, #tpu.memory_space<hbm>>
      %dma_start3A_50 = tpu.memref_squeeze %dma_start3A_49 : memref<1x128x128xf32, #tpu.memory_space<hbm>> -> memref<128x128xf32, #tpu.memory_space<hbm>>
      %dma_start3A_51 = arith.constant 0 : i32
      %dma_start3A_52 = tpu.memref_slice %arg4[%arg0, %add3A_44, %dma_start3A_51] : memref<2x10240x128xf32, #tpu.memory_space<hbm>> -> memref<1x128x128xf32, #tpu.memory_space<hbm>>
      %dma_start3A_53 = tpu.memref_squeeze %dma_start3A_52 : memref<1x128x128xf32, #tpu.memory_space<hbm>> -> memref<128x128xf32, #tpu.memory_space<hbm>>
      tpu.enqueue_dma source(%arg6 : memref<128x128xf32, #tpu.memory_space<vmem>>) target(%dma_start3A_53 : memref<128x128xf32, #tpu.memory_space<hbm>>) target_semaphore(%run_scoped3A : memref<!tpu.dma_semaphore, #tpu.memory_space<semaphore_mem>>)
      %dma_wait3A = arith.constant 0 : i32
      %dma_wait3A_54 = tpu.memref_slice %arg4[%arg0, %add3A_44, %dma_wait3A] : memref<2x10240x128xf32, #tpu.memory_space<hbm>> -> memref<1x128x128xf32, #tpu.memory_space<hbm>>
      %dma_wait3A_55 = tpu.memref_squeeze %dma_wait3A_54 : memref<1x128x128xf32, #tpu.memory_space<hbm>> -> memref<128x128xf32, #tpu.memory_space<hbm>>
      %dma_wait3A_56 = arith.constant 0 : i32
      %dma_wait3A_57 = tpu.memref_slice %arg4[%arg0, %add3A_44, %dma_wait3A_56] : memref<2x10240x128xf32, #tpu.memory_space<hbm>> -> memref<1x128x128xf32, #tpu.memory_space<hbm>>
      %dma_wait3A_58 = tpu.memref_squeeze %dma_wait3A_57 : memref<1x128x128xf32, #tpu.memory_space<hbm>> -> memref<128x128xf32, #tpu.memory_space<hbm>>
      tpu.wait_dma2 semaphore(%run_scoped3A : memref<!tpu.dma_semaphore, #tpu.memory_space<semaphore_mem>>) src(%arg6 : memref<128x128xf32, #tpu.memory_space<vmem>>) dst(%dma_wait3A_58 : memref<128x128xf32, #tpu.memory_space<hbm>>)
      tpu.yield
    }) : () -> ()
    %add3A_45 = arith.constant 512 : i32
    %add3A_46 = arith.addi %mul3A_2, %add3A_45 : i32
    "tpu.region"() ({
      %run_scoped3A = tpu.sem_alloc : memref<!tpu.dma_semaphore, #tpu.memory_space<semaphore_mem>>
      %dma_start3A = arith.constant 0 : i32
      %dma_start3A_49 = tpu.memref_slice %arg7[%add3A_46, %dma_start3A] : memref<10240x128xf32, #tpu.memory_space<vmem_shared>> -> memref<128x128xf32, #tpu.memory_space<vmem_shared>>
      %dma_start3A_50 = arith.constant 0 : i32
      %dma_start3A_51 = tpu.memref_slice %arg7[%add3A_46, %dma_start3A_50] : memref<10240x128xf32, #tpu.memory_space<vmem_shared>> -> memref<128x128xf32, #tpu.memory_space<vmem_shared>>
      tpu.enqueue_dma source(%dma_start3A_51 : memref<128x128xf32, #tpu.memory_space<vmem_shared>>) target(%arg6 : memref<128x128xf32, #tpu.memory_space<vmem>>) target_semaphore(%run_scoped3A : memref<!tpu.dma_semaphore, #tpu.memory_space<semaphore_mem>>)
      %dma_wait3A = arith.constant 0 : i32
      %dma_wait3A_52 = tpu.memref_slice %arg7[%add3A_46, %dma_wait3A] : memref<10240x128xf32, #tpu.memory_space<vmem_shared>> -> memref<128x128xf32, #tpu.memory_space<vmem_shared>>
      %dma_wait3A_53 = arith.constant 0 : i32
      %dma_wait3A_54 = tpu.memref_slice %arg7[%add3A_46, %dma_wait3A_53] : memref<10240x128xf32, #tpu.memory_space<vmem_shared>> -> memref<128x128xf32, #tpu.memory_space<vmem_shared>>
      tpu.wait_dma2 semaphore(%run_scoped3A : memref<!tpu.dma_semaphore, #tpu.memory_space<semaphore_mem>>) src(%dma_wait3A_54 : memref<128x128xf32, #tpu.memory_space<vmem_shared>>) dst(%arg6 : memref<128x128xf32, #tpu.memory_space<vmem>>)
      tpu.yield
    }) : () -> ()
    %add3A_47 = arith.constant 512 : i32
    %add3A_48 = arith.addi %mul3A_2, %add3A_47 : i32
    "tpu.region"() ({
      %run_scoped3A = tpu.sem_alloc : memref<!tpu.dma_semaphore, #tpu.memory_space<semaphore_mem>>
      %dma_start3A = arith.constant 0 : i32
      %dma_start3A_49 = tpu.memref_slice %arg4[%arg0, %add3A_48, %dma_start3A] : memref<2x10240x128xf32, #tpu.memory_space<hbm>> -> memref<1x128x128xf32, #tpu.memory_space<hbm>>
      %dma_start3A_50 = tpu.memref_squeeze %dma_start3A_49 : memref<1x128x128xf32, #tpu.memory_space<hbm>> -> memref<128x128xf32, #tpu.memory_space<hbm>>
      %dma_start3A_51 = arith.constant 0 : i32
      %dma_start3A_52 = tpu.memref_slice %arg4[%arg0, %add3A_48, %dma_start3A_51] : memref<2x10240x128xf32, #tpu.memory_space<hbm>> -> memref<1x128x128xf32, #tpu.memory_space<hbm>>
      %dma_start3A_53 = tpu.memref_squeeze %dma_start3A_52 : memref<1x128x128xf32, #tpu.memory_space<hbm>> -> memref<128x128xf32, #tpu.memory_space<hbm>>
      tpu.enqueue_dma source(%arg6 : memref<128x128xf32, #tpu.memory_space<vmem>>) target(%dma_start3A_53 : memref<128x128xf32, #tpu.memory_space<hbm>>) target_semaphore(%run_scoped3A : memref<!tpu.dma_semaphore, #tpu.memory_space<semaphore_mem>>)
      %dma_wait3A = arith.constant 0 : i32
      %dma_wait3A_54 = tpu.memref_slice %arg4[%arg0, %add3A_48, %dma_wait3A] : memref<2x10240x128xf32, #tpu.memory_space<hbm>> -> memref<1x128x128xf32, #tpu.memory_space<hbm>>
      %dma_wait3A_55 = tpu.memref_squeeze %dma_wait3A_54 : memref<1x128x128xf32, #tpu.memory_space<hbm>> -> memref<128x128xf32, #tpu.memory_space<hbm>>
      %dma_wait3A_56 = arith.constant 0 : i32
      %dma_wait3A_57 = tpu.memref_slice %arg4[%arg0, %add3A_48, %dma_wait3A_56] : memref<2x10240x128xf32, #tpu.memory_space<hbm>> -> memref<1x128x128xf32, #tpu.memory_space<hbm>>
      %dma_wait3A_58 = tpu.memref_squeeze %dma_wait3A_57 : memref<1x128x128xf32, #tpu.memory_space<hbm>> -> memref<128x128xf32, #tpu.memory_space<hbm>>
      tpu.wait_dma2 semaphore(%run_scoped3A : memref<!tpu.dma_semaphore, #tpu.memory_space<semaphore_mem>>) src(%arg6 : memref<128x128xf32, #tpu.memory_space<vmem>>) dst(%dma_wait3A_58 : memref<128x128xf32, #tpu.memory_space<hbm>>)
      tpu.yield
    }) : () -> ()
    return
  }
}

#map = affine_map<(d0, d1) -> (0, 0)>
#map1 = affine_map<(d0, d1) -> (0)>
module attributes {stable_mosaic.version = 14 : i64} {
  func.func @_deg_kernel(%arg0: i32, %arg1: i32, %arg2: memref<2560x128xi32, #tpu.memory_space<hbm>>, %arg3: memref<20480xf32, #tpu.memory_space<hbm>>, %arg4: memref<80x128xi32, #tpu.memory_space<vmem>>, %arg5: memref<128xf32, #tpu.memory_space<vmem>>, %arg6: memref<640xf32, #tpu.memory_space<vmem>>, %arg7: memref<10240xf32, #tpu.memory_space<vmem_shared>>) attributes {dimension_semantics = [#tpu.dimension_semantics<core_parallel>, #tpu.dimension_semantics<subcore_parallel>], iteration_bounds = array<i64: 2, 16>, scalar_prefetch = 0 : i64, scratch_operands = 4 : i64, tpu.core_type = #tpu.core_type<sc_vector_subcore>, window_params = [{transform_indices = #map}, {transform_indices = #map1}]} {
    %mul3A = arith.constant 16 : i32
    %mul3A_0 = arith.muli %arg0, %mul3A : i32
    %add3A = arith.addi %mul3A_0, %arg1 : i32
    %scan3A = arith.constant 0 : i32
    %scan3A_1 = arith.constant 0 : i32
    %scan3A_2 = arith.constant 40 : i32
    %scan3A_3 = arith.addi %scan3A_1, %scan3A_2 : i32
    %scan3A_4 = arith.constant 1 : i32
    scf.for %scan3A_30 = %scan3A_1 to %scan3A_3 step %scan3A_4  : i32 {
      %broadcast_in_dim3A = arith.constant 0.000000e+00 : f32
      %broadcast_in_dim3A_31 = vector.broadcast %broadcast_in_dim3A : f32 to vector<16xf32>
      %mul3A_32 = arith.constant 16 : i32
      %mul3A_33 = arith.muli %scan3A_30, %mul3A_32 : i32
      %swap3A = arith.index_cast %mul3A_33 : i32 to index
      %swap3A_34 = tpu.vector_load %arg6[%swap3A] {strides = array<i32>} : memref<640xf32, #tpu.memory_space<vmem>>, vector<16xf32>,
      %swap3A_35 = vector.shape_cast %swap3A_34 : vector<16xf32> to vector<16xf32>
      %swap3A_36 = vector.shape_cast %broadcast_in_dim3A_31 : vector<16xf32> to vector<16xf32>
      tpu.vector_store %arg6[%swap3A], %swap3A_36 {strides = array<i32>} : memref<640xf32, #tpu.memory_space<vmem>>, vector<16xf32>,
    }
    %scan3A_5 = arith.constant 40 : i32
    %scan3A_6 = arith.constant 0 : i32
    %scan3A_7 = arith.constant 0 : i32
    %scan3A_8 = arith.constant 8 : i32
    %scan3A_9 = arith.addi %scan3A_7, %scan3A_8 : i32
    %scan3A_10 = arith.constant 1 : i32
    scf.for %scan3A_30 = %scan3A_7 to %scan3A_9 step %scan3A_10  : i32 {
      %broadcast_in_dim3A = arith.constant 1.000000e+00 : f32
      %broadcast_in_dim3A_31 = vector.broadcast %broadcast_in_dim3A : f32 to vector<16xf32>
      %mul3A_32 = arith.constant 16 : i32
      %mul3A_33 = arith.muli %scan3A_30, %mul3A_32 : i32
      %swap3A = arith.index_cast %mul3A_33 : i32 to index
      %swap3A_34 = tpu.vector_load %arg5[%swap3A] {strides = array<i32>} : memref<128xf32, #tpu.memory_space<vmem>>, vector<16xf32>,
      %swap3A_35 = vector.shape_cast %swap3A_34 : vector<16xf32> to vector<16xf32>
      %swap3A_36 = vector.shape_cast %broadcast_in_dim3A_31 : vector<16xf32> to vector<16xf32>
      tpu.vector_store %arg5[%swap3A], %swap3A_36 {strides = array<i32>} : memref<128xf32, #tpu.memory_space<vmem>>, vector<16xf32>,
    }
    %scan3A_11 = arith.constant 8 : i32
    %mul3A_12 = arith.constant 80 : i32
    %mul3A_13 = arith.muli %add3A, %mul3A_12 : i32
    "tpu.region"() ({
      %run_scoped3A = tpu.sem_alloc : memref<!tpu.dma_semaphore, #tpu.memory_space<semaphore_mem>>
      %dma_start3A = arith.constant 0 : i32
      %dma_start3A_30 = tpu.memref_slice %arg2[%mul3A_13, %dma_start3A] : memref<2560x128xi32, #tpu.memory_space<hbm>> -> memref<80x128xi32, #tpu.memory_space<hbm>>
      %dma_start3A_31 = arith.constant 0 : i32
      %dma_start3A_32 = tpu.memref_slice %arg2[%mul3A_13, %dma_start3A_31] : memref<2560x128xi32, #tpu.memory_space<hbm>> -> memref<80x128xi32, #tpu.memory_space<hbm>>
      tpu.enqueue_dma source(%dma_start3A_32 : memref<80x128xi32, #tpu.memory_space<hbm>>) target(%arg4 : memref<80x128xi32, #tpu.memory_space<vmem>>) target_semaphore(%run_scoped3A : memref<!tpu.dma_semaphore, #tpu.memory_space<semaphore_mem>>)
      %dma_wait3A = arith.constant 0 : i32
      %dma_wait3A_33 = tpu.memref_slice %arg2[%mul3A_13, %dma_wait3A] : memref<2560x128xi32, #tpu.memory_space<hbm>> -> memref<80x128xi32, #tpu.memory_space<hbm>>
      %dma_wait3A_34 = arith.constant 0 : i32
      %dma_wait3A_35 = tpu.memref_slice %arg2[%mul3A_13, %dma_wait3A_34] : memref<2560x128xi32, #tpu.memory_space<hbm>> -> memref<80x128xi32, #tpu.memory_space<hbm>>
      tpu.wait_dma2 semaphore(%run_scoped3A : memref<!tpu.dma_semaphore, #tpu.memory_space<semaphore_mem>>) src(%dma_wait3A_35 : memref<80x128xi32, #tpu.memory_space<hbm>>) dst(%arg4 : memref<80x128xi32, #tpu.memory_space<vmem>>)
      tpu.yield
    }) : () -> ()
    %mul3A_14 = arith.constant 640 : i32
    %mul3A_15 = arith.muli %arg1, %mul3A_14 : i32
    "tpu.region"() ({
      %run_scoped3A = tpu.sem_alloc : memref<!tpu.dma_semaphore, #tpu.memory_space<semaphore_mem>>
      %dma_start3A = tpu.memref_slice %arg7[%mul3A_15] : memref<10240xf32, #tpu.memory_space<vmem_shared>> -> memref<640xf32, #tpu.memory_space<vmem_shared>>
      %dma_start3A_30 = tpu.memref_slice %arg7[%mul3A_15] : memref<10240xf32, #tpu.memory_space<vmem_shared>> -> memref<640xf32, #tpu.memory_space<vmem_shared>>
      tpu.enqueue_dma source(%arg6 : memref<640xf32, #tpu.memory_space<vmem>>) target(%dma_start3A_30 : memref<640xf32, #tpu.memory_space<vmem_shared>>) target_semaphore(%run_scoped3A : memref<!tpu.dma_semaphore, #tpu.memory_space<semaphore_mem>>)
      %dma_wait3A = tpu.memref_slice %arg7[%mul3A_15] : memref<10240xf32, #tpu.memory_space<vmem_shared>> -> memref<640xf32, #tpu.memory_space<vmem_shared>>
      %dma_wait3A_31 = tpu.memref_slice %arg7[%mul3A_15] : memref<10240xf32, #tpu.memory_space<vmem_shared>> -> memref<640xf32, #tpu.memory_space<vmem_shared>>
      tpu.wait_dma2 semaphore(%run_scoped3A : memref<!tpu.dma_semaphore, #tpu.memory_space<semaphore_mem>>) src(%arg6 : memref<640xf32, #tpu.memory_space<vmem>>) dst(%dma_wait3A_31 : memref<640xf32, #tpu.memory_space<vmem_shared>>)
      tpu.yield
    }) : () -> ()
    %barrier3A = arith.constant 0 : index
    tpu.barrier barrier_id(%barrier3A)
    %scan3A_16 = arith.constant 0 : i32
    %scan3A_17 = arith.constant 0 : i32
    %scan3A_18 = arith.constant 80 : i32
    %scan3A_19 = arith.addi %scan3A_17, %scan3A_18 : i32
    %scan3A_20 = arith.constant 1 : i32
    scf.for %scan3A_30 = %scan3A_17 to %scan3A_19 step %scan3A_20  : i32 {
      "tpu.region"() ({
        %run_scoped3A = tpu.sem_alloc : memref<!tpu.dma_semaphore, #tpu.memory_space<semaphore_mem>>
        %dma_start3A = arith.constant 0 : i32
        %dma_start3A_31 = tpu.memref_slice %arg4[%scan3A_30, %dma_start3A] : memref<80x128xi32, #tpu.memory_space<vmem>> -> memref<1x128xi32, #tpu.memory_space<vmem>>
        %dma_start3A_32 = tpu.memref_squeeze %dma_start3A_31 : memref<1x128xi32, #tpu.memory_space<vmem>> -> memref<128xi32, #tpu.memory_space<vmem>>
        %dma_start3A_33 = arith.constant 0 : i32
        %dma_start3A_34 = tpu.memref_slice %arg7[%dma_start3A_33] : memref<10240xf32, #tpu.memory_space<vmem_shared>> -> memref<10240xf32, #tpu.memory_space<vmem_shared>>
        tpu.enqueue_indirect_dma source(%arg5 : memref<128xf32, #tpu.memory_space<vmem>>) target(%dma_start3A_34 : memref<10240xf32, #tpu.memory_space<vmem_shared>>) offsets(%dma_start3A_32 : memref<128xi32, #tpu.memory_space<vmem>>) semaphore(%run_scoped3A : memref<!tpu.dma_semaphore, #tpu.memory_space<semaphore_mem>>) {add = true}
        %dma_wait3A = arith.constant 0 : i32
        %dma_wait3A_35 = tpu.memref_slice %arg4[%scan3A_30, %dma_wait3A] : memref<80x128xi32, #tpu.memory_space<vmem>> -> memref<1x128xi32, #tpu.memory_space<vmem>>
        %dma_wait3A_36 = tpu.memref_squeeze %dma_wait3A_35 : memref<1x128xi32, #tpu.memory_space<vmem>> -> memref<128xi32, #tpu.memory_space<vmem>>
        %dma_wait3A_37 = arith.constant 0 : i32
        %dma_wait3A_38 = tpu.memref_slice %arg7[%dma_wait3A_37] : memref<10240xf32, #tpu.memory_space<vmem_shared>> -> memref<10240xf32, #tpu.memory_space<vmem_shared>>
        tpu.wait_indirect_dma semaphore(%run_scoped3A : memref<!tpu.dma_semaphore, #tpu.memory_space<semaphore_mem>>) src(%arg5 : memref<128xf32, #tpu.memory_space<vmem>>) dst(%dma_wait3A_38 : memref<10240xf32, #tpu.memory_space<vmem_shared>>)
        tpu.yield
      }) : () -> ()
    }
    %scan3A_21 = arith.constant 80 : i32
    %barrier3A_22 = arith.constant 0 : index
    tpu.barrier barrier_id(%barrier3A_22)
    %mul3A_23 = arith.constant 640 : i32
    %mul3A_24 = arith.muli %arg1, %mul3A_23 : i32
    "tpu.region"() ({
      %run_scoped3A = tpu.sem_alloc : memref<!tpu.dma_semaphore, #tpu.memory_space<semaphore_mem>>
      %dma_start3A = tpu.memref_slice %arg7[%mul3A_24] : memref<10240xf32, #tpu.memory_space<vmem_shared>> -> memref<640xf32, #tpu.memory_space<vmem_shared>>
      %dma_start3A_30 = tpu.memref_slice %arg7[%mul3A_24] : memref<10240xf32, #tpu.memory_space<vmem_shared>> -> memref<640xf32, #tpu.memory_space<vmem_shared>>
      tpu.enqueue_dma source(%dma_start3A_30 : memref<640xf32, #tpu.memory_space<vmem_shared>>) target(%arg6 : memref<640xf32, #tpu.memory_space<vmem>>) target_semaphore(%run_scoped3A : memref<!tpu.dma_semaphore, #tpu.memory_space<semaphore_mem>>)
      %dma_wait3A = tpu.memref_slice %arg7[%mul3A_24] : memref<10240xf32, #tpu.memory_space<vmem_shared>> -> memref<640xf32, #tpu.memory_space<vmem_shared>>
      %dma_wait3A_31 = tpu.memref_slice %arg7[%mul3A_24] : memref<10240xf32, #tpu.memory_space<vmem_shared>> -> memref<640xf32, #tpu.memory_space<vmem_shared>>
      tpu.wait_dma2 semaphore(%run_scoped3A : memref<!tpu.dma_semaphore, #tpu.memory_space<semaphore_mem>>) src(%dma_wait3A_31 : memref<640xf32, #tpu.memory_space<vmem_shared>>) dst(%arg6 : memref<640xf32, #tpu.memory_space<vmem>>)
      tpu.yield
    }) : () -> ()
    %mul3A_25 = arith.constant 10240 : i32
    %mul3A_26 = arith.muli %arg0, %mul3A_25 : i32
    %mul3A_27 = arith.constant 640 : i32
    %mul3A_28 = arith.muli %arg1, %mul3A_27 : i32
    %add3A_29 = arith.addi %mul3A_26, %mul3A_28 : i32
    "tpu.region"() ({
      %run_scoped3A = tpu.sem_alloc : memref<!tpu.dma_semaphore, #tpu.memory_space<semaphore_mem>>
      %dma_start3A = tpu.memref_slice %arg3[%add3A_29] : memref<20480xf32, #tpu.memory_space<hbm>> -> memref<640xf32, #tpu.memory_space<hbm>>
      %dma_start3A_30 = tpu.memref_slice %arg3[%add3A_29] : memref<20480xf32, #tpu.memory_space<hbm>> -> memref<640xf32, #tpu.memory_space<hbm>>
      tpu.enqueue_dma source(%arg6 : memref<640xf32, #tpu.memory_space<vmem>>) target(%dma_start3A_30 : memref<640xf32, #tpu.memory_space<hbm>>) target_semaphore(%run_scoped3A : memref<!tpu.dma_semaphore, #tpu.memory_space<semaphore_mem>>)
      %dma_wait3A = tpu.memref_slice %arg3[%add3A_29] : memref<20480xf32, #tpu.memory_space<hbm>> -> memref<640xf32, #tpu.memory_space<hbm>>
      %dma_wait3A_31 = tpu.memref_slice %arg3[%add3A_29] : memref<20480xf32, #tpu.memory_space<hbm>> -> memref<640xf32, #tpu.memory_space<hbm>>
      tpu.wait_dma2 semaphore(%run_scoped3A : memref<!tpu.dma_semaphore, #tpu.memory_space<semaphore_mem>>) src(%arg6 : memref<640xf32, #tpu.memory_space<vmem>>) dst(%dma_wait3A_31 : memref<640xf32, #tpu.memory_space<hbm>>)
      tpu.yield
    }) : () -> ()
    return
  }
}

#map = affine_map<(d0, d1) -> (0, 0)>
#map1 = affine_map<(d0, d1) -> (0, 0, 0)>
module attributes {stable_mosaic.version = 14 : i64} {
  func.func @_edge_kernel(%arg0: i32, %arg1: i32, %arg2: memref<10000x128xf32, #tpu.memory_space<hbm>>, %arg3: memref<5120x128xi32, #tpu.memory_space<hbm>>, %arg4: memref<2x10240x128xf32, #tpu.memory_space<hbm>>, %arg5: memref<160x128xi32, #tpu.memory_space<vmem>>, %arg6: memref<128x128xf32, #tpu.memory_space<vmem>>, %arg7: memref<10240x128xf32, #tpu.memory_space<vmem_shared>>) attributes {dimension_semantics = [#tpu.dimension_semantics<core_parallel>, #tpu.dimension_semantics<subcore_parallel>], iteration_bounds = array<i64: 2, 16>, scalar_prefetch = 0 : i64, scratch_operands = 3 : i64, tpu.core_type = #tpu.core_type<sc_vector_subcore>, window_params = [{transform_indices = #map}, {transform_indices = #map}, {transform_indices = #map1}]} {
    %mul3A = arith.constant 16 : i32
    %mul3A_0 = arith.muli %arg0, %mul3A : i32
    %add3A = arith.addi %mul3A_0, %arg1 : i32
    %mul3A_1 = arith.constant 640 : i32
    %mul3A_2 = arith.muli %arg1, %mul3A_1 : i32
    %mul3A_3 = arith.constant 80 : i32
    %mul3A_4 = arith.muli %add3A, %mul3A_3 : i32
    %scan3A = arith.constant 0 : i32
    %scan3A_5 = arith.constant 0 : i32
    %scan3A_6 = arith.constant 1024 : i32
    %scan3A_7 = arith.addi %scan3A_5, %scan3A_6 : i32
    %scan3A_8 = arith.constant 1 : i32
    scf.for %scan3A_49 = %scan3A_5 to %scan3A_7 step %scan3A_8  : i32 {
      %broadcast_in_dim3A = arith.constant 0.000000e+00 : f32
      %broadcast_in_dim3A_50 = vector.broadcast %broadcast_in_dim3A : f32 to vector<16xf32>
      %jit3A = arith.constant 8 : i32
      %div3A = arith.divsi %scan3A_49, %jit3A : i32
      %sign3A = arith.constant 0 : i32
      %sign3A_51 = arith.cmpi sgt, %scan3A_49, %sign3A : i32
      %sign3A_52 = arith.extui %sign3A_51 : i1 to i32
      %sign3A_53 = arith.constant 0 : i32
      %sign3A_54 = arith.cmpi slt, %scan3A_49, %sign3A_53 : i32
      %sign3A_55 = arith.extui %sign3A_54 : i1 to i32
      %sign3A_56 = arith.subi %sign3A_52, %sign3A_55 : i32
      %sign3A_57 = arith.constant 0 : i32
      %sign3A_58 = arith.cmpi sgt, %jit3A, %sign3A_57 : i32
      %sign3A_59 = arith.extui %sign3A_58 : i1 to i32
      %sign3A_60 = arith.constant 0 : i32
      %sign3A_61 = arith.cmpi slt, %jit3A, %sign3A_60 : i32
      %sign3A_62 = arith.extui %sign3A_61 : i1 to i32
      %sign3A_63 = arith.subi %sign3A_59, %sign3A_62 : i32
      %ne3A = arith.cmpi ne, %sign3A_56, %sign3A_63 : i32
      %rem3A = arith.remsi %scan3A_49, %jit3A : i32
      %ne3A_64 = arith.constant 0 : i32
      %ne3A_65 = arith.cmpi ne, %rem3A, %ne3A_64 : i32
      %and3A = arith.andi %ne3A, %ne3A_65 : i1
      %sub3A = arith.constant 1 : i32
      %sub3A_66 = arith.subi %div3A, %sub3A : i32
      %select_n3A = arith.select %and3A, %sub3A_66, %div3A : i32
      %jit3A_67 = arith.constant 8 : i32
      %eq3A = arith.constant 0 : i32
      %eq3A_68 = arith.cmpi eq, %jit3A_67, %eq3A : i32
      %jit3A_69 = arith.constant 1 : i32
      %select_n3A_70 = arith.select %eq3A_68, %jit3A_69, %jit3A_67 : i32
      %rem3A_71 = arith.remsi %scan3A_49, %select_n3A_70 : i32
      %ne3A_72 = arith.constant 0 : i32
      %ne3A_73 = arith.cmpi ne, %rem3A_71, %ne3A_72 : i32
      %lt3A = arith.constant 0 : i32
      %lt3A_74 = arith.cmpi slt, %rem3A_71, %lt3A : i32
      %lt3A_75 = arith.constant 0 : i32
      %lt3A_76 = arith.cmpi slt, %select_n3A_70, %lt3A_75 : i32
      %ne3A_77 = arith.xori %lt3A_74, %lt3A_76 : i1
      %and3A_78 = arith.andi %ne3A_77, %ne3A_73 : i1
      %add3A_79 = arith.addi %rem3A_71, %select_n3A_70 : i32
      %select_n3A_80 = arith.select %and3A_78, %add3A_79, %rem3A_71 : i32
      %mul3A_81 = arith.constant 16 : i32
      %mul3A_82 = arith.muli %select_n3A_80, %mul3A_81 : i32
      %swap3A = arith.index_cast %select_n3A : i32 to index
      %swap3A_83 = arith.index_cast %mul3A_82 : i32 to index
      %swap3A_84 = tpu.vector_load %arg6[%swap3A, %swap3A_83] {strides = array<i32>} : memref<128x128xf32, #tpu.memory_space<vmem>>, vector<1x16xf32>,
      %swap3A_85 = vector.shape_cast %swap3A_84 : vector<1x16xf32> to vector<16xf32>
      %swap3A_86 = vector.shape_cast %broadcast_in_dim3A_50 : vector<16xf32> to vector<1x16xf32>
      tpu.vector_store %arg6[%swap3A, %swap3A_83], %swap3A_86 {strides = array<i32>} : memref<128x128xf32, #tpu.memory_space<vmem>>, vector<1x16xf32>,
    }
    %scan3A_9 = arith.constant 1024 : i32
    %add3A_10 = arith.constant 0 : i32
    %add3A_11 = arith.addi %mul3A_2, %add3A_10 : i32
    "tpu.region"() ({
      %run_scoped3A = tpu.sem_alloc : memref<!tpu.dma_semaphore, #tpu.memory_space<semaphore_mem>>
      %dma_start3A = arith.constant 0 : i32
      %dma_start3A_49 = tpu.memref_slice %arg7[%add3A_11, %dma_start3A] : memref<10240x128xf32, #tpu.memory_space<vmem_shared>> -> memref<128x128xf32, #tpu.memory_space<vmem_shared>>
      %dma_start3A_50 = arith.constant 0 : i32
      %dma_start3A_51 = tpu.memref_slice %arg7[%add3A_11, %dma_start3A_50] : memref<10240x128xf32, #tpu.memory_space<vmem_shared>> -> memref<128x128xf32, #tpu.memory_space<vmem_shared>>
      tpu.enqueue_dma source(%arg6 : memref<128x128xf32, #tpu.memory_space<vmem>>) target(%dma_start3A_51 : memref<128x128xf32, #tpu.memory_space<vmem_shared>>) target_semaphore(%run_scoped3A : memref<!tpu.dma_semaphore, #tpu.memory_space<semaphore_mem>>)
      %dma_wait3A = arith.constant 0 : i32
      %dma_wait3A_52 = tpu.memref_slice %arg7[%add3A_11, %dma_wait3A] : memref<10240x128xf32, #tpu.memory_space<vmem_shared>> -> memref<128x128xf32, #tpu.memory_space<vmem_shared>>
      %dma_wait3A_53 = arith.constant 0 : i32
      %dma_wait3A_54 = tpu.memref_slice %arg7[%add3A_11, %dma_wait3A_53] : memref<10240x128xf32, #tpu.memory_space<vmem_shared>> -> memref<128x128xf32, #tpu.memory_space<vmem_shared>>
      tpu.wait_dma2 semaphore(%run_scoped3A : memref<!tpu.dma_semaphore, #tpu.memory_space<semaphore_mem>>) src(%arg6 : memref<128x128xf32, #tpu.memory_space<vmem>>) dst(%dma_wait3A_54 : memref<128x128xf32, #tpu.memory_space<vmem_shared>>)
      tpu.yield
    }) : () -> ()
    %add3A_12 = arith.constant 128 : i32
    %add3A_13 = arith.addi %mul3A_2, %add3A_12 : i32
    "tpu.region"() ({
      %run_scoped3A = tpu.sem_alloc : memref<!tpu.dma_semaphore, #tpu.memory_space<semaphore_mem>>
      %dma_start3A = arith.constant 0 : i32
      %dma_start3A_49 = tpu.memref_slice %arg7[%add3A_13, %dma_start3A] : memref<10240x128xf32, #tpu.memory_space<vmem_shared>> -> memref<128x128xf32, #tpu.memory_space<vmem_shared>>
      %dma_start3A_50 = arith.constant 0 : i32
      %dma_start3A_51 = tpu.memref_slice %arg7[%add3A_13, %dma_start3A_50] : memref<10240x128xf32, #tpu.memory_space<vmem_shared>> -> memref<128x128xf32, #tpu.memory_space<vmem_shared>>
      tpu.enqueue_dma source(%arg6 : memref<128x128xf32, #tpu.memory_space<vmem>>) target(%dma_start3A_51 : memref<128x128xf32, #tpu.memory_space<vmem_shared>>) target_semaphore(%run_scoped3A : memref<!tpu.dma_semaphore, #tpu.memory_space<semaphore_mem>>)
      %dma_wait3A = arith.constant 0 : i32
      %dma_wait3A_52 = tpu.memref_slice %arg7[%add3A_13, %dma_wait3A] : memref<10240x128xf32, #tpu.memory_space<vmem_shared>> -> memref<128x128xf32, #tpu.memory_space<vmem_shared>>
      %dma_wait3A_53 = arith.constant 0 : i32
      %dma_wait3A_54 = tpu.memref_slice %arg7[%add3A_13, %dma_wait3A_53] : memref<10240x128xf32, #tpu.memory_space<vmem_shared>> -> memref<128x128xf32, #tpu.memory_space<vmem_shared>>
      tpu.wait_dma2 semaphore(%run_scoped3A : memref<!tpu.dma_semaphore, #tpu.memory_space<semaphore_mem>>) src(%arg6 : memref<128x128xf32, #tpu.memory_space<vmem>>) dst(%dma_wait3A_54 : memref<128x128xf32, #tpu.memory_space<vmem_shared>>)
      tpu.yield
    }) : () -> ()
    %add3A_14 = arith.constant 256 : i32
    %add3A_15 = arith.addi %mul3A_2, %add3A_14 : i32
    "tpu.region"() ({
      %run_scoped3A = tpu.sem_alloc : memref<!tpu.dma_semaphore, #tpu.memory_space<semaphore_mem>>
      %dma_start3A = arith.constant 0 : i32
      %dma_start3A_49 = tpu.memref_slice %arg7[%add3A_15, %dma_start3A] : memref<10240x128xf32, #tpu.memory_space<vmem_shared>> -> memref<128x128xf32, #tpu.memory_space<vmem_shared>>
      %dma_start3A_50 = arith.constant 0 : i32
      %dma_start3A_51 = tpu.memref_slice %arg7[%add3A_15, %dma_start3A_50] : memref<10240x128xf32, #tpu.memory_space<vmem_shared>> -> memref<128x128xf32, #tpu.memory_space<vmem_shared>>
      tpu.enqueue_dma source(%arg6 : memref<128x128xf32, #tpu.memory_space<vmem>>) target(%dma_start3A_51 : memref<128x128xf32, #tpu.memory_space<vmem_shared>>) target_semaphore(%run_scoped3A : memref<!tpu.dma_semaphore, #tpu.memory_space<semaphore_mem>>)
      %dma_wait3A = arith.constant 0 : i32
      %dma_wait3A_52 = tpu.memref_slice %arg7[%add3A_15, %dma_wait3A] : memref<10240x128xf32, #tpu.memory_space<vmem_shared>> -> memref<128x128xf32, #tpu.memory_space<vmem_shared>>
      %dma_wait3A_53 = arith.constant 0 : i32
      %dma_wait3A_54 = tpu.memref_slice %arg7[%add3A_15, %dma_wait3A_53] : memref<10240x128xf32, #tpu.memory_space<vmem_shared>> -> memref<128x128xf32, #tpu.memory_space<vmem_shared>>
      tpu.wait_dma2 semaphore(%run_scoped3A : memref<!tpu.dma_semaphore, #tpu.memory_space<semaphore_mem>>) src(%arg6 : memref<128x128xf32, #tpu.memory_space<vmem>>) dst(%dma_wait3A_54 : memref<128x128xf32, #tpu.memory_space<vmem_shared>>)
      tpu.yield
    }) : () -> ()
    %add3A_16 = arith.constant 384 : i32
    %add3A_17 = arith.addi %mul3A_2, %add3A_16 : i32
    "tpu.region"() ({
      %run_scoped3A = tpu.sem_alloc : memref<!tpu.dma_semaphore, #tpu.memory_space<semaphore_mem>>
      %dma_start3A = arith.constant 0 : i32
      %dma_start3A_49 = tpu.memref_slice %arg7[%add3A_17, %dma_start3A] : memref<10240x128xf32, #tpu.memory_space<vmem_shared>> -> memref<128x128xf32, #tpu.memory_space<vmem_shared>>
      %dma_start3A_50 = arith.constant 0 : i32
      %dma_start3A_51 = tpu.memref_slice %arg7[%add3A_17, %dma_start3A_50] : memref<10240x128xf32, #tpu.memory_space<vmem_shared>> -> memref<128x128xf32, #tpu.memory_space<vmem_shared>>
      tpu.enqueue_dma source(%arg6 : memref<128x128xf32, #tpu.memory_space<vmem>>) target(%dma_start3A_51 : memref<128x128xf32, #tpu.memory_space<vmem_shared>>) target_semaphore(%run_scoped3A : memref<!tpu.dma_semaphore, #tpu.memory_space<semaphore_mem>>)
      %dma_wait3A = arith.constant 0 : i32
      %dma_wait3A_52 = tpu.memref_slice %arg7[%add3A_17, %dma_wait3A] : memref<10240x128xf32, #tpu.memory_space<vmem_shared>> -> memref<128x128xf32, #tpu.memory_space<vmem_shared>>
      %dma_wait3A_53 = arith.constant 0 : i32
      %dma_wait3A_54 = tpu.memref_slice %arg7[%add3A_17, %dma_wait3A_53] : memref<10240x128xf32, #tpu.memory_space<vmem_shared>> -> memref<128x128xf32, #tpu.memory_space<vmem_shared>>
      tpu.wait_dma2 semaphore(%run_scoped3A : memref<!tpu.dma_semaphore, #tpu.memory_space<semaphore_mem>>) src(%arg6 : memref<128x128xf32, #tpu.memory_space<vmem>>) dst(%dma_wait3A_54 : memref<128x128xf32, #tpu.memory_space<vmem_shared>>)
      tpu.yield
    }) : () -> ()
    %add3A_18 = arith.constant 512 : i32
    %add3A_19 = arith.addi %mul3A_2, %add3A_18 : i32
    "tpu.region"() ({
      %run_scoped3A = tpu.sem_alloc : memref<!tpu.dma_semaphore, #tpu.memory_space<semaphore_mem>>
      %dma_start3A = arith.constant 0 : i32
      %dma_start3A_49 = tpu.memref_slice %arg7[%add3A_19, %dma_start3A] : memref<10240x128xf32, #tpu.memory_space<vmem_shared>> -> memref<128x128xf32, #tpu.memory_space<vmem_shared>>
      %dma_start3A_50 = arith.constant 0 : i32
      %dma_start3A_51 = tpu.memref_slice %arg7[%add3A_19, %dma_start3A_50] : memref<10240x128xf32, #tpu.memory_space<vmem_shared>> -> memref<128x128xf32, #tpu.memory_space<vmem_shared>>
      tpu.enqueue_dma source(%arg6 : memref<128x128xf32, #tpu.memory_space<vmem>>) target(%dma_start3A_51 : memref<128x128xf32, #tpu.memory_space<vmem_shared>>) target_semaphore(%run_scoped3A : memref<!tpu.dma_semaphore, #tpu.memory_space<semaphore_mem>>)
      %dma_wait3A = arith.constant 0 : i32
      %dma_wait3A_52 = tpu.memref_slice %arg7[%add3A_19, %dma_wait3A] : memref<10240x128xf32, #tpu.memory_space<vmem_shared>> -> memref<128x128xf32, #tpu.memory_space<vmem_shared>>
      %dma_wait3A_53 = arith.constant 0 : i32
      %dma_wait3A_54 = tpu.memref_slice %arg7[%add3A_19, %dma_wait3A_53] : memref<10240x128xf32, #tpu.memory_space<vmem_shared>> -> memref<128x128xf32, #tpu.memory_space<vmem_shared>>
      tpu.wait_dma2 semaphore(%run_scoped3A : memref<!tpu.dma_semaphore, #tpu.memory_space<semaphore_mem>>) src(%arg6 : memref<128x128xf32, #tpu.memory_space<vmem>>) dst(%dma_wait3A_54 : memref<128x128xf32, #tpu.memory_space<vmem_shared>>)
      tpu.yield
    }) : () -> ()
    %barrier3A = arith.constant 0 : index
    tpu.barrier barrier_id(%barrier3A)
    %mul3A_20 = arith.constant 2 : i32
    %mul3A_21 = arith.muli %mul3A_20, %mul3A_4 : i32
    "tpu.region"() ({
      %run_scoped3A = tpu.sem_alloc : memref<!tpu.dma_semaphore, #tpu.memory_space<semaphore_mem>>
      %dma_start3A = arith.constant 0 : i32
      %dma_start3A_49 = tpu.memref_slice %arg3[%mul3A_21, %dma_start3A] : memref<5120x128xi32, #tpu.memory_space<hbm>> -> memref<160x128xi32, #tpu.memory_space<hbm>>
      %dma_start3A_50 = arith.constant 0 : i32
      %dma_start3A_51 = tpu.memref_slice %arg3[%mul3A_21, %dma_start3A_50] : memref<5120x128xi32, #tpu.memory_space<hbm>> -> memref<160x128xi32, #tpu.memory_space<hbm>>
      tpu.enqueue_dma source(%dma_start3A_51 : memref<160x128xi32, #tpu.memory_space<hbm>>) target(%arg5 : memref<160x128xi32, #tpu.memory_space<vmem>>) target_semaphore(%run_scoped3A : memref<!tpu.dma_semaphore, #tpu.memory_space<semaphore_mem>>)
      %dma_wait3A = arith.constant 0 : i32
      %dma_wait3A_52 = tpu.memref_slice %arg3[%mul3A_21, %dma_wait3A] : memref<5120x128xi32, #tpu.memory_space<hbm>> -> memref<160x128xi32, #tpu.memory_space<hbm>>
      %dma_wait3A_53 = arith.constant 0 : i32
      %dma_wait3A_54 = tpu.memref_slice %arg3[%mul3A_21, %dma_wait3A_53] : memref<5120x128xi32, #tpu.memory_space<hbm>> -> memref<160x128xi32, #tpu.memory_space<hbm>>
      tpu.wait_dma2 semaphore(%run_scoped3A : memref<!tpu.dma_semaphore, #tpu.memory_space<semaphore_mem>>) src(%dma_wait3A_54 : memref<160x128xi32, #tpu.memory_space<hbm>>) dst(%arg5 : memref<160x128xi32, #tpu.memory_space<vmem>>)
      tpu.yield
    }) : () -> ()
    %scan3A_22 = arith.constant 0 : i32
    %scan3A_23 = arith.constant 0 : i32
    %scan3A_24 = arith.constant 80 : i32
    %scan3A_25 = arith.addi %scan3A_23, %scan3A_24 : i32
    %scan3A_26 = arith.constant 1 : i32
    scf.for %scan3A_49 = %scan3A_23 to %scan3A_25 step %scan3A_26  : i32 {
      %mul3A_50 = arith.constant 2 : i32
      %mul3A_51 = arith.muli %mul3A_50, %scan3A_49 : i32
      "tpu.region"() ({
        %run_scoped3A = tpu.sem_alloc : memref<!tpu.dma_semaphore, #tpu.memory_space<semaphore_mem>>
        %dma_start3A = arith.constant 0 : i32
        %dma_start3A_56 = tpu.memref_slice %arg5[%mul3A_51, %dma_start3A] : memref<160x128xi32, #tpu.memory_space<vmem>> -> memref<1x128xi32, #tpu.memory_space<vmem>>
        %dma_start3A_57 = tpu.memref_squeeze %dma_start3A_56 : memref<1x128xi32, #tpu.memory_space<vmem>> -> memref<128xi32, #tpu.memory_space<vmem>>
        %dma_start3A_58 = arith.constant 0 : i32
        %dma_start3A_59 = arith.constant 0 : i32
        %dma_start3A_60 = tpu.memref_slice %arg2[%dma_start3A_58, %dma_start3A_59] : memref<10000x128xf32, #tpu.memory_space<hbm>> -> memref<10000x128xf32, #tpu.memory_space<hbm>>
        tpu.enqueue_indirect_dma source(%dma_start3A_60 : memref<10000x128xf32, #tpu.memory_space<hbm>>) target(%arg6 : memref<128x128xf32, #tpu.memory_space<vmem>>) offsets(%dma_start3A_57 : memref<128xi32, #tpu.memory_space<vmem>>) semaphore(%run_scoped3A : memref<!tpu.dma_semaphore, #tpu.memory_space<semaphore_mem>>)
        %dma_wait3A = arith.constant 0 : i32
        %dma_wait3A_61 = tpu.memref_slice %arg5[%mul3A_51, %dma_wait3A] : memref<160x128xi32, #tpu.memory_space<vmem>> -> memref<1x128xi32, #tpu.memory_space<vmem>>
        %dma_wait3A_62 = tpu.memref_squeeze %dma_wait3A_61 : memref<1x128xi32, #tpu.memory_space<vmem>> -> memref<128xi32, #tpu.memory_space<vmem>>
        %dma_wait3A_63 = arith.constant 0 : i32
        %dma_wait3A_64 = arith.constant 0 : i32
        %dma_wait3A_65 = tpu.memref_slice %arg2[%dma_wait3A_63, %dma_wait3A_64] : memref<10000x128xf32, #tpu.memory_space<hbm>> -> memref<10000x128xf32, #tpu.memory_space<hbm>>
        tpu.wait_indirect_dma semaphore(%run_scoped3A : memref<!tpu.dma_semaphore, #tpu.memory_space<semaphore_mem>>) src(%dma_wait3A_65 : memref<10000x128xf32, #tpu.memory_space<hbm>>) dst(%arg6 : memref<128x128xf32, #tpu.memory_space<vmem>>)
        tpu.yield
      }) : () -> ()
      %mul3A_52 = arith.constant 2 : i32
      %mul3A_53 = arith.muli %mul3A_52, %scan3A_49 : i32
      %add3A_54 = arith.constant 1 : i32
      %add3A_55 = arith.addi %mul3A_53, %add3A_54 : i32
      "tpu.region"() ({
        %run_scoped3A = tpu.sem_alloc : memref<!tpu.dma_semaphore, #tpu.memory_space<semaphore_mem>>
        %dma_start3A = arith.constant 0 : i32
        %dma_start3A_56 = tpu.memref_slice %arg5[%add3A_55, %dma_start3A] : memref<160x128xi32, #tpu.memory_space<vmem>> -> memref<1x128xi32, #tpu.memory_space<vmem>>
        %dma_start3A_57 = tpu.memref_squeeze %dma_start3A_56 : memref<1x128xi32, #tpu.memory_space<vmem>> -> memref<128xi32, #tpu.memory_space<vmem>>
        %dma_start3A_58 = arith.constant 0 : i32
        %dma_start3A_59 = arith.constant 0 : i32
        %dma_start3A_60 = tpu.memref_slice %arg7[%dma_start3A_58, %dma_start3A_59] : memref<10240x128xf32, #tpu.memory_space<vmem_shared>> -> memref<10240x128xf32, #tpu.memory_space<vmem_shared>>
        tpu.enqueue_indirect_dma source(%arg6 : memref<128x128xf32, #tpu.memory_space<vmem>>) target(%dma_start3A_60 : memref<10240x128xf32, #tpu.memory_space<vmem_shared>>) offsets(%dma_start3A_57 : memref<128xi32, #tpu.memory_space<vmem>>) semaphore(%run_scoped3A : memref<!tpu.dma_semaphore, #tpu.memory_space<semaphore_mem>>) {add = true}
        %dma_wait3A = arith.constant 0 : i32
        %dma_wait3A_61 = tpu.memref_slice %arg5[%add3A_55, %dma_wait3A] : memref<160x128xi32, #tpu.memory_space<vmem>> -> memref<1x128xi32, #tpu.memory_space<vmem>>
        %dma_wait3A_62 = tpu.memref_squeeze %dma_wait3A_61 : memref<1x128xi32, #tpu.memory_space<vmem>> -> memref<128xi32, #tpu.memory_space<vmem>>
        %dma_wait3A_63 = arith.constant 0 : i32
        %dma_wait3A_64 = arith.constant 0 : i32
        %dma_wait3A_65 = tpu.memref_slice %arg7[%dma_wait3A_63, %dma_wait3A_64] : memref<10240x128xf32, #tpu.memory_space<vmem_shared>> -> memref<10240x128xf32, #tpu.memory_space<vmem_shared>>
        tpu.wait_indirect_dma semaphore(%run_scoped3A : memref<!tpu.dma_semaphore, #tpu.memory_space<semaphore_mem>>) src(%arg6 : memref<128x128xf32, #tpu.memory_space<vmem>>) dst(%dma_wait3A_65 : memref<10240x128xf32, #tpu.memory_space<vmem_shared>>)
        tpu.yield
      }) : () -> ()
    }
    %scan3A_27 = arith.constant 80 : i32
    %barrier3A_28 = arith.constant 0 : index
    tpu.barrier barrier_id(%barrier3A_28)
    %add3A_29 = arith.constant 0 : i32
    %add3A_30 = arith.addi %mul3A_2, %add3A_29 : i32
    "tpu.region"() ({
      %run_scoped3A = tpu.sem_alloc : memref<!tpu.dma_semaphore, #tpu.memory_space<semaphore_mem>>
      %dma_start3A = arith.constant 0 : i32
      %dma_start3A_49 = tpu.memref_slice %arg7[%add3A_30, %dma_start3A] : memref<10240x128xf32, #tpu.memory_space<vmem_shared>> -> memref<128x128xf32, #tpu.memory_space<vmem_shared>>
      %dma_start3A_50 = arith.constant 0 : i32
      %dma_start3A_51 = tpu.memref_slice %arg7[%add3A_30, %dma_start3A_50] : memref<10240x128xf32, #tpu.memory_space<vmem_shared>> -> memref<128x128xf32, #tpu.memory_space<vmem_shared>>
      tpu.enqueue_dma source(%dma_start3A_51 : memref<128x128xf32, #tpu.memory_space<vmem_shared>>) target(%arg6 : memref<128x128xf32, #tpu.memory_space<vmem>>) target_semaphore(%run_scoped3A : memref<!tpu.dma_semaphore, #tpu.memory_space<semaphore_mem>>)
      %dma_wait3A = arith.constant 0 : i32
      %dma_wait3A_52 = tpu.memref_slice %arg7[%add3A_30, %dma_wait3A] : memref<10240x128xf32, #tpu.memory_space<vmem_shared>> -> memref<128x128xf32, #tpu.memory_space<vmem_shared>>
      %dma_wait3A_53 = arith.constant 0 : i32
      %dma_wait3A_54 = tpu.memref_slice %arg7[%add3A_30, %dma_wait3A_53] : memref<10240x128xf32, #tpu.memory_space<vmem_shared>> -> memref<128x128xf32, #tpu.memory_space<vmem_shared>>
      tpu.wait_dma2 semaphore(%run_scoped3A : memref<!tpu.dma_semaphore, #tpu.memory_space<semaphore_mem>>) src(%dma_wait3A_54 : memref<128x128xf32, #tpu.memory_space<vmem_shared>>) dst(%arg6 : memref<128x128xf32, #tpu.memory_space<vmem>>)
      tpu.yield
    }) : () -> ()
    %add3A_31 = arith.constant 0 : i32
    %add3A_32 = arith.addi %mul3A_2, %add3A_31 : i32
    "tpu.region"() ({
      %run_scoped3A = tpu.sem_alloc : memref<!tpu.dma_semaphore, #tpu.memory_space<semaphore_mem>>
      %dma_start3A = arith.constant 0 : i32
      %dma_start3A_49 = tpu.memref_slice %arg4[%arg0, %add3A_32, %dma_start3A] : memref<2x10240x128xf32, #tpu.memory_space<hbm>> -> memref<1x128x128xf32, #tpu.memory_space<hbm>>
      %dma_start3A_50 = tpu.memref_squeeze %dma_start3A_49 : memref<1x128x128xf32, #tpu.memory_space<hbm>> -> memref<128x128xf32, #tpu.memory_space<hbm>>
      %dma_start3A_51 = arith.constant 0 : i32
      %dma_start3A_52 = tpu.memref_slice %arg4[%arg0, %add3A_32, %dma_start3A_51] : memref<2x10240x128xf32, #tpu.memory_space<hbm>> -> memref<1x128x128xf32, #tpu.memory_space<hbm>>
      %dma_start3A_53 = tpu.memref_squeeze %dma_start3A_52 : memref<1x128x128xf32, #tpu.memory_space<hbm>> -> memref<128x128xf32, #tpu.memory_space<hbm>>
      tpu.enqueue_dma source(%arg6 : memref<128x128xf32, #tpu.memory_space<vmem>>) target(%dma_start3A_53 : memref<128x128xf32, #tpu.memory_space<hbm>>) target_semaphore(%run_scoped3A : memref<!tpu.dma_semaphore, #tpu.memory_space<semaphore_mem>>)
      %dma_wait3A = arith.constant 0 : i32
      %dma_wait3A_54 = tpu.memref_slice %arg4[%arg0, %add3A_32, %dma_wait3A] : memref<2x10240x128xf32, #tpu.memory_space<hbm>> -> memref<1x128x128xf32, #tpu.memory_space<hbm>>
      %dma_wait3A_55 = tpu.memref_squeeze %dma_wait3A_54 : memref<1x128x128xf32, #tpu.memory_space<hbm>> -> memref<128x128xf32, #tpu.memory_space<hbm>>
      %dma_wait3A_56 = arith.constant 0 : i32
      %dma_wait3A_57 = tpu.memref_slice %arg4[%arg0, %add3A_32, %dma_wait3A_56] : memref<2x10240x128xf32, #tpu.memory_space<hbm>> -> memref<1x128x128xf32, #tpu.memory_space<hbm>>
      %dma_wait3A_58 = tpu.memref_squeeze %dma_wait3A_57 : memref<1x128x128xf32, #tpu.memory_space<hbm>> -> memref<128x128xf32, #tpu.memory_space<hbm>>
      tpu.wait_dma2 semaphore(%run_scoped3A : memref<!tpu.dma_semaphore, #tpu.memory_space<semaphore_mem>>) src(%arg6 : memref<128x128xf32, #tpu.memory_space<vmem>>) dst(%dma_wait3A_58 : memref<128x128xf32, #tpu.memory_space<hbm>>)
      tpu.yield
    }) : () -> ()
    %add3A_33 = arith.constant 128 : i32
    %add3A_34 = arith.addi %mul3A_2, %add3A_33 : i32
    "tpu.region"() ({
      %run_scoped3A = tpu.sem_alloc : memref<!tpu.dma_semaphore, #tpu.memory_space<semaphore_mem>>
      %dma_start3A = arith.constant 0 : i32
      %dma_start3A_49 = tpu.memref_slice %arg7[%add3A_34, %dma_start3A] : memref<10240x128xf32, #tpu.memory_space<vmem_shared>> -> memref<128x128xf32, #tpu.memory_space<vmem_shared>>
      %dma_start3A_50 = arith.constant 0 : i32
      %dma_start3A_51 = tpu.memref_slice %arg7[%add3A_34, %dma_start3A_50] : memref<10240x128xf32, #tpu.memory_space<vmem_shared>> -> memref<128x128xf32, #tpu.memory_space<vmem_shared>>
      tpu.enqueue_dma source(%dma_start3A_51 : memref<128x128xf32, #tpu.memory_space<vmem_shared>>) target(%arg6 : memref<128x128xf32, #tpu.memory_space<vmem>>) target_semaphore(%run_scoped3A : memref<!tpu.dma_semaphore, #tpu.memory_space<semaphore_mem>>)
      %dma_wait3A = arith.constant 0 : i32
      %dma_wait3A_52 = tpu.memref_slice %arg7[%add3A_34, %dma_wait3A] : memref<10240x128xf32, #tpu.memory_space<vmem_shared>> -> memref<128x128xf32, #tpu.memory_space<vmem_shared>>
      %dma_wait3A_53 = arith.constant 0 : i32
      %dma_wait3A_54 = tpu.memref_slice %arg7[%add3A_34, %dma_wait3A_53] : memref<10240x128xf32, #tpu.memory_space<vmem_shared>> -> memref<128x128xf32, #tpu.memory_space<vmem_shared>>
      tpu.wait_dma2 semaphore(%run_scoped3A : memref<!tpu.dma_semaphore, #tpu.memory_space<semaphore_mem>>) src(%dma_wait3A_54 : memref<128x128xf32, #tpu.memory_space<vmem_shared>>) dst(%arg6 : memref<128x128xf32, #tpu.memory_space<vmem>>)
      tpu.yield
    }) : () -> ()
    %add3A_35 = arith.constant 128 : i32
    %add3A_36 = arith.addi %mul3A_2, %add3A_35 : i32
    "tpu.region"() ({
      %run_scoped3A = tpu.sem_alloc : memref<!tpu.dma_semaphore, #tpu.memory_space<semaphore_mem>>
      %dma_start3A = arith.constant 0 : i32
      %dma_start3A_49 = tpu.memref_slice %arg4[%arg0, %add3A_36, %dma_start3A] : memref<2x10240x128xf32, #tpu.memory_space<hbm>> -> memref<1x128x128xf32, #tpu.memory_space<hbm>>
      %dma_start3A_50 = tpu.memref_squeeze %dma_start3A_49 : memref<1x128x128xf32, #tpu.memory_space<hbm>> -> memref<128x128xf32, #tpu.memory_space<hbm>>
      %dma_start3A_51 = arith.constant 0 : i32
      %dma_start3A_52 = tpu.memref_slice %arg4[%arg0, %add3A_36, %dma_start3A_51] : memref<2x10240x128xf32, #tpu.memory_space<hbm>> -> memref<1x128x128xf32, #tpu.memory_space<hbm>>
      %dma_start3A_53 = tpu.memref_squeeze %dma_start3A_52 : memref<1x128x128xf32, #tpu.memory_space<hbm>> -> memref<128x128xf32, #tpu.memory_space<hbm>>
      tpu.enqueue_dma source(%arg6 : memref<128x128xf32, #tpu.memory_space<vmem>>) target(%dma_start3A_53 : memref<128x128xf32, #tpu.memory_space<hbm>>) target_semaphore(%run_scoped3A : memref<!tpu.dma_semaphore, #tpu.memory_space<semaphore_mem>>)
      %dma_wait3A = arith.constant 0 : i32
      %dma_wait3A_54 = tpu.memref_slice %arg4[%arg0, %add3A_36, %dma_wait3A] : memref<2x10240x128xf32, #tpu.memory_space<hbm>> -> memref<1x128x128xf32, #tpu.memory_space<hbm>>
      %dma_wait3A_55 = tpu.memref_squeeze %dma_wait3A_54 : memref<1x128x128xf32, #tpu.memory_space<hbm>> -> memref<128x128xf32, #tpu.memory_space<hbm>>
      %dma_wait3A_56 = arith.constant 0 : i32
      %dma_wait3A_57 = tpu.memref_slice %arg4[%arg0, %add3A_36, %dma_wait3A_56] : memref<2x10240x128xf32, #tpu.memory_space<hbm>> -> memref<1x128x128xf32, #tpu.memory_space<hbm>>
      %dma_wait3A_58 = tpu.memref_squeeze %dma_wait3A_57 : memref<1x128x128xf32, #tpu.memory_space<hbm>> -> memref<128x128xf32, #tpu.memory_space<hbm>>
      tpu.wait_dma2 semaphore(%run_scoped3A : memref<!tpu.dma_semaphore, #tpu.memory_space<semaphore_mem>>) src(%arg6 : memref<128x128xf32, #tpu.memory_space<vmem>>) dst(%dma_wait3A_58 : memref<128x128xf32, #tpu.memory_space<hbm>>)
      tpu.yield
    }) : () -> ()
    %add3A_37 = arith.constant 256 : i32
    %add3A_38 = arith.addi %mul3A_2, %add3A_37 : i32
    "tpu.region"() ({
      %run_scoped3A = tpu.sem_alloc : memref<!tpu.dma_semaphore, #tpu.memory_space<semaphore_mem>>
      %dma_start3A = arith.constant 0 : i32
      %dma_start3A_49 = tpu.memref_slice %arg7[%add3A_38, %dma_start3A] : memref<10240x128xf32, #tpu.memory_space<vmem_shared>> -> memref<128x128xf32, #tpu.memory_space<vmem_shared>>
      %dma_start3A_50 = arith.constant 0 : i32
      %dma_start3A_51 = tpu.memref_slice %arg7[%add3A_38, %dma_start3A_50] : memref<10240x128xf32, #tpu.memory_space<vmem_shared>> -> memref<128x128xf32, #tpu.memory_space<vmem_shared>>
      tpu.enqueue_dma source(%dma_start3A_51 : memref<128x128xf32, #tpu.memory_space<vmem_shared>>) target(%arg6 : memref<128x128xf32, #tpu.memory_space<vmem>>) target_semaphore(%run_scoped3A : memref<!tpu.dma_semaphore, #tpu.memory_space<semaphore_mem>>)
      %dma_wait3A = arith.constant 0 : i32
      %dma_wait3A_52 = tpu.memref_slice %arg7[%add3A_38, %dma_wait3A] : memref<10240x128xf32, #tpu.memory_space<vmem_shared>> -> memref<128x128xf32, #tpu.memory_space<vmem_shared>>
      %dma_wait3A_53 = arith.constant 0 : i32
      %dma_wait3A_54 = tpu.memref_slice %arg7[%add3A_38, %dma_wait3A_53] : memref<10240x128xf32, #tpu.memory_space<vmem_shared>> -> memref<128x128xf32, #tpu.memory_space<vmem_shared>>
      tpu.wait_dma2 semaphore(%run_scoped3A : memref<!tpu.dma_semaphore, #tpu.memory_space<semaphore_mem>>) src(%dma_wait3A_54 : memref<128x128xf32, #tpu.memory_space<vmem_shared>>) dst(%arg6 : memref<128x128xf32, #tpu.memory_space<vmem>>)
      tpu.yield
    }) : () -> ()
    %add3A_39 = arith.constant 256 : i32
    %add3A_40 = arith.addi %mul3A_2, %add3A_39 : i32
    "tpu.region"() ({
      %run_scoped3A = tpu.sem_alloc : memref<!tpu.dma_semaphore, #tpu.memory_space<semaphore_mem>>
      %dma_start3A = arith.constant 0 : i32
      %dma_start3A_49 = tpu.memref_slice %arg4[%arg0, %add3A_40, %dma_start3A] : memref<2x10240x128xf32, #tpu.memory_space<hbm>> -> memref<1x128x128xf32, #tpu.memory_space<hbm>>
      %dma_start3A_50 = tpu.memref_squeeze %dma_start3A_49 : memref<1x128x128xf32, #tpu.memory_space<hbm>> -> memref<128x128xf32, #tpu.memory_space<hbm>>
      %dma_start3A_51 = arith.constant 0 : i32
      %dma_start3A_52 = tpu.memref_slice %arg4[%arg0, %add3A_40, %dma_start3A_51] : memref<2x10240x128xf32, #tpu.memory_space<hbm>> -> memref<1x128x128xf32, #tpu.memory_space<hbm>>
      %dma_start3A_53 = tpu.memref_squeeze %dma_start3A_52 : memref<1x128x128xf32, #tpu.memory_space<hbm>> -> memref<128x128xf32, #tpu.memory_space<hbm>>
      tpu.enqueue_dma source(%arg6 : memref<128x128xf32, #tpu.memory_space<vmem>>) target(%dma_start3A_53 : memref<128x128xf32, #tpu.memory_space<hbm>>) target_semaphore(%run_scoped3A : memref<!tpu.dma_semaphore, #tpu.memory_space<semaphore_mem>>)
      %dma_wait3A = arith.constant 0 : i32
      %dma_wait3A_54 = tpu.memref_slice %arg4[%arg0, %add3A_40, %dma_wait3A] : memref<2x10240x128xf32, #tpu.memory_space<hbm>> -> memref<1x128x128xf32, #tpu.memory_space<hbm>>
      %dma_wait3A_55 = tpu.memref_squeeze %dma_wait3A_54 : memref<1x128x128xf32, #tpu.memory_space<hbm>> -> memref<128x128xf32, #tpu.memory_space<hbm>>
      %dma_wait3A_56 = arith.constant 0 : i32
      %dma_wait3A_57 = tpu.memref_slice %arg4[%arg0, %add3A_40, %dma_wait3A_56] : memref<2x10240x128xf32, #tpu.memory_space<hbm>> -> memref<1x128x128xf32, #tpu.memory_space<hbm>>
      %dma_wait3A_58 = tpu.memref_squeeze %dma_wait3A_57 : memref<1x128x128xf32, #tpu.memory_space<hbm>> -> memref<128x128xf32, #tpu.memory_space<hbm>>
      tpu.wait_dma2 semaphore(%run_scoped3A : memref<!tpu.dma_semaphore, #tpu.memory_space<semaphore_mem>>) src(%arg6 : memref<128x128xf32, #tpu.memory_space<vmem>>) dst(%dma_wait3A_58 : memref<128x128xf32, #tpu.memory_space<hbm>>)
      tpu.yield
    }) : () -> ()
    %add3A_41 = arith.constant 384 : i32
    %add3A_42 = arith.addi %mul3A_2, %add3A_41 : i32
    "tpu.region"() ({
      %run_scoped3A = tpu.sem_alloc : memref<!tpu.dma_semaphore, #tpu.memory_space<semaphore_mem>>
      %dma_start3A = arith.constant 0 : i32
      %dma_start3A_49 = tpu.memref_slice %arg7[%add3A_42, %dma_start3A] : memref<10240x128xf32, #tpu.memory_space<vmem_shared>> -> memref<128x128xf32, #tpu.memory_space<vmem_shared>>
      %dma_start3A_50 = arith.constant 0 : i32
      %dma_start3A_51 = tpu.memref_slice %arg7[%add3A_42, %dma_start3A_50] : memref<10240x128xf32, #tpu.memory_space<vmem_shared>> -> memref<128x128xf32, #tpu.memory_space<vmem_shared>>
      tpu.enqueue_dma source(%dma_start3A_51 : memref<128x128xf32, #tpu.memory_space<vmem_shared>>) target(%arg6 : memref<128x128xf32, #tpu.memory_space<vmem>>) target_semaphore(%run_scoped3A : memref<!tpu.dma_semaphore, #tpu.memory_space<semaphore_mem>>)
      %dma_wait3A = arith.constant 0 : i32
      %dma_wait3A_52 = tpu.memref_slice %arg7[%add3A_42, %dma_wait3A] : memref<10240x128xf32, #tpu.memory_space<vmem_shared>> -> memref<128x128xf32, #tpu.memory_space<vmem_shared>>
      %dma_wait3A_53 = arith.constant 0 : i32
      %dma_wait3A_54 = tpu.memref_slice %arg7[%add3A_42, %dma_wait3A_53] : memref<10240x128xf32, #tpu.memory_space<vmem_shared>> -> memref<128x128xf32, #tpu.memory_space<vmem_shared>>
      tpu.wait_dma2 semaphore(%run_scoped3A : memref<!tpu.dma_semaphore, #tpu.memory_space<semaphore_mem>>) src(%dma_wait3A_54 : memref<128x128xf32, #tpu.memory_space<vmem_shared>>) dst(%arg6 : memref<128x128xf32, #tpu.memory_space<vmem>>)
      tpu.yield
    }) : () -> ()
    %add3A_43 = arith.constant 384 : i32
    %add3A_44 = arith.addi %mul3A_2, %add3A_43 : i32
    "tpu.region"() ({
      %run_scoped3A = tpu.sem_alloc : memref<!tpu.dma_semaphore, #tpu.memory_space<semaphore_mem>>
      %dma_start3A = arith.constant 0 : i32
      %dma_start3A_49 = tpu.memref_slice %arg4[%arg0, %add3A_44, %dma_start3A] : memref<2x10240x128xf32, #tpu.memory_space<hbm>> -> memref<1x128x128xf32, #tpu.memory_space<hbm>>
      %dma_start3A_50 = tpu.memref_squeeze %dma_start3A_49 : memref<1x128x128xf32, #tpu.memory_space<hbm>> -> memref<128x128xf32, #tpu.memory_space<hbm>>
      %dma_start3A_51 = arith.constant 0 : i32
      %dma_start3A_52 = tpu.memref_slice %arg4[%arg0, %add3A_44, %dma_start3A_51] : memref<2x10240x128xf32, #tpu.memory_space<hbm>> -> memref<1x128x128xf32, #tpu.memory_space<hbm>>
      %dma_start3A_53 = tpu.memref_squeeze %dma_start3A_52 : memref<1x128x128xf32, #tpu.memory_space<hbm>> -> memref<128x128xf32, #tpu.memory_space<hbm>>
      tpu.enqueue_dma source(%arg6 : memref<128x128xf32, #tpu.memory_space<vmem>>) target(%dma_start3A_53 : memref<128x128xf32, #tpu.memory_space<hbm>>) target_semaphore(%run_scoped3A : memref<!tpu.dma_semaphore, #tpu.memory_space<semaphore_mem>>)
      %dma_wait3A = arith.constant 0 : i32
      %dma_wait3A_54 = tpu.memref_slice %arg4[%arg0, %add3A_44, %dma_wait3A] : memref<2x10240x128xf32, #tpu.memory_space<hbm>> -> memref<1x128x128xf32, #tpu.memory_space<hbm>>
      %dma_wait3A_55 = tpu.memref_squeeze %dma_wait3A_54 : memref<1x128x128xf32, #tpu.memory_space<hbm>> -> memref<128x128xf32, #tpu.memory_space<hbm>>
      %dma_wait3A_56 = arith.constant 0 : i32
      %dma_wait3A_57 = tpu.memref_slice %arg4[%arg0, %add3A_44, %dma_wait3A_56] : memref<2x10240x128xf32, #tpu.memory_space<hbm>> -> memref<1x128x128xf32, #tpu.memory_space<hbm>>
      %dma_wait3A_58 = tpu.memref_squeeze %dma_wait3A_57 : memref<1x128x128xf32, #tpu.memory_space<hbm>> -> memref<128x128xf32, #tpu.memory_space<hbm>>
      tpu.wait_dma2 semaphore(%run_scoped3A : memref<!tpu.dma_semaphore, #tpu.memory_space<semaphore_mem>>) src(%arg6 : memref<128x128xf32, #tpu.memory_space<vmem>>) dst(%dma_wait3A_58 : memref<128x128xf32, #tpu.memory_space<hbm>>)
      tpu.yield
    }) : () -> ()
    %add3A_45 = arith.constant 512 : i32
    %add3A_46 = arith.addi %mul3A_2, %add3A_45 : i32
    "tpu.region"() ({
      %run_scoped3A = tpu.sem_alloc : memref<!tpu.dma_semaphore, #tpu.memory_space<semaphore_mem>>
      %dma_start3A = arith.constant 0 : i32
      %dma_start3A_49 = tpu.memref_slice %arg7[%add3A_46, %dma_start3A] : memref<10240x128xf32, #tpu.memory_space<vmem_shared>> -> memref<128x128xf32, #tpu.memory_space<vmem_shared>>
      %dma_start3A_50 = arith.constant 0 : i32
      %dma_start3A_51 = tpu.memref_slice %arg7[%add3A_46, %dma_start3A_50] : memref<10240x128xf32, #tpu.memory_space<vmem_shared>> -> memref<128x128xf32, #tpu.memory_space<vmem_shared>>
      tpu.enqueue_dma source(%dma_start3A_51 : memref<128x128xf32, #tpu.memory_space<vmem_shared>>) target(%arg6 : memref<128x128xf32, #tpu.memory_space<vmem>>) target_semaphore(%run_scoped3A : memref<!tpu.dma_semaphore, #tpu.memory_space<semaphore_mem>>)
      %dma_wait3A = arith.constant 0 : i32
      %dma_wait3A_52 = tpu.memref_slice %arg7[%add3A_46, %dma_wait3A] : memref<10240x128xf32, #tpu.memory_space<vmem_shared>> -> memref<128x128xf32, #tpu.memory_space<vmem_shared>>
      %dma_wait3A_53 = arith.constant 0 : i32
      %dma_wait3A_54 = tpu.memref_slice %arg7[%add3A_46, %dma_wait3A_53] : memref<10240x128xf32, #tpu.memory_space<vmem_shared>> -> memref<128x128xf32, #tpu.memory_space<vmem_shared>>
      tpu.wait_dma2 semaphore(%run_scoped3A : memref<!tpu.dma_semaphore, #tpu.memory_space<semaphore_mem>>) src(%dma_wait3A_54 : memref<128x128xf32, #tpu.memory_space<vmem_shared>>) dst(%arg6 : memref<128x128xf32, #tpu.memory_space<vmem>>)
      tpu.yield
    }) : () -> ()
    %add3A_47 = arith.constant 512 : i32
    %add3A_48 = arith.addi %mul3A_2, %add3A_47 : i32
    "tpu.region"() ({
      %run_scoped3A = tpu.sem_alloc : memref<!tpu.dma_semaphore, #tpu.memory_space<semaphore_mem>>
      %dma_start3A = arith.constant 0 : i32
      %dma_start3A_49 = tpu.memref_slice %arg4[%arg0, %add3A_48, %dma_start3A] : memref<2x10240x128xf32, #tpu.memory_space<hbm>> -> memref<1x128x128xf32, #tpu.memory_space<hbm>>
      %dma_start3A_50 = tpu.memref_squeeze %dma_start3A_49 : memref<1x128x128xf32, #tpu.memory_space<hbm>> -> memref<128x128xf32, #tpu.memory_space<hbm>>
      %dma_start3A_51 = arith.constant 0 : i32
      %dma_start3A_52 = tpu.memref_slice %arg4[%arg0, %add3A_48, %dma_start3A_51] : memref<2x10240x128xf32, #tpu.memory_space<hbm>> -> memref<1x128x128xf32, #tpu.memory_space<hbm>>
      %dma_start3A_53 = tpu.memref_squeeze %dma_start3A_52 : memref<1x128x128xf32, #tpu.memory_space<hbm>> -> memref<128x128xf32, #tpu.memory_space<hbm>>
      tpu.enqueue_dma source(%arg6 : memref<128x128xf32, #tpu.memory_space<vmem>>) target(%dma_start3A_53 : memref<128x128xf32, #tpu.memory_space<hbm>>) target_semaphore(%run_scoped3A : memref<!tpu.dma_semaphore, #tpu.memory_space<semaphore_mem>>)
      %dma_wait3A = arith.constant 0 : i32
      %dma_wait3A_54 = tpu.memref_slice %arg4[%arg0, %add3A_48, %dma_wait3A] : memref<2x10240x128xf32, #tpu.memory_space<hbm>> -> memref<1x128x128xf32, #tpu.memory_space<hbm>>
      %dma_wait3A_55 = tpu.memref_squeeze %dma_wait3A_54 : memref<1x128x128xf32, #tpu.memory_space<hbm>> -> memref<128x128xf32, #tpu.memory_space<hbm>>
      %dma_wait3A_56 = arith.constant 0 : i32
      %dma_wait3A_57 = tpu.memref_slice %arg4[%arg0, %add3A_48, %dma_wait3A_56] : memref<2x10240x128xf32, #tpu.memory_space<hbm>> -> memref<1x128x128xf32, #tpu.memory_space<hbm>>
      %dma_wait3A_58 = tpu.memref_squeeze %dma_wait3A_57 : memref<1x128x128xf32, #tpu.memory_space<hbm>> -> memref<128x128xf32, #tpu.memory_space<hbm>>
      tpu.wait_dma2 semaphore(%run_scoped3A : memref<!tpu.dma_semaphore, #tpu.memory_space<semaphore_mem>>) src(%arg6 : memref<128x128xf32, #tpu.memory_space<vmem>>) dst(%dma_wait3A_58 : memref<128x128xf32, #tpu.memory_space<hbm>>)
      tpu.yield
    }) : () -> ()
    return
  }
}

#map = affine_map<(d0, d1) -> (0, 0)>
#map1 = affine_map<(d0, d1) -> (0, 0, 0)>
module attributes {stable_mosaic.version = 14 : i64} {
  func.func @_edge_kernel(%arg0: i32, %arg1: i32, %arg2: memref<10000x128xf32, #tpu.memory_space<hbm>>, %arg3: memref<5120x128xi32, #tpu.memory_space<hbm>>, %arg4: memref<2x10240x128xf32, #tpu.memory_space<hbm>>, %arg5: memref<160x128xi32, #tpu.memory_space<vmem>>, %arg6: memref<128x128xf32, #tpu.memory_space<vmem>>, %arg7: memref<10240x128xf32, #tpu.memory_space<vmem_shared>>) attributes {dimension_semantics = [#tpu.dimension_semantics<core_parallel>, #tpu.dimension_semantics<subcore_parallel>], iteration_bounds = array<i64: 2, 16>, scalar_prefetch = 0 : i64, scratch_operands = 3 : i64, tpu.core_type = #tpu.core_type<sc_vector_subcore>, window_params = [{transform_indices = #map}, {transform_indices = #map}, {transform_indices = #map1}]} {
    %mul3A = arith.constant 16 : i32
    %mul3A_0 = arith.muli %arg0, %mul3A : i32
    %add3A = arith.addi %mul3A_0, %arg1 : i32
    %mul3A_1 = arith.constant 640 : i32
    %mul3A_2 = arith.muli %arg1, %mul3A_1 : i32
    %mul3A_3 = arith.constant 80 : i32
    %mul3A_4 = arith.muli %add3A, %mul3A_3 : i32
    %scan3A = arith.constant 0 : i32
    %scan3A_5 = arith.constant 0 : i32
    %scan3A_6 = arith.constant 1024 : i32
    %scan3A_7 = arith.addi %scan3A_5, %scan3A_6 : i32
    %scan3A_8 = arith.constant 1 : i32
    scf.for %scan3A_49 = %scan3A_5 to %scan3A_7 step %scan3A_8  : i32 {
      %broadcast_in_dim3A = arith.constant 0.000000e+00 : f32
      %broadcast_in_dim3A_50 = vector.broadcast %broadcast_in_dim3A : f32 to vector<16xf32>
      %jit3A = arith.constant 8 : i32
      %div3A = arith.divsi %scan3A_49, %jit3A : i32
      %sign3A = arith.constant 0 : i32
      %sign3A_51 = arith.cmpi sgt, %scan3A_49, %sign3A : i32
      %sign3A_52 = arith.extui %sign3A_51 : i1 to i32
      %sign3A_53 = arith.constant 0 : i32
      %sign3A_54 = arith.cmpi slt, %scan3A_49, %sign3A_53 : i32
      %sign3A_55 = arith.extui %sign3A_54 : i1 to i32
      %sign3A_56 = arith.subi %sign3A_52, %sign3A_55 : i32
      %sign3A_57 = arith.constant 0 : i32
      %sign3A_58 = arith.cmpi sgt, %jit3A, %sign3A_57 : i32
      %sign3A_59 = arith.extui %sign3A_58 : i1 to i32
      %sign3A_60 = arith.constant 0 : i32
      %sign3A_61 = arith.cmpi slt, %jit3A, %sign3A_60 : i32
      %sign3A_62 = arith.extui %sign3A_61 : i1 to i32
      %sign3A_63 = arith.subi %sign3A_59, %sign3A_62 : i32
      %ne3A = arith.cmpi ne, %sign3A_56, %sign3A_63 : i32
      %rem3A = arith.remsi %scan3A_49, %jit3A : i32
      %ne3A_64 = arith.constant 0 : i32
      %ne3A_65 = arith.cmpi ne, %rem3A, %ne3A_64 : i32
      %and3A = arith.andi %ne3A, %ne3A_65 : i1
      %sub3A = arith.constant 1 : i32
      %sub3A_66 = arith.subi %div3A, %sub3A : i32
      %select_n3A = arith.select %and3A, %sub3A_66, %div3A : i32
      %jit3A_67 = arith.constant 8 : i32
      %eq3A = arith.constant 0 : i32
      %eq3A_68 = arith.cmpi eq, %jit3A_67, %eq3A : i32
      %jit3A_69 = arith.constant 1 : i32
      %select_n3A_70 = arith.select %eq3A_68, %jit3A_69, %jit3A_67 : i32
      %rem3A_71 = arith.remsi %scan3A_49, %select_n3A_70 : i32
      %ne3A_72 = arith.constant 0 : i32
      %ne3A_73 = arith.cmpi ne, %rem3A_71, %ne3A_72 : i32
      %lt3A = arith.constant 0 : i32
      %lt3A_74 = arith.cmpi slt, %rem3A_71, %lt3A : i32
      %lt3A_75 = arith.constant 0 : i32
      %lt3A_76 = arith.cmpi slt, %select_n3A_70, %lt3A_75 : i32
      %ne3A_77 = arith.xori %lt3A_74, %lt3A_76 : i1
      %and3A_78 = arith.andi %ne3A_77, %ne3A_73 : i1
      %add3A_79 = arith.addi %rem3A_71, %select_n3A_70 : i32
      %select_n3A_80 = arith.select %and3A_78, %add3A_79, %rem3A_71 : i32
      %mul3A_81 = arith.constant 16 : i32
      %mul3A_82 = arith.muli %select_n3A_80, %mul3A_81 : i32
      %swap3A = arith.index_cast %select_n3A : i32 to index
      %swap3A_83 = arith.index_cast %mul3A_82 : i32 to index
      %swap3A_84 = tpu.vector_load %arg6[%swap3A, %swap3A_83] {strides = array<i32>} : memref<128x128xf32, #tpu.memory_space<vmem>>, vector<1x16xf32>,
      %swap3A_85 = vector.shape_cast %swap3A_84 : vector<1x16xf32> to vector<16xf32>
      %swap3A_86 = vector.shape_cast %broadcast_in_dim3A_50 : vector<16xf32> to vector<1x16xf32>
      tpu.vector_store %arg6[%swap3A, %swap3A_83], %swap3A_86 {strides = array<i32>} : memref<128x128xf32, #tpu.memory_space<vmem>>, vector<1x16xf32>,
    }
    %scan3A_9 = arith.constant 1024 : i32
    %add3A_10 = arith.constant 0 : i32
    %add3A_11 = arith.addi %mul3A_2, %add3A_10 : i32
    "tpu.region"() ({
      %run_scoped3A = tpu.sem_alloc : memref<!tpu.dma_semaphore, #tpu.memory_space<semaphore_mem>>
      %dma_start3A = arith.constant 0 : i32
      %dma_start3A_49 = tpu.memref_slice %arg7[%add3A_11, %dma_start3A] : memref<10240x128xf32, #tpu.memory_space<vmem_shared>> -> memref<128x128xf32, #tpu.memory_space<vmem_shared>>
      %dma_start3A_50 = arith.constant 0 : i32
      %dma_start3A_51 = tpu.memref_slice %arg7[%add3A_11, %dma_start3A_50] : memref<10240x128xf32, #tpu.memory_space<vmem_shared>> -> memref<128x128xf32, #tpu.memory_space<vmem_shared>>
      tpu.enqueue_dma source(%arg6 : memref<128x128xf32, #tpu.memory_space<vmem>>) target(%dma_start3A_51 : memref<128x128xf32, #tpu.memory_space<vmem_shared>>) target_semaphore(%run_scoped3A : memref<!tpu.dma_semaphore, #tpu.memory_space<semaphore_mem>>)
      %dma_wait3A = arith.constant 0 : i32
      %dma_wait3A_52 = tpu.memref_slice %arg7[%add3A_11, %dma_wait3A] : memref<10240x128xf32, #tpu.memory_space<vmem_shared>> -> memref<128x128xf32, #tpu.memory_space<vmem_shared>>
      %dma_wait3A_53 = arith.constant 0 : i32
      %dma_wait3A_54 = tpu.memref_slice %arg7[%add3A_11, %dma_wait3A_53] : memref<10240x128xf32, #tpu.memory_space<vmem_shared>> -> memref<128x128xf32, #tpu.memory_space<vmem_shared>>
      tpu.wait_dma2 semaphore(%run_scoped3A : memref<!tpu.dma_semaphore, #tpu.memory_space<semaphore_mem>>) src(%arg6 : memref<128x128xf32, #tpu.memory_space<vmem>>) dst(%dma_wait3A_54 : memref<128x128xf32, #tpu.memory_space<vmem_shared>>)
      tpu.yield
    }) : () -> ()
    %add3A_12 = arith.constant 128 : i32
    %add3A_13 = arith.addi %mul3A_2, %add3A_12 : i32
    "tpu.region"() ({
      %run_scoped3A = tpu.sem_alloc : memref<!tpu.dma_semaphore, #tpu.memory_space<semaphore_mem>>
      %dma_start3A = arith.constant 0 : i32
      %dma_start3A_49 = tpu.memref_slice %arg7[%add3A_13, %dma_start3A] : memref<10240x128xf32, #tpu.memory_space<vmem_shared>> -> memref<128x128xf32, #tpu.memory_space<vmem_shared>>
      %dma_start3A_50 = arith.constant 0 : i32
      %dma_start3A_51 = tpu.memref_slice %arg7[%add3A_13, %dma_start3A_50] : memref<10240x128xf32, #tpu.memory_space<vmem_shared>> -> memref<128x128xf32, #tpu.memory_space<vmem_shared>>
      tpu.enqueue_dma source(%arg6 : memref<128x128xf32, #tpu.memory_space<vmem>>) target(%dma_start3A_51 : memref<128x128xf32, #tpu.memory_space<vmem_shared>>) target_semaphore(%run_scoped3A : memref<!tpu.dma_semaphore, #tpu.memory_space<semaphore_mem>>)
      %dma_wait3A = arith.constant 0 : i32
      %dma_wait3A_52 = tpu.memref_slice %arg7[%add3A_13, %dma_wait3A] : memref<10240x128xf32, #tpu.memory_space<vmem_shared>> -> memref<128x128xf32, #tpu.memory_space<vmem_shared>>
      %dma_wait3A_53 = arith.constant 0 : i32
      %dma_wait3A_54 = tpu.memref_slice %arg7[%add3A_13, %dma_wait3A_53] : memref<10240x128xf32, #tpu.memory_space<vmem_shared>> -> memref<128x128xf32, #tpu.memory_space<vmem_shared>>
      tpu.wait_dma2 semaphore(%run_scoped3A : memref<!tpu.dma_semaphore, #tpu.memory_space<semaphore_mem>>) src(%arg6 : memref<128x128xf32, #tpu.memory_space<vmem>>) dst(%dma_wait3A_54 : memref<128x128xf32, #tpu.memory_space<vmem_shared>>)
      tpu.yield
    }) : () -> ()
    %add3A_14 = arith.constant 256 : i32
    %add3A_15 = arith.addi %mul3A_2, %add3A_14 : i32
    "tpu.region"() ({
      %run_scoped3A = tpu.sem_alloc : memref<!tpu.dma_semaphore, #tpu.memory_space<semaphore_mem>>
      %dma_start3A = arith.constant 0 : i32
      %dma_start3A_49 = tpu.memref_slice %arg7[%add3A_15, %dma_start3A] : memref<10240x128xf32, #tpu.memory_space<vmem_shared>> -> memref<128x128xf32, #tpu.memory_space<vmem_shared>>
      %dma_start3A_50 = arith.constant 0 : i32
      %dma_start3A_51 = tpu.memref_slice %arg7[%add3A_15, %dma_start3A_50] : memref<10240x128xf32, #tpu.memory_space<vmem_shared>> -> memref<128x128xf32, #tpu.memory_space<vmem_shared>>
      tpu.enqueue_dma source(%arg6 : memref<128x128xf32, #tpu.memory_space<vmem>>) target(%dma_start3A_51 : memref<128x128xf32, #tpu.memory_space<vmem_shared>>) target_semaphore(%run_scoped3A : memref<!tpu.dma_semaphore, #tpu.memory_space<semaphore_mem>>)
      %dma_wait3A = arith.constant 0 : i32
      %dma_wait3A_52 = tpu.memref_slice %arg7[%add3A_15, %dma_wait3A] : memref<10240x128xf32, #tpu.memory_space<vmem_shared>> -> memref<128x128xf32, #tpu.memory_space<vmem_shared>>
      %dma_wait3A_53 = arith.constant 0 : i32
      %dma_wait3A_54 = tpu.memref_slice %arg7[%add3A_15, %dma_wait3A_53] : memref<10240x128xf32, #tpu.memory_space<vmem_shared>> -> memref<128x128xf32, #tpu.memory_space<vmem_shared>>
      tpu.wait_dma2 semaphore(%run_scoped3A : memref<!tpu.dma_semaphore, #tpu.memory_space<semaphore_mem>>) src(%arg6 : memref<128x128xf32, #tpu.memory_space<vmem>>) dst(%dma_wait3A_54 : memref<128x128xf32, #tpu.memory_space<vmem_shared>>)
      tpu.yield
    }) : () -> ()
    %add3A_16 = arith.constant 384 : i32
    %add3A_17 = arith.addi %mul3A_2, %add3A_16 : i32
    "tpu.region"() ({
      %run_scoped3A = tpu.sem_alloc : memref<!tpu.dma_semaphore, #tpu.memory_space<semaphore_mem>>
      %dma_start3A = arith.constant 0 : i32
      %dma_start3A_49 = tpu.memref_slice %arg7[%add3A_17, %dma_start3A] : memref<10240x128xf32, #tpu.memory_space<vmem_shared>> -> memref<128x128xf32, #tpu.memory_space<vmem_shared>>
      %dma_start3A_50 = arith.constant 0 : i32
      %dma_start3A_51 = tpu.memref_slice %arg7[%add3A_17, %dma_start3A_50] : memref<10240x128xf32, #tpu.memory_space<vmem_shared>> -> memref<128x128xf32, #tpu.memory_space<vmem_shared>>
      tpu.enqueue_dma source(%arg6 : memref<128x128xf32, #tpu.memory_space<vmem>>) target(%dma_start3A_51 : memref<128x128xf32, #tpu.memory_space<vmem_shared>>) target_semaphore(%run_scoped3A : memref<!tpu.dma_semaphore, #tpu.memory_space<semaphore_mem>>)
      %dma_wait3A = arith.constant 0 : i32
      %dma_wait3A_52 = tpu.memref_slice %arg7[%add3A_17, %dma_wait3A] : memref<10240x128xf32, #tpu.memory_space<vmem_shared>> -> memref<128x128xf32, #tpu.memory_space<vmem_shared>>
      %dma_wait3A_53 = arith.constant 0 : i32
      %dma_wait3A_54 = tpu.memref_slice %arg7[%add3A_17, %dma_wait3A_53] : memref<10240x128xf32, #tpu.memory_space<vmem_shared>> -> memref<128x128xf32, #tpu.memory_space<vmem_shared>>
      tpu.wait_dma2 semaphore(%run_scoped3A : memref<!tpu.dma_semaphore, #tpu.memory_space<semaphore_mem>>) src(%arg6 : memref<128x128xf32, #tpu.memory_space<vmem>>) dst(%dma_wait3A_54 : memref<128x128xf32, #tpu.memory_space<vmem_shared>>)
      tpu.yield
    }) : () -> ()
    %add3A_18 = arith.constant 512 : i32
    %add3A_19 = arith.addi %mul3A_2, %add3A_18 : i32
    "tpu.region"() ({
      %run_scoped3A = tpu.sem_alloc : memref<!tpu.dma_semaphore, #tpu.memory_space<semaphore_mem>>
      %dma_start3A = arith.constant 0 : i32
      %dma_start3A_49 = tpu.memref_slice %arg7[%add3A_19, %dma_start3A] : memref<10240x128xf32, #tpu.memory_space<vmem_shared>> -> memref<128x128xf32, #tpu.memory_space<vmem_shared>>
      %dma_start3A_50 = arith.constant 0 : i32
      %dma_start3A_51 = tpu.memref_slice %arg7[%add3A_19, %dma_start3A_50] : memref<10240x128xf32, #tpu.memory_space<vmem_shared>> -> memref<128x128xf32, #tpu.memory_space<vmem_shared>>
      tpu.enqueue_dma source(%arg6 : memref<128x128xf32, #tpu.memory_space<vmem>>) target(%dma_start3A_51 : memref<128x128xf32, #tpu.memory_space<vmem_shared>>) target_semaphore(%run_scoped3A : memref<!tpu.dma_semaphore, #tpu.memory_space<semaphore_mem>>)
      %dma_wait3A = arith.constant 0 : i32
      %dma_wait3A_52 = tpu.memref_slice %arg7[%add3A_19, %dma_wait3A] : memref<10240x128xf32, #tpu.memory_space<vmem_shared>> -> memref<128x128xf32, #tpu.memory_space<vmem_shared>>
      %dma_wait3A_53 = arith.constant 0 : i32
      %dma_wait3A_54 = tpu.memref_slice %arg7[%add3A_19, %dma_wait3A_53] : memref<10240x128xf32, #tpu.memory_space<vmem_shared>> -> memref<128x128xf32, #tpu.memory_space<vmem_shared>>
      tpu.wait_dma2 semaphore(%run_scoped3A : memref<!tpu.dma_semaphore, #tpu.memory_space<semaphore_mem>>) src(%arg6 : memref<128x128xf32, #tpu.memory_space<vmem>>) dst(%dma_wait3A_54 : memref<128x128xf32, #tpu.memory_space<vmem_shared>>)
      tpu.yield
    }) : () -> ()
    %barrier3A = arith.constant 0 : index
    tpu.barrier barrier_id(%barrier3A)
    %mul3A_20 = arith.constant 2 : i32
    %mul3A_21 = arith.muli %mul3A_20, %mul3A_4 : i32
    "tpu.region"() ({
      %run_scoped3A = tpu.sem_alloc : memref<!tpu.dma_semaphore, #tpu.memory_space<semaphore_mem>>
      %dma_start3A = arith.constant 0 : i32
      %dma_start3A_49 = tpu.memref_slice %arg3[%mul3A_21, %dma_start3A] : memref<5120x128xi32, #tpu.memory_space<hbm>> -> memref<160x128xi32, #tpu.memory_space<hbm>>
      %dma_start3A_50 = arith.constant 0 : i32
      %dma_start3A_51 = tpu.memref_slice %arg3[%mul3A_21, %dma_start3A_50] : memref<5120x128xi32, #tpu.memory_space<hbm>> -> memref<160x128xi32, #tpu.memory_space<hbm>>
      tpu.enqueue_dma source(%dma_start3A_51 : memref<160x128xi32, #tpu.memory_space<hbm>>) target(%arg5 : memref<160x128xi32, #tpu.memory_space<vmem>>) target_semaphore(%run_scoped3A : memref<!tpu.dma_semaphore, #tpu.memory_space<semaphore_mem>>)
      %dma_wait3A = arith.constant 0 : i32
      %dma_wait3A_52 = tpu.memref_slice %arg3[%mul3A_21, %dma_wait3A] : memref<5120x128xi32, #tpu.memory_space<hbm>> -> memref<160x128xi32, #tpu.memory_space<hbm>>
      %dma_wait3A_53 = arith.constant 0 : i32
      %dma_wait3A_54 = tpu.memref_slice %arg3[%mul3A_21, %dma_wait3A_53] : memref<5120x128xi32, #tpu.memory_space<hbm>> -> memref<160x128xi32, #tpu.memory_space<hbm>>
      tpu.wait_dma2 semaphore(%run_scoped3A : memref<!tpu.dma_semaphore, #tpu.memory_space<semaphore_mem>>) src(%dma_wait3A_54 : memref<160x128xi32, #tpu.memory_space<hbm>>) dst(%arg5 : memref<160x128xi32, #tpu.memory_space<vmem>>)
      tpu.yield
    }) : () -> ()
    %scan3A_22 = arith.constant 0 : i32
    %scan3A_23 = arith.constant 0 : i32
    %scan3A_24 = arith.constant 80 : i32
    %scan3A_25 = arith.addi %scan3A_23, %scan3A_24 : i32
    %scan3A_26 = arith.constant 1 : i32
    scf.for %scan3A_49 = %scan3A_23 to %scan3A_25 step %scan3A_26  : i32 {
      %mul3A_50 = arith.constant 2 : i32
      %mul3A_51 = arith.muli %mul3A_50, %scan3A_49 : i32
      "tpu.region"() ({
        %run_scoped3A = tpu.sem_alloc : memref<!tpu.dma_semaphore, #tpu.memory_space<semaphore_mem>>
        %dma_start3A = arith.constant 0 : i32
        %dma_start3A_56 = tpu.memref_slice %arg5[%mul3A_51, %dma_start3A] : memref<160x128xi32, #tpu.memory_space<vmem>> -> memref<1x128xi32, #tpu.memory_space<vmem>>
        %dma_start3A_57 = tpu.memref_squeeze %dma_start3A_56 : memref<1x128xi32, #tpu.memory_space<vmem>> -> memref<128xi32, #tpu.memory_space<vmem>>
        %dma_start3A_58 = arith.constant 0 : i32
        %dma_start3A_59 = arith.constant 0 : i32
        %dma_start3A_60 = tpu.memref_slice %arg2[%dma_start3A_58, %dma_start3A_59] : memref<10000x128xf32, #tpu.memory_space<hbm>> -> memref<10000x128xf32, #tpu.memory_space<hbm>>
        tpu.enqueue_indirect_dma source(%dma_start3A_60 : memref<10000x128xf32, #tpu.memory_space<hbm>>) target(%arg6 : memref<128x128xf32, #tpu.memory_space<vmem>>) offsets(%dma_start3A_57 : memref<128xi32, #tpu.memory_space<vmem>>) semaphore(%run_scoped3A : memref<!tpu.dma_semaphore, #tpu.memory_space<semaphore_mem>>)
        %dma_wait3A = arith.constant 0 : i32
        %dma_wait3A_61 = tpu.memref_slice %arg5[%mul3A_51, %dma_wait3A] : memref<160x128xi32, #tpu.memory_space<vmem>> -> memref<1x128xi32, #tpu.memory_space<vmem>>
        %dma_wait3A_62 = tpu.memref_squeeze %dma_wait3A_61 : memref<1x128xi32, #tpu.memory_space<vmem>> -> memref<128xi32, #tpu.memory_space<vmem>>
        %dma_wait3A_63 = arith.constant 0 : i32
        %dma_wait3A_64 = arith.constant 0 : i32
        %dma_wait3A_65 = tpu.memref_slice %arg2[%dma_wait3A_63, %dma_wait3A_64] : memref<10000x128xf32, #tpu.memory_space<hbm>> -> memref<10000x128xf32, #tpu.memory_space<hbm>>
        tpu.wait_indirect_dma semaphore(%run_scoped3A : memref<!tpu.dma_semaphore, #tpu.memory_space<semaphore_mem>>) src(%dma_wait3A_65 : memref<10000x128xf32, #tpu.memory_space<hbm>>) dst(%arg6 : memref<128x128xf32, #tpu.memory_space<vmem>>)
        tpu.yield
      }) : () -> ()
      %mul3A_52 = arith.constant 2 : i32
      %mul3A_53 = arith.muli %mul3A_52, %scan3A_49 : i32
      %add3A_54 = arith.constant 1 : i32
      %add3A_55 = arith.addi %mul3A_53, %add3A_54 : i32
      "tpu.region"() ({
        %run_scoped3A = tpu.sem_alloc : memref<!tpu.dma_semaphore, #tpu.memory_space<semaphore_mem>>
        %dma_start3A = arith.constant 0 : i32
        %dma_start3A_56 = tpu.memref_slice %arg5[%add3A_55, %dma_start3A] : memref<160x128xi32, #tpu.memory_space<vmem>> -> memref<1x128xi32, #tpu.memory_space<vmem>>
        %dma_start3A_57 = tpu.memref_squeeze %dma_start3A_56 : memref<1x128xi32, #tpu.memory_space<vmem>> -> memref<128xi32, #tpu.memory_space<vmem>>
        %dma_start3A_58 = arith.constant 0 : i32
        %dma_start3A_59 = arith.constant 0 : i32
        %dma_start3A_60 = tpu.memref_slice %arg7[%dma_start3A_58, %dma_start3A_59] : memref<10240x128xf32, #tpu.memory_space<vmem_shared>> -> memref<10240x128xf32, #tpu.memory_space<vmem_shared>>
        tpu.enqueue_indirect_dma source(%arg6 : memref<128x128xf32, #tpu.memory_space<vmem>>) target(%dma_start3A_60 : memref<10240x128xf32, #tpu.memory_space<vmem_shared>>) offsets(%dma_start3A_57 : memref<128xi32, #tpu.memory_space<vmem>>) semaphore(%run_scoped3A : memref<!tpu.dma_semaphore, #tpu.memory_space<semaphore_mem>>) {add = true}
        %dma_wait3A = arith.constant 0 : i32
        %dma_wait3A_61 = tpu.memref_slice %arg5[%add3A_55, %dma_wait3A] : memref<160x128xi32, #tpu.memory_space<vmem>> -> memref<1x128xi32, #tpu.memory_space<vmem>>
        %dma_wait3A_62 = tpu.memref_squeeze %dma_wait3A_61 : memref<1x128xi32, #tpu.memory_space<vmem>> -> memref<128xi32, #tpu.memory_space<vmem>>
        %dma_wait3A_63 = arith.constant 0 : i32
        %dma_wait3A_64 = arith.constant 0 : i32
        %dma_wait3A_65 = tpu.memref_slice %arg7[%dma_wait3A_63, %dma_wait3A_64] : memref<10240x128xf32, #tpu.memory_space<vmem_shared>> -> memref<10240x128xf32, #tpu.memory_space<vmem_shared>>
        tpu.wait_indirect_dma semaphore(%run_scoped3A : memref<!tpu.dma_semaphore, #tpu.memory_space<semaphore_mem>>) src(%arg6 : memref<128x128xf32, #tpu.memory_space<vmem>>) dst(%dma_wait3A_65 : memref<10240x128xf32, #tpu.memory_space<vmem_shared>>)
        tpu.yield
      }) : () -> ()
    }
    %scan3A_27 = arith.constant 80 : i32
    %barrier3A_28 = arith.constant 0 : index
    tpu.barrier barrier_id(%barrier3A_28)
    %add3A_29 = arith.constant 0 : i32
    %add3A_30 = arith.addi %mul3A_2, %add3A_29 : i32
    "tpu.region"() ({
      %run_scoped3A = tpu.sem_alloc : memref<!tpu.dma_semaphore, #tpu.memory_space<semaphore_mem>>
      %dma_start3A = arith.constant 0 : i32
      %dma_start3A_49 = tpu.memref_slice %arg7[%add3A_30, %dma_start3A] : memref<10240x128xf32, #tpu.memory_space<vmem_shared>> -> memref<128x128xf32, #tpu.memory_space<vmem_shared>>
      %dma_start3A_50 = arith.constant 0 : i32
      %dma_start3A_51 = tpu.memref_slice %arg7[%add3A_30, %dma_start3A_50] : memref<10240x128xf32, #tpu.memory_space<vmem_shared>> -> memref<128x128xf32, #tpu.memory_space<vmem_shared>>
      tpu.enqueue_dma source(%dma_start3A_51 : memref<128x128xf32, #tpu.memory_space<vmem_shared>>) target(%arg6 : memref<128x128xf32, #tpu.memory_space<vmem>>) target_semaphore(%run_scoped3A : memref<!tpu.dma_semaphore, #tpu.memory_space<semaphore_mem>>)
      %dma_wait3A = arith.constant 0 : i32
      %dma_wait3A_52 = tpu.memref_slice %arg7[%add3A_30, %dma_wait3A] : memref<10240x128xf32, #tpu.memory_space<vmem_shared>> -> memref<128x128xf32, #tpu.memory_space<vmem_shared>>
      %dma_wait3A_53 = arith.constant 0 : i32
      %dma_wait3A_54 = tpu.memref_slice %arg7[%add3A_30, %dma_wait3A_53] : memref<10240x128xf32, #tpu.memory_space<vmem_shared>> -> memref<128x128xf32, #tpu.memory_space<vmem_shared>>
      tpu.wait_dma2 semaphore(%run_scoped3A : memref<!tpu.dma_semaphore, #tpu.memory_space<semaphore_mem>>) src(%dma_wait3A_54 : memref<128x128xf32, #tpu.memory_space<vmem_shared>>) dst(%arg6 : memref<128x128xf32, #tpu.memory_space<vmem>>)
      tpu.yield
    }) : () -> ()
    %add3A_31 = arith.constant 0 : i32
    %add3A_32 = arith.addi %mul3A_2, %add3A_31 : i32
    "tpu.region"() ({
      %run_scoped3A = tpu.sem_alloc : memref<!tpu.dma_semaphore, #tpu.memory_space<semaphore_mem>>
      %dma_start3A = arith.constant 0 : i32
      %dma_start3A_49 = tpu.memref_slice %arg4[%arg0, %add3A_32, %dma_start3A] : memref<2x10240x128xf32, #tpu.memory_space<hbm>> -> memref<1x128x128xf32, #tpu.memory_space<hbm>>
      %dma_start3A_50 = tpu.memref_squeeze %dma_start3A_49 : memref<1x128x128xf32, #tpu.memory_space<hbm>> -> memref<128x128xf32, #tpu.memory_space<hbm>>
      %dma_start3A_51 = arith.constant 0 : i32
      %dma_start3A_52 = tpu.memref_slice %arg4[%arg0, %add3A_32, %dma_start3A_51] : memref<2x10240x128xf32, #tpu.memory_space<hbm>> -> memref<1x128x128xf32, #tpu.memory_space<hbm>>
      %dma_start3A_53 = tpu.memref_squeeze %dma_start3A_52 : memref<1x128x128xf32, #tpu.memory_space<hbm>> -> memref<128x128xf32, #tpu.memory_space<hbm>>
      tpu.enqueue_dma source(%arg6 : memref<128x128xf32, #tpu.memory_space<vmem>>) target(%dma_start3A_53 : memref<128x128xf32, #tpu.memory_space<hbm>>) target_semaphore(%run_scoped3A : memref<!tpu.dma_semaphore, #tpu.memory_space<semaphore_mem>>)
      %dma_wait3A = arith.constant 0 : i32
      %dma_wait3A_54 = tpu.memref_slice %arg4[%arg0, %add3A_32, %dma_wait3A] : memref<2x10240x128xf32, #tpu.memory_space<hbm>> -> memref<1x128x128xf32, #tpu.memory_space<hbm>>
      %dma_wait3A_55 = tpu.memref_squeeze %dma_wait3A_54 : memref<1x128x128xf32, #tpu.memory_space<hbm>> -> memref<128x128xf32, #tpu.memory_space<hbm>>
      %dma_wait3A_56 = arith.constant 0 : i32
      %dma_wait3A_57 = tpu.memref_slice %arg4[%arg0, %add3A_32, %dma_wait3A_56] : memref<2x10240x128xf32, #tpu.memory_space<hbm>> -> memref<1x128x128xf32, #tpu.memory_space<hbm>>
      %dma_wait3A_58 = tpu.memref_squeeze %dma_wait3A_57 : memref<1x128x128xf32, #tpu.memory_space<hbm>> -> memref<128x128xf32, #tpu.memory_space<hbm>>
      tpu.wait_dma2 semaphore(%run_scoped3A : memref<!tpu.dma_semaphore, #tpu.memory_space<semaphore_mem>>) src(%arg6 : memref<128x128xf32, #tpu.memory_space<vmem>>) dst(%dma_wait3A_58 : memref<128x128xf32, #tpu.memory_space<hbm>>)
      tpu.yield
    }) : () -> ()
    %add3A_33 = arith.constant 128 : i32
    %add3A_34 = arith.addi %mul3A_2, %add3A_33 : i32
    "tpu.region"() ({
      %run_scoped3A = tpu.sem_alloc : memref<!tpu.dma_semaphore, #tpu.memory_space<semaphore_mem>>
      %dma_start3A = arith.constant 0 : i32
      %dma_start3A_49 = tpu.memref_slice %arg7[%add3A_34, %dma_start3A] : memref<10240x128xf32, #tpu.memory_space<vmem_shared>> -> memref<128x128xf32, #tpu.memory_space<vmem_shared>>
      %dma_start3A_50 = arith.constant 0 : i32
      %dma_start3A_51 = tpu.memref_slice %arg7[%add3A_34, %dma_start3A_50] : memref<10240x128xf32, #tpu.memory_space<vmem_shared>> -> memref<128x128xf32, #tpu.memory_space<vmem_shared>>
      tpu.enqueue_dma source(%dma_start3A_51 : memref<128x128xf32, #tpu.memory_space<vmem_shared>>) target(%arg6 : memref<128x128xf32, #tpu.memory_space<vmem>>) target_semaphore(%run_scoped3A : memref<!tpu.dma_semaphore, #tpu.memory_space<semaphore_mem>>)
      %dma_wait3A = arith.constant 0 : i32
      %dma_wait3A_52 = tpu.memref_slice %arg7[%add3A_34, %dma_wait3A] : memref<10240x128xf32, #tpu.memory_space<vmem_shared>> -> memref<128x128xf32, #tpu.memory_space<vmem_shared>>
      %dma_wait3A_53 = arith.constant 0 : i32
      %dma_wait3A_54 = tpu.memref_slice %arg7[%add3A_34, %dma_wait3A_53] : memref<10240x128xf32, #tpu.memory_space<vmem_shared>> -> memref<128x128xf32, #tpu.memory_space<vmem_shared>>
      tpu.wait_dma2 semaphore(%run_scoped3A : memref<!tpu.dma_semaphore, #tpu.memory_space<semaphore_mem>>) src(%dma_wait3A_54 : memref<128x128xf32, #tpu.memory_space<vmem_shared>>) dst(%arg6 : memref<128x128xf32, #tpu.memory_space<vmem>>)
      tpu.yield
    }) : () -> ()
    %add3A_35 = arith.constant 128 : i32
    %add3A_36 = arith.addi %mul3A_2, %add3A_35 : i32
    "tpu.region"() ({
      %run_scoped3A = tpu.sem_alloc : memref<!tpu.dma_semaphore, #tpu.memory_space<semaphore_mem>>
      %dma_start3A = arith.constant 0 : i32
      %dma_start3A_49 = tpu.memref_slice %arg4[%arg0, %add3A_36, %dma_start3A] : memref<2x10240x128xf32, #tpu.memory_space<hbm>> -> memref<1x128x128xf32, #tpu.memory_space<hbm>>
      %dma_start3A_50 = tpu.memref_squeeze %dma_start3A_49 : memref<1x128x128xf32, #tpu.memory_space<hbm>> -> memref<128x128xf32, #tpu.memory_space<hbm>>
      %dma_start3A_51 = arith.constant 0 : i32
      %dma_start3A_52 = tpu.memref_slice %arg4[%arg0, %add3A_36, %dma_start3A_51] : memref<2x10240x128xf32, #tpu.memory_space<hbm>> -> memref<1x128x128xf32, #tpu.memory_space<hbm>>
      %dma_start3A_53 = tpu.memref_squeeze %dma_start3A_52 : memref<1x128x128xf32, #tpu.memory_space<hbm>> -> memref<128x128xf32, #tpu.memory_space<hbm>>
      tpu.enqueue_dma source(%arg6 : memref<128x128xf32, #tpu.memory_space<vmem>>) target(%dma_start3A_53 : memref<128x128xf32, #tpu.memory_space<hbm>>) target_semaphore(%run_scoped3A : memref<!tpu.dma_semaphore, #tpu.memory_space<semaphore_mem>>)
      %dma_wait3A = arith.constant 0 : i32
      %dma_wait3A_54 = tpu.memref_slice %arg4[%arg0, %add3A_36, %dma_wait3A] : memref<2x10240x128xf32, #tpu.memory_space<hbm>> -> memref<1x128x128xf32, #tpu.memory_space<hbm>>
      %dma_wait3A_55 = tpu.memref_squeeze %dma_wait3A_54 : memref<1x128x128xf32, #tpu.memory_space<hbm>> -> memref<128x128xf32, #tpu.memory_space<hbm>>
      %dma_wait3A_56 = arith.constant 0 : i32
      %dma_wait3A_57 = tpu.memref_slice %arg4[%arg0, %add3A_36, %dma_wait3A_56] : memref<2x10240x128xf32, #tpu.memory_space<hbm>> -> memref<1x128x128xf32, #tpu.memory_space<hbm>>
      %dma_wait3A_58 = tpu.memref_squeeze %dma_wait3A_57 : memref<1x128x128xf32, #tpu.memory_space<hbm>> -> memref<128x128xf32, #tpu.memory_space<hbm>>
      tpu.wait_dma2 semaphore(%run_scoped3A : memref<!tpu.dma_semaphore, #tpu.memory_space<semaphore_mem>>) src(%arg6 : memref<128x128xf32, #tpu.memory_space<vmem>>) dst(%dma_wait3A_58 : memref<128x128xf32, #tpu.memory_space<hbm>>)
      tpu.yield
    }) : () -> ()
    %add3A_37 = arith.constant 256 : i32
    %add3A_38 = arith.addi %mul3A_2, %add3A_37 : i32
    "tpu.region"() ({
      %run_scoped3A = tpu.sem_alloc : memref<!tpu.dma_semaphore, #tpu.memory_space<semaphore_mem>>
      %dma_start3A = arith.constant 0 : i32
      %dma_start3A_49 = tpu.memref_slice %arg7[%add3A_38, %dma_start3A] : memref<10240x128xf32, #tpu.memory_space<vmem_shared>> -> memref<128x128xf32, #tpu.memory_space<vmem_shared>>
      %dma_start3A_50 = arith.constant 0 : i32
      %dma_start3A_51 = tpu.memref_slice %arg7[%add3A_38, %dma_start3A_50] : memref<10240x128xf32, #tpu.memory_space<vmem_shared>> -> memref<128x128xf32, #tpu.memory_space<vmem_shared>>
      tpu.enqueue_dma source(%dma_start3A_51 : memref<128x128xf32, #tpu.memory_space<vmem_shared>>) target(%arg6 : memref<128x128xf32, #tpu.memory_space<vmem>>) target_semaphore(%run_scoped3A : memref<!tpu.dma_semaphore, #tpu.memory_space<semaphore_mem>>)
      %dma_wait3A = arith.constant 0 : i32
      %dma_wait3A_52 = tpu.memref_slice %arg7[%add3A_38, %dma_wait3A] : memref<10240x128xf32, #tpu.memory_space<vmem_shared>> -> memref<128x128xf32, #tpu.memory_space<vmem_shared>>
      %dma_wait3A_53 = arith.constant 0 : i32
      %dma_wait3A_54 = tpu.memref_slice %arg7[%add3A_38, %dma_wait3A_53] : memref<10240x128xf32, #tpu.memory_space<vmem_shared>> -> memref<128x128xf32, #tpu.memory_space<vmem_shared>>
      tpu.wait_dma2 semaphore(%run_scoped3A : memref<!tpu.dma_semaphore, #tpu.memory_space<semaphore_mem>>) src(%dma_wait3A_54 : memref<128x128xf32, #tpu.memory_space<vmem_shared>>) dst(%arg6 : memref<128x128xf32, #tpu.memory_space<vmem>>)
      tpu.yield
    }) : () -> ()
    %add3A_39 = arith.constant 256 : i32
    %add3A_40 = arith.addi %mul3A_2, %add3A_39 : i32
    "tpu.region"() ({
      %run_scoped3A = tpu.sem_alloc : memref<!tpu.dma_semaphore, #tpu.memory_space<semaphore_mem>>
      %dma_start3A = arith.constant 0 : i32
      %dma_start3A_49 = tpu.memref_slice %arg4[%arg0, %add3A_40, %dma_start3A] : memref<2x10240x128xf32, #tpu.memory_space<hbm>> -> memref<1x128x128xf32, #tpu.memory_space<hbm>>
      %dma_start3A_50 = tpu.memref_squeeze %dma_start3A_49 : memref<1x128x128xf32, #tpu.memory_space<hbm>> -> memref<128x128xf32, #tpu.memory_space<hbm>>
      %dma_start3A_51 = arith.constant 0 : i32
      %dma_start3A_52 = tpu.memref_slice %arg4[%arg0, %add3A_40, %dma_start3A_51] : memref<2x10240x128xf32, #tpu.memory_space<hbm>> -> memref<1x128x128xf32, #tpu.memory_space<hbm>>
      %dma_start3A_53 = tpu.memref_squeeze %dma_start3A_52 : memref<1x128x128xf32, #tpu.memory_space<hbm>> -> memref<128x128xf32, #tpu.memory_space<hbm>>
      tpu.enqueue_dma source(%arg6 : memref<128x128xf32, #tpu.memory_space<vmem>>) target(%dma_start3A_53 : memref<128x128xf32, #tpu.memory_space<hbm>>) target_semaphore(%run_scoped3A : memref<!tpu.dma_semaphore, #tpu.memory_space<semaphore_mem>>)
      %dma_wait3A = arith.constant 0 : i32
      %dma_wait3A_54 = tpu.memref_slice %arg4[%arg0, %add3A_40, %dma_wait3A] : memref<2x10240x128xf32, #tpu.memory_space<hbm>> -> memref<1x128x128xf32, #tpu.memory_space<hbm>>
      %dma_wait3A_55 = tpu.memref_squeeze %dma_wait3A_54 : memref<1x128x128xf32, #tpu.memory_space<hbm>> -> memref<128x128xf32, #tpu.memory_space<hbm>>
      %dma_wait3A_56 = arith.constant 0 : i32
      %dma_wait3A_57 = tpu.memref_slice %arg4[%arg0, %add3A_40, %dma_wait3A_56] : memref<2x10240x128xf32, #tpu.memory_space<hbm>> -> memref<1x128x128xf32, #tpu.memory_space<hbm>>
      %dma_wait3A_58 = tpu.memref_squeeze %dma_wait3A_57 : memref<1x128x128xf32, #tpu.memory_space<hbm>> -> memref<128x128xf32, #tpu.memory_space<hbm>>
      tpu.wait_dma2 semaphore(%run_scoped3A : memref<!tpu.dma_semaphore, #tpu.memory_space<semaphore_mem>>) src(%arg6 : memref<128x128xf32, #tpu.memory_space<vmem>>) dst(%dma_wait3A_58 : memref<128x128xf32, #tpu.memory_space<hbm>>)
      tpu.yield
    }) : () -> ()
    %add3A_41 = arith.constant 384 : i32
    %add3A_42 = arith.addi %mul3A_2, %add3A_41 : i32
    "tpu.region"() ({
      %run_scoped3A = tpu.sem_alloc : memref<!tpu.dma_semaphore, #tpu.memory_space<semaphore_mem>>
      %dma_start3A = arith.constant 0 : i32
      %dma_start3A_49 = tpu.memref_slice %arg7[%add3A_42, %dma_start3A] : memref<10240x128xf32, #tpu.memory_space<vmem_shared>> -> memref<128x128xf32, #tpu.memory_space<vmem_shared>>
      %dma_start3A_50 = arith.constant 0 : i32
      %dma_start3A_51 = tpu.memref_slice %arg7[%add3A_42, %dma_start3A_50] : memref<10240x128xf32, #tpu.memory_space<vmem_shared>> -> memref<128x128xf32, #tpu.memory_space<vmem_shared>>
      tpu.enqueue_dma source(%dma_start3A_51 : memref<128x128xf32, #tpu.memory_space<vmem_shared>>) target(%arg6 : memref<128x128xf32, #tpu.memory_space<vmem>>) target_semaphore(%run_scoped3A : memref<!tpu.dma_semaphore, #tpu.memory_space<semaphore_mem>>)
      %dma_wait3A = arith.constant 0 : i32
      %dma_wait3A_52 = tpu.memref_slice %arg7[%add3A_42, %dma_wait3A] : memref<10240x128xf32, #tpu.memory_space<vmem_shared>> -> memref<128x128xf32, #tpu.memory_space<vmem_shared>>
      %dma_wait3A_53 = arith.constant 0 : i32
      %dma_wait3A_54 = tpu.memref_slice %arg7[%add3A_42, %dma_wait3A_53] : memref<10240x128xf32, #tpu.memory_space<vmem_shared>> -> memref<128x128xf32, #tpu.memory_space<vmem_shared>>
      tpu.wait_dma2 semaphore(%run_scoped3A : memref<!tpu.dma_semaphore, #tpu.memory_space<semaphore_mem>>) src(%dma_wait3A_54 : memref<128x128xf32, #tpu.memory_space<vmem_shared>>) dst(%arg6 : memref<128x128xf32, #tpu.memory_space<vmem>>)
      tpu.yield
    }) : () -> ()
    %add3A_43 = arith.constant 384 : i32
    %add3A_44 = arith.addi %mul3A_2, %add3A_43 : i32
    "tpu.region"() ({
      %run_scoped3A = tpu.sem_alloc : memref<!tpu.dma_semaphore, #tpu.memory_space<semaphore_mem>>
      %dma_start3A = arith.constant 0 : i32
      %dma_start3A_49 = tpu.memref_slice %arg4[%arg0, %add3A_44, %dma_start3A] : memref<2x10240x128xf32, #tpu.memory_space<hbm>> -> memref<1x128x128xf32, #tpu.memory_space<hbm>>
      %dma_start3A_50 = tpu.memref_squeeze %dma_start3A_49 : memref<1x128x128xf32, #tpu.memory_space<hbm>> -> memref<128x128xf32, #tpu.memory_space<hbm>>
      %dma_start3A_51 = arith.constant 0 : i32
      %dma_start3A_52 = tpu.memref_slice %arg4[%arg0, %add3A_44, %dma_start3A_51] : memref<2x10240x128xf32, #tpu.memory_space<hbm>> -> memref<1x128x128xf32, #tpu.memory_space<hbm>>
      %dma_start3A_53 = tpu.memref_squeeze %dma_start3A_52 : memref<1x128x128xf32, #tpu.memory_space<hbm>> -> memref<128x128xf32, #tpu.memory_space<hbm>>
      tpu.enqueue_dma source(%arg6 : memref<128x128xf32, #tpu.memory_space<vmem>>) target(%dma_start3A_53 : memref<128x128xf32, #tpu.memory_space<hbm>>) target_semaphore(%run_scoped3A : memref<!tpu.dma_semaphore, #tpu.memory_space<semaphore_mem>>)
      %dma_wait3A = arith.constant 0 : i32
      %dma_wait3A_54 = tpu.memref_slice %arg4[%arg0, %add3A_44, %dma_wait3A] : memref<2x10240x128xf32, #tpu.memory_space<hbm>> -> memref<1x128x128xf32, #tpu.memory_space<hbm>>
      %dma_wait3A_55 = tpu.memref_squeeze %dma_wait3A_54 : memref<1x128x128xf32, #tpu.memory_space<hbm>> -> memref<128x128xf32, #tpu.memory_space<hbm>>
      %dma_wait3A_56 = arith.constant 0 : i32
      %dma_wait3A_57 = tpu.memref_slice %arg4[%arg0, %add3A_44, %dma_wait3A_56] : memref<2x10240x128xf32, #tpu.memory_space<hbm>> -> memref<1x128x128xf32, #tpu.memory_space<hbm>>
      %dma_wait3A_58 = tpu.memref_squeeze %dma_wait3A_57 : memref<1x128x128xf32, #tpu.memory_space<hbm>> -> memref<128x128xf32, #tpu.memory_space<hbm>>
      tpu.wait_dma2 semaphore(%run_scoped3A : memref<!tpu.dma_semaphore, #tpu.memory_space<semaphore_mem>>) src(%arg6 : memref<128x128xf32, #tpu.memory_space<vmem>>) dst(%dma_wait3A_58 : memref<128x128xf32, #tpu.memory_space<hbm>>)
      tpu.yield
    }) : () -> ()
    %add3A_45 = arith.constant 512 : i32
    %add3A_46 = arith.addi %mul3A_2, %add3A_45 : i32
    "tpu.region"() ({
      %run_scoped3A = tpu.sem_alloc : memref<!tpu.dma_semaphore, #tpu.memory_space<semaphore_mem>>
      %dma_start3A = arith.constant 0 : i32
      %dma_start3A_49 = tpu.memref_slice %arg7[%add3A_46, %dma_start3A] : memref<10240x128xf32, #tpu.memory_space<vmem_shared>> -> memref<128x128xf32, #tpu.memory_space<vmem_shared>>
      %dma_start3A_50 = arith.constant 0 : i32
      %dma_start3A_51 = tpu.memref_slice %arg7[%add3A_46, %dma_start3A_50] : memref<10240x128xf32, #tpu.memory_space<vmem_shared>> -> memref<128x128xf32, #tpu.memory_space<vmem_shared>>
      tpu.enqueue_dma source(%dma_start3A_51 : memref<128x128xf32, #tpu.memory_space<vmem_shared>>) target(%arg6 : memref<128x128xf32, #tpu.memory_space<vmem>>) target_semaphore(%run_scoped3A : memref<!tpu.dma_semaphore, #tpu.memory_space<semaphore_mem>>)
      %dma_wait3A = arith.constant 0 : i32
      %dma_wait3A_52 = tpu.memref_slice %arg7[%add3A_46, %dma_wait3A] : memref<10240x128xf32, #tpu.memory_space<vmem_shared>> -> memref<128x128xf32, #tpu.memory_space<vmem_shared>>
      %dma_wait3A_53 = arith.constant 0 : i32
      %dma_wait3A_54 = tpu.memref_slice %arg7[%add3A_46, %dma_wait3A_53] : memref<10240x128xf32, #tpu.memory_space<vmem_shared>> -> memref<128x128xf32, #tpu.memory_space<vmem_shared>>
      tpu.wait_dma2 semaphore(%run_scoped3A : memref<!tpu.dma_semaphore, #tpu.memory_space<semaphore_mem>>) src(%dma_wait3A_54 : memref<128x128xf32, #tpu.memory_space<vmem_shared>>) dst(%arg6 : memref<128x128xf32, #tpu.memory_space<vmem>>)
      tpu.yield
    }) : () -> ()
    %add3A_47 = arith.constant 512 : i32
    %add3A_48 = arith.addi %mul3A_2, %add3A_47 : i32
    "tpu.region"() ({
      %run_scoped3A = tpu.sem_alloc : memref<!tpu.dma_semaphore, #tpu.memory_space<semaphore_mem>>
      %dma_start3A = arith.constant 0 : i32
      %dma_start3A_49 = tpu.memref_slice %arg4[%arg0, %add3A_48, %dma_start3A] : memref<2x10240x128xf32, #tpu.memory_space<hbm>> -> memref<1x128x128xf32, #tpu.memory_space<hbm>>
      %dma_start3A_50 = tpu.memref_squeeze %dma_start3A_49 : memref<1x128x128xf32, #tpu.memory_space<hbm>> -> memref<128x128xf32, #tpu.memory_space<hbm>>
      %dma_start3A_51 = arith.constant 0 : i32
      %dma_start3A_52 = tpu.memref_slice %arg4[%arg0, %add3A_48, %dma_start3A_51] : memref<2x10240x128xf32, #tpu.memory_space<hbm>> -> memref<1x128x128xf32, #tpu.memory_space<hbm>>
      %dma_start3A_53 = tpu.memref_squeeze %dma_start3A_52 : memref<1x128x128xf32, #tpu.memory_space<hbm>> -> memref<128x128xf32, #tpu.memory_space<hbm>>
      tpu.enqueue_dma source(%arg6 : memref<128x128xf32, #tpu.memory_space<vmem>>) target(%dma_start3A_53 : memref<128x128xf32, #tpu.memory_space<hbm>>) target_semaphore(%run_scoped3A : memref<!tpu.dma_semaphore, #tpu.memory_space<semaphore_mem>>)
      %dma_wait3A = arith.constant 0 : i32
      %dma_wait3A_54 = tpu.memref_slice %arg4[%arg0, %add3A_48, %dma_wait3A] : memref<2x10240x128xf32, #tpu.memory_space<hbm>> -> memref<1x128x128xf32, #tpu.memory_space<hbm>>
      %dma_wait3A_55 = tpu.memref_squeeze %dma_wait3A_54 : memref<1x128x128xf32, #tpu.memory_space<hbm>> -> memref<128x128xf32, #tpu.memory_space<hbm>>
      %dma_wait3A_56 = arith.constant 0 : i32
      %dma_wait3A_57 = tpu.memref_slice %arg4[%arg0, %add3A_48, %dma_wait3A_56] : memref<2x10240x128xf32, #tpu.memory_space<hbm>> -> memref<1x128x128xf32, #tpu.memory_space<hbm>>
      %dma_wait3A_58 = tpu.memref_squeeze %dma_wait3A_57 : memref<1x128x128xf32, #tpu.memory_space<hbm>> -> memref<128x128xf32, #tpu.memory_space<hbm>>
      tpu.wait_dma2 semaphore(%run_scoped3A : memref<!tpu.dma_semaphore, #tpu.memory_space<semaphore_mem>>) src(%arg6 : memref<128x128xf32, #tpu.memory_space<vmem>>) dst(%dma_wait3A_58 : memref<128x128xf32, #tpu.memory_space<hbm>>)
      tpu.yield
    }) : () -> ()
    return
  }
}

module attributes {stable_mosaic.version = 14 : i64} {
  func.func @_prep_body(%arg0: i32, %arg1: memref<400x128xf32, #tpu.memory_space<vmem>>, %arg2: memref<400x1xf32, #tpu.memory_space<vmem>>, %arg3: memref<400x1xf32, #tpu.memory_space<vmem>>, %arg4: memref<400x1xf32, #tpu.memory_space<vmem>>, %arg5: memref<128x128xf32, #tpu.memory_space<vmem>>, %arg6: memref<400x128xf32, #tpu.memory_space<vmem>>, %arg7: memref<400x1xf32, #tpu.memory_space<vmem>>) attributes {dimension_semantics = [#tpu.dimension_semantics<arbitrary>], iteration_bounds = array<i64: 25>, scalar_prefetch = 0 : i64, scratch_operands = 0 : i64, tpu.core_type = #tpu.core_type<tc>, window_params = [{transform_indices = @transform_0, window_bounds = array<i64: 400, 128>}, {transform_indices = @transform_1, window_bounds = array<i64: 400, 1>}, {transform_indices = @transform_2, window_bounds = array<i64: 400, 1>}, {transform_indices = @transform_3, window_bounds = array<i64: 400, 1>}, {pipeline_mode = #tpu.pipeline_mode<synchronous>, transform_indices = @transform_4, window_bounds = array<i64: 128, 128>}, {transform_indices = @transform_5, window_bounds = array<i64: 400, 128>}, {transform_indices = @transform_6, window_bounds = array<i64: 400, 1>}]} {
    %get3A = arith.constant 0 : index
    %get3A_0 = arith.constant 0 : index
    %get3A_1 = vector.load %arg3[%get3A, %get3A_0] : memref<400x1xf32, #tpu.memory_space<vmem>>, vector<400x1xf32>
    %get3A_2 = arith.constant 0 : index
    %get3A_3 = arith.constant 0 : index
    %get3A_4 = vector.load %arg4[%get3A_2, %get3A_3] : memref<400x1xf32, #tpu.memory_space<vmem>>, vector<400x1xf32>
    %add3A = arith.addf %get3A_1, %get3A_4 : vector<400x1xf32>
    %add3A_5 = arith.constant 1.000000e+00 : f32
    %add3A_6 = vector.broadcast %add3A_5 : f32 to vector<400x1xf32>
    %add3A_7 = arith.addf %add3A, %add3A_6 : vector<400x1xf32>
    %rsqrt3A = math.rsqrt %add3A_7 : vector<400x1xf32>
    %swap3A = arith.constant 0 : index
    %swap3A_8 = arith.constant 0 : index
    %swap3A_9 = vector.load %arg7[%swap3A, %swap3A_8] : memref<400x1xf32, #tpu.memory_space<vmem>>, vector<400x1xf32>
    tpu.vector_store %arg7[%swap3A, %swap3A_8], %rsqrt3A {strides = array<i32>} : memref<400x1xf32, #tpu.memory_space<vmem>>, vector<400x1xf32>,
    %get3A_10 = arith.constant 0 : index
    %get3A_11 = arith.constant 0 : index
    %get3A_12 = vector.load %arg1[%get3A_10, %get3A_11] : memref<400x128xf32, #tpu.memory_space<vmem>>, vector<400x128xf32>
    %get3A_13 = arith.constant 0 : index
    %get3A_14 = arith.constant 0 : index
    %get3A_15 = vector.load %arg2[%get3A_13, %get3A_14] : memref<400x1xf32, #tpu.memory_space<vmem>>, vector<400x1xf32>
    %mul3A = vector.broadcast %get3A_15 : vector<400x1xf32> to vector<400x128xf32>
    %mul3A_16 = arith.mulf %get3A_12, %mul3A : vector<400x128xf32>
    %mul3A_17 = vector.broadcast %rsqrt3A : vector<400x1xf32> to vector<400x128xf32>
    %mul3A_18 = arith.mulf %mul3A_16, %mul3A_17 : vector<400x128xf32>
    %get3A_19 = arith.constant 0 : index
    %get3A_20 = arith.constant 0 : index
    %get3A_21 = vector.load %arg5[%get3A_19, %get3A_20] : memref<128x128xf32, #tpu.memory_space<vmem>>, vector<128x128xf32>
    %dot_general3A = arith.constant dense<0.000000e+00> : vector<400x128xf32>
    %dot_general3A_22 = tpu.matmul %mul3A_18, %get3A_21, %dot_general3A {dimension_numbers = #tpu.dot_dimension_numbers<[1], [0], [0], [1], [0, 0, 1, 1], [], []>, transpose_lhs_hint = false} : vector<400x128xf32>, vector<128x128xf32>, vector<400x128xf32> -> vector<400x128xf32>
    %swap3A_23 = arith.constant 0 : index
    %swap3A_24 = arith.constant 0 : index
    %swap3A_25 = vector.load %arg6[%swap3A_23, %swap3A_24] : memref<400x128xf32, #tpu.memory_space<vmem>>, vector<400x128xf32>
    tpu.vector_store %arg6[%swap3A_23, %swap3A_24], %dot_general3A_22 {strides = array<i32>} : memref<400x128xf32, #tpu.memory_space<vmem>>, vector<400x128xf32>,
    return
  }
  func.func @transform_0(%arg0: i32) -> (i32, i32) {
    %c0_i32 = arith.constant 0 : i32
    %c0_i32_0 = arith.constant 0 : i32
    return %arg0, %c0_i32 : i32, i32
  }
  func.func @transform_1(%arg0: i32) -> (i32, i32) {
    %c0_i32 = arith.constant 0 : i32
    %c0_i32_0 = arith.constant 0 : i32
    return %arg0, %c0_i32 : i32, i32
  }
  func.func @transform_2(%arg0: i32) -> (i32, i32) {
    %c0_i32 = arith.constant 0 : i32
    %c0_i32_0 = arith.constant 0 : i32
    return %arg0, %c0_i32 : i32, i32
  }
  func.func @transform_3(%arg0: i32) -> (i32, i32) {
    %c0_i32 = arith.constant 0 : i32
    %c0_i32_0 = arith.constant 0 : i32
    return %arg0, %c0_i32 : i32, i32
  }
  func.func @transform_4(%arg0: i32) -> (i32, i32) {
    %c0_i32 = arith.constant 0 : i32
    %c0_i32_0 = arith.constant 0 : i32
    %c0_i32_1 = arith.constant 0 : i32
    return %c0_i32, %c0_i32_0 : i32, i32
  }
  func.func @transform_5(%arg0: i32) -> (i32, i32) {
    %c0_i32 = arith.constant 0 : i32
    %c0_i32_0 = arith.constant 0 : i32
    return %arg0, %c0_i32 : i32, i32
  }
  func.func @transform_6(%arg0: i32) -> (i32, i32) {
    %c0_i32 = arith.constant 0 : i32
    %c0_i32_0 = arith.constant 0 : i32
    return %arg0, %c0_i32 : i32, i32
  }
}

module attributes {stable_mosaic.version = 14 : i64} {
  func.func @_dense_body(%arg0: i32, %arg1: memref<400x128xf32, #tpu.memory_space<vmem>>, %arg2: memref<400x128xf32, #tpu.memory_space<vmem>>, %arg3: memref<400x128xf32, #tpu.memory_space<vmem>>, %arg4: memref<400x1xf32, #tpu.memory_space<vmem>>, %arg5: memref<400x1xf32, #tpu.memory_space<vmem>>, %arg6: memref<1x128xf32, #tpu.memory_space<vmem>>, %arg7: memref<128x128xf32, #tpu.memory_space<vmem>>, %arg8: memref<400x128xf32, #tpu.memory_space<vmem>>) attributes {dimension_semantics = [#tpu.dimension_semantics<arbitrary>], iteration_bounds = array<i64: 25>, scalar_prefetch = 0 : i64, scratch_operands = 0 : i64, tpu.core_type = #tpu.core_type<tc>, window_params = [{transform_indices = @transform_0, window_bounds = array<i64: 400, 128>}, {transform_indices = @transform_1, window_bounds = array<i64: 400, 128>}, {transform_indices = @transform_2, window_bounds = array<i64: 400, 128>}, {transform_indices = @transform_3, window_bounds = array<i64: 400, 1>}, {transform_indices = @transform_4, window_bounds = array<i64: 400, 1>}, {pipeline_mode = #tpu.pipeline_mode<synchronous>, transform_indices = @transform_5, window_bounds = array<i64: 1, 128>}, {pipeline_mode = #tpu.pipeline_mode<synchronous>, transform_indices = @transform_6, window_bounds = array<i64: 128, 128>}, {transform_indices = @transform_7, window_bounds = array<i64: 400, 128>}]} {
    %get3A = arith.constant 0 : index
    %get3A_0 = arith.constant 0 : index
    %get3A_1 = vector.load %arg4[%get3A, %get3A_0] : memref<400x1xf32, #tpu.memory_space<vmem>>, vector<400x1xf32>
    %get3A_2 = arith.constant 0 : index
    %get3A_3 = arith.constant 0 : index
    %get3A_4 = vector.load %arg1[%get3A_2, %get3A_3] : memref<400x128xf32, #tpu.memory_space<vmem>>, vector<400x128xf32>
    %get3A_5 = arith.constant 0 : index
    %get3A_6 = arith.constant 0 : index
    %get3A_7 = vector.load %arg2[%get3A_5, %get3A_6] : memref<400x128xf32, #tpu.memory_space<vmem>>, vector<400x128xf32>
    %add3A = arith.addf %get3A_4, %get3A_7 : vector<400x128xf32>
    %get3A_8 = arith.constant 0 : index
    %get3A_9 = arith.constant 0 : index
    %get3A_10 = vector.load %arg3[%get3A_8, %get3A_9] : memref<400x128xf32, #tpu.memory_space<vmem>>, vector<400x128xf32>
    %add3A_11 = arith.addf %add3A, %get3A_10 : vector<400x128xf32>
    %mul3A = vector.broadcast %get3A_1 : vector<400x1xf32> to vector<400x128xf32>
    %mul3A_12 = arith.mulf %mul3A, %add3A_11 : vector<400x128xf32>
    %get3A_13 = arith.constant 0 : index
    %get3A_14 = arith.constant 0 : index
    %get3A_15 = vector.load %arg6[%get3A_13, %get3A_14] : memref<1x128xf32, #tpu.memory_space<vmem>>, vector<1x128xf32>
    %add3A_16 = vector.broadcast %get3A_15 : vector<1x128xf32> to vector<400x128xf32>
    %add3A_17 = arith.addf %mul3A_12, %add3A_16 : vector<400x128xf32>
    %max3A = arith.constant 0.000000e+00 : f32
    %max3A_18 = vector.broadcast %max3A : f32 to vector<400x128xf32>
    %max3A_19 = arith.maximumf %add3A_17, %max3A_18 : vector<400x128xf32>
    %get3A_20 = arith.constant 0 : index
    %get3A_21 = arith.constant 0 : index
    %get3A_22 = vector.load %arg5[%get3A_20, %get3A_21] : memref<400x1xf32, #tpu.memory_space<vmem>>, vector<400x1xf32>
    %mul3A_23 = vector.broadcast %get3A_22 : vector<400x1xf32> to vector<400x128xf32>
    %mul3A_24 = arith.mulf %max3A_19, %mul3A_23 : vector<400x128xf32>
    %mul3A_25 = vector.broadcast %get3A_1 : vector<400x1xf32> to vector<400x128xf32>
    %mul3A_26 = arith.mulf %mul3A_24, %mul3A_25 : vector<400x128xf32>
    %get3A_27 = arith.constant 0 : index
    %get3A_28 = arith.constant 0 : index
    %get3A_29 = vector.load %arg7[%get3A_27, %get3A_28] : memref<128x128xf32, #tpu.memory_space<vmem>>, vector<128x128xf32>
    %dot_general3A = arith.constant dense<0.000000e+00> : vector<400x128xf32>
    %dot_general3A_30 = tpu.matmul %mul3A_26, %get3A_29, %dot_general3A {dimension_numbers = #tpu.dot_dimension_numbers<[1], [0], [0], [1], [0, 0, 1, 1], [], []>, transpose_lhs_hint = false} : vector<400x128xf32>, vector<128x128xf32>, vector<400x128xf32> -> vector<400x128xf32>
    %swap3A = arith.constant 0 : index
    %swap3A_31 = arith.constant 0 : index
    %swap3A_32 = vector.load %arg8[%swap3A, %swap3A_31] : memref<400x128xf32, #tpu.memory_space<vmem>>, vector<400x128xf32>
    tpu.vector_store %arg8[%swap3A, %swap3A_31], %dot_general3A_30 {strides = array<i32>} : memref<400x128xf32, #tpu.memory_space<vmem>>, vector<400x128xf32>,
    return
  }
  func.func @transform_0(%arg0: i32) -> (i32, i32) {
    %c0_i32 = arith.constant 0 : i32
    %c0_i32_0 = arith.constant 0 : i32
    return %arg0, %c0_i32 : i32, i32
  }
  func.func @transform_1(%arg0: i32) -> (i32, i32) {
    %c0_i32 = arith.constant 0 : i32
    %c0_i32_0 = arith.constant 0 : i32
    return %arg0, %c0_i32 : i32, i32
  }
  func.func @transform_2(%arg0: i32) -> (i32, i32) {
    %c0_i32 = arith.constant 0 : i32
    %c0_i32_0 = arith.constant 0 : i32
    return %arg0, %c0_i32 : i32, i32
  }
  func.func @transform_3(%arg0: i32) -> (i32, i32) {
    %c0_i32 = arith.constant 0 : i32
    %c0_i32_0 = arith.constant 0 : i32
    return %arg0, %c0_i32 : i32, i32
  }
  func.func @transform_4(%arg0: i32) -> (i32, i32) {
    %c0_i32 = arith.constant 0 : i32
    %c0_i32_0 = arith.constant 0 : i32
    return %arg0, %c0_i32 : i32, i32
  }
  func.func @transform_5(%arg0: i32) -> (i32, i32) {
    %c0_i32 = arith.constant 0 : i32
    %c0_i32_0 = arith.constant 0 : i32
    %c0_i32_1 = arith.constant 0 : i32
    return %c0_i32, %c0_i32_0 : i32, i32
  }
  func.func @transform_6(%arg0: i32) -> (i32, i32) {
    %c0_i32 = arith.constant 0 : i32
    %c0_i32_0 = arith.constant 0 : i32
    %c0_i32_1 = arith.constant 0 : i32
    return %c0_i32, %c0_i32_0 : i32, i32
  }
  func.func @transform_7(%arg0: i32) -> (i32, i32) {
    %c0_i32 = arith.constant 0 : i32
    %c0_i32_0 = arith.constant 0 : i32
    return %arg0, %c0_i32 : i32, i32
  }
}

module attributes {stable_mosaic.version = 14 : i64} {
  func.func @_final_body(%arg0: i32, %arg1: memref<400x128xf32, #tpu.memory_space<vmem>>, %arg2: memref<400x128xf32, #tpu.memory_space<vmem>>, %arg3: memref<400x128xf32, #tpu.memory_space<vmem>>, %arg4: memref<400x1xf32, #tpu.memory_space<vmem>>, %arg5: memref<400x1xf32, #tpu.memory_space<vmem>>, %arg6: memref<1x128xf32, #tpu.memory_space<vmem>>, %arg7: memref<400x1xi32, #tpu.memory_space<vmem>>, %arg8: memref<128x1xf32, #tpu.memory_space<vmem>>, %arg9: memref<1x1xf32, #tpu.memory_space<vmem>>, %arg10: memref<64x1xf32, #tpu.memory_space<vmem>>, %arg11: memref<64x128xf32, #tpu.memory_space<vmem>>, %arg12: memref<64x128xf32, #tpu.memory_space<vmem>>) attributes {dimension_semantics = [#tpu.dimension_semantics<arbitrary>], iteration_bounds = array<i64: 25>, scalar_prefetch = 0 : i64, scratch_operands = 2 : i64, tpu.core_type = #tpu.core_type<tc>, window_params = [{transform_indices = @transform_0, window_bounds = array<i64: 400, 128>}, {transform_indices = @transform_1, window_bounds = array<i64: 400, 128>}, {transform_indices = @transform_2, window_bounds = array<i64: 400, 128>}, {transform_indices = @transform_3, window_bounds = array<i64: 400, 1>}, {transform_indices = @transform_4, window_bounds = array<i64: 400, 1>}, {pipeline_mode = #tpu.pipeline_mode<synchronous>, transform_indices = @transform_5, window_bounds = array<i64: 1, 128>}, {transform_indices = @transform_6, window_bounds = array<i64: 400, 1>}, {pipeline_mode = #tpu.pipeline_mode<synchronous>, transform_indices = @transform_7, window_bounds = array<i64: 128, 1>}, {pipeline_mode = #tpu.pipeline_mode<synchronous>, transform_indices = @transform_8, window_bounds = array<i64: 1, 1>}, {pipeline_mode = #tpu.pipeline_mode<synchronous>, transform_indices = @transform_9, window_bounds = array<i64: 64, 1>}]} {
    %get3A = arith.constant 0 : index
    %get3A_0 = arith.constant 0 : index
    %get3A_1 = vector.load %arg4[%get3A, %get3A_0] : memref<400x1xf32, #tpu.memory_space<vmem>>, vector<400x1xf32>
    %get3A_2 = arith.constant 0 : index
    %get3A_3 = arith.constant 0 : index
    %get3A_4 = vector.load %arg1[%get3A_2, %get3A_3] : memref<400x128xf32, #tpu.memory_space<vmem>>, vector<400x128xf32>
    %get3A_5 = arith.constant 0 : index
    %get3A_6 = arith.constant 0 : index
    %get3A_7 = vector.load %arg2[%get3A_5, %get3A_6] : memref<400x128xf32, #tpu.memory_space<vmem>>, vector<400x128xf32>
    %add3A = arith.addf %get3A_4, %get3A_7 : vector<400x128xf32>
    %get3A_8 = arith.constant 0 : index
    %get3A_9 = arith.constant 0 : index
    %get3A_10 = vector.load %arg3[%get3A_8, %get3A_9] : memref<400x128xf32, #tpu.memory_space<vmem>>, vector<400x128xf32>
    %add3A_11 = arith.addf %add3A, %get3A_10 : vector<400x128xf32>
    %mul3A = vector.broadcast %get3A_1 : vector<400x1xf32> to vector<400x128xf32>
    %mul3A_12 = arith.mulf %mul3A, %add3A_11 : vector<400x128xf32>
    %get3A_13 = arith.constant 0 : index
    %get3A_14 = arith.constant 0 : index
    %get3A_15 = vector.load %arg6[%get3A_13, %get3A_14] : memref<1x128xf32, #tpu.memory_space<vmem>>, vector<1x128xf32>
    %add3A_16 = vector.broadcast %get3A_15 : vector<1x128xf32> to vector<400x128xf32>
    %add3A_17 = arith.addf %mul3A_12, %add3A_16 : vector<400x128xf32>
    %max3A = arith.constant 0.000000e+00 : f32
    %max3A_18 = vector.broadcast %max3A : f32 to vector<400x128xf32>
    %max3A_19 = arith.maximumf %add3A_17, %max3A_18 : vector<400x128xf32>
    %get3A_20 = arith.constant 0 : index
    %get3A_21 = arith.constant 0 : index
    %get3A_22 = vector.load %arg5[%get3A_20, %get3A_21] : memref<400x1xf32, #tpu.memory_space<vmem>>, vector<400x1xf32>
    %mul3A_23 = vector.broadcast %get3A_22 : vector<400x1xf32> to vector<400x128xf32>
    %mul3A_24 = arith.mulf %max3A_19, %mul3A_23 : vector<400x128xf32>
    %get3A_25 = arith.constant 0 : index
    %get3A_26 = arith.constant 0 : index
    %get3A_27 = vector.load %arg7[%get3A_25, %get3A_26] : memref<400x1xi32, #tpu.memory_space<vmem>>, vector<400x1xi32>
    %iota3A = tpu.iota {dimensions = array<i32: 1>} : vector<400x64xi32>
    %eq3A = vector.broadcast %get3A_27 : vector<400x1xi32> to vector<400x64xi32>
    %eq3A_28 = arith.cmpi eq, %eq3A, %iota3A : vector<400x64xi32>
    %convert_element_type3A = arith.extui %eq3A_28 : vector<400x64xi1> to vector<400x64xi32>
    %convert_element_type3A_29 = arith.sitofp %convert_element_type3A : vector<400x64xi32> to vector<400x64xf32>
    %dot_general3A = arith.constant dense<0.000000e+00> : vector<64x128xf32>
    %dot_general3A_30 = tpu.matmul %convert_element_type3A_29, %mul3A_24, %dot_general3A {dimension_numbers = #tpu.dot_dimension_numbers<[0], [0], [1], [1], [0, 1, 1, 1], [], []>, transpose_lhs_hint = false} : vector<400x64xf32>, vector<400x128xf32>, vector<64x128xf32> -> vector<64x128xf32>
    %broadcast_in_dim3A = arith.constant 1.000000e+00 : f32
    %broadcast_in_dim3A_31 = vector.broadcast %broadcast_in_dim3A : f32 to vector<400x128xf32>
    %dot_general3A_32 = arith.constant dense<0.000000e+00> : vector<64x128xf32>
    %dot_general3A_33 = tpu.matmul %convert_element_type3A_29, %broadcast_in_dim3A_31, %dot_general3A_32 {dimension_numbers = #tpu.dot_dimension_numbers<[0], [0], [1], [1], [0, 1, 1, 1], [], []>, transpose_lhs_hint = false} : vector<400x64xf32>, vector<400x128xf32>, vector<64x128xf32> -> vector<64x128xf32>
    %eq3A_34 = arith.constant 0 : i32
    %eq3A_35 = arith.cmpi eq, %arg0, %eq3A_34 : i32
    %convert_element_type3A_36 = arith.extui %eq3A_35 : i1 to i32
    %cond3A = arith.constant 0 : i32
    %cond3A_37 = arith.cmpi ne, %convert_element_type3A_36, %cond3A : i32
    scf.if %cond3A_37 {
      %swap3A = arith.constant 0 : index
      %swap3A_47 = arith.constant 0 : index
      %swap3A_48 = vector.load %arg11[%swap3A, %swap3A_47] : memref<64x128xf32, #tpu.memory_space<vmem>>, vector<64x128xf32>
      tpu.vector_store %arg11[%swap3A, %swap3A_47], %dot_general3A_30 {strides = array<i32>} : memref<64x128xf32, #tpu.memory_space<vmem>>, vector<64x128xf32>,
      %swap3A_49 = arith.constant 0 : index
      %swap3A_50 = arith.constant 0 : index
      %swap3A_51 = vector.load %arg12[%swap3A_49, %swap3A_50] : memref<64x128xf32, #tpu.memory_space<vmem>>, vector<64x128xf32>
      tpu.vector_store %arg12[%swap3A_49, %swap3A_50], %dot_general3A_33 {strides = array<i32>} : memref<64x128xf32, #tpu.memory_space<vmem>>, vector<64x128xf32>,
    } else {
    }
    %gt3A = arith.constant 0 : i32
    %gt3A_38 = arith.cmpi sgt, %arg0, %gt3A : i32
    %convert_element_type3A_39 = arith.extui %gt3A_38 : i1 to i32
    %cond3A_40 = arith.constant 0 : i32
    %cond3A_41 = arith.cmpi ne, %convert_element_type3A_39, %cond3A_40 : i32
    scf.if %cond3A_41 {
      %get3A_47 = arith.constant 0 : index
      %get3A_48 = arith.constant 0 : index
      %get3A_49 = vector.load %arg11[%get3A_47, %get3A_48] : memref<64x128xf32, #tpu.memory_space<vmem>>, vector<64x128xf32>
      %add3A_50 = arith.addf %get3A_49, %dot_general3A_30 : vector<64x128xf32>
      %swap3A = arith.constant 0 : index
      %swap3A_51 = arith.constant 0 : index
      %swap3A_52 = vector.load %arg11[%swap3A, %swap3A_51] : memref<64x128xf32, #tpu.memory_space<vmem>>, vector<64x128xf32>
      tpu.vector_store %arg11[%swap3A, %swap3A_51], %add3A_50 {strides = array<i32>} : memref<64x128xf32, #tpu.memory_space<vmem>>, vector<64x128xf32>,
      %get3A_53 = arith.constant 0 : index
      %get3A_54 = arith.constant 0 : index
      %get3A_55 = vector.load %arg12[%get3A_53, %get3A_54] : memref<64x128xf32, #tpu.memory_space<vmem>>, vector<64x128xf32>
      %add3A_56 = arith.addf %get3A_55, %dot_general3A_33 : vector<64x128xf32>
      %swap3A_57 = arith.constant 0 : index
      %swap3A_58 = arith.constant 0 : index
      %swap3A_59 = vector.load %arg12[%swap3A_57, %swap3A_58] : memref<64x128xf32, #tpu.memory_space<vmem>>, vector<64x128xf32>
      tpu.vector_store %arg12[%swap3A_57, %swap3A_58], %add3A_56 {strides = array<i32>} : memref<64x128xf32, #tpu.memory_space<vmem>>, vector<64x128xf32>,
    } else {
    }
    %eq3A_42 = arith.constant 24 : i32
    %eq3A_43 = arith.cmpi eq, %arg0, %eq3A_42 : i32
    %convert_element_type3A_44 = arith.extui %eq3A_43 : i1 to i32
    %cond3A_45 = arith.constant 0 : i32
    %cond3A_46 = arith.cmpi ne, %convert_element_type3A_44, %cond3A_45 : i32
    scf.if %cond3A_46 {
      %get3A_47 = arith.constant 0 : index
      %get3A_48 = arith.constant 0 : index
      %get3A_49 = vector.load %arg11[%get3A_47, %get3A_48] : memref<64x128xf32, #tpu.memory_space<vmem>>, vector<64x128xf32>
      %get3A_50 = arith.constant 0 : index
      %get3A_51 = arith.constant 0 : index
      %get3A_52 = vector.load %arg12[%get3A_50, %get3A_51] : memref<64x128xf32, #tpu.memory_space<vmem>>, vector<64x128xf32>
      %max3A_53 = arith.constant 1.000000e+00 : f32
      %max3A_54 = vector.broadcast %max3A_53 : f32 to vector<64x128xf32>
      %max3A_55 = arith.maximumf %get3A_52, %max3A_54 : vector<64x128xf32>
      %div3A = arith.divf %get3A_49, %max3A_55 : vector<64x128xf32>
      %get3A_56 = arith.constant 0 : index
      %get3A_57 = arith.constant 0 : index
      %get3A_58 = vector.load %arg8[%get3A_56, %get3A_57] : memref<128x1xf32, #tpu.memory_space<vmem>>, vector<128x1xf32>
      %dot_general3A_59 = arith.constant dense<0.000000e+00> : vector<64x1xf32>
      %dot_general3A_60 = tpu.matmul %div3A, %get3A_58, %dot_general3A_59 {dimension_numbers = #tpu.dot_dimension_numbers<[1], [0], [0], [1], [0, 0, 1, 1], [], []>, transpose_lhs_hint = false} : vector<64x128xf32>, vector<128x1xf32>, vector<64x1xf32> -> vector<64x1xf32>
      %get3A_61 = arith.constant 0 : index
      %get3A_62 = arith.constant 0 : index
      %get3A_63 = vector.load %arg9[%get3A_61, %get3A_62] : memref<1x1xf32, #tpu.memory_space<vmem>>, vector<1x1xf32>
      %add3A_64 = vector.broadcast %get3A_63 : vector<1x1xf32> to vector<64x1xf32>
      %add3A_65 = arith.addf %dot_general3A_60, %add3A_64 : vector<64x1xf32>
      %swap3A = arith.constant 0 : index
      %swap3A_66 = arith.constant 0 : index
      %swap3A_67 = vector.load %arg10[%swap3A, %swap3A_66] : memref<64x1xf32, #tpu.memory_space<vmem>>, vector<64x1xf32>
      tpu.vector_store %arg10[%swap3A, %swap3A_66], %add3A_65 {strides = array<i32>} : memref<64x1xf32, #tpu.memory_space<vmem>>, vector<64x1xf32>,
    } else {
    }
    return
  }
  func.func @transform_0(%arg0: i32) -> (i32, i32) {
    %c0_i32 = arith.constant 0 : i32
    %c0_i32_0 = arith.constant 0 : i32
    return %arg0, %c0_i32 : i32, i32
  }
  func.func @transform_1(%arg0: i32) -> (i32, i32) {
    %c0_i32 = arith.constant 0 : i32
    %c0_i32_0 = arith.constant 0 : i32
    return %arg0, %c0_i32 : i32, i32
  }
  func.func @transform_2(%arg0: i32) -> (i32, i32) {
    %c0_i32 = arith.constant 0 : i32
    %c0_i32_0 = arith.constant 0 : i32
    return %arg0, %c0_i32 : i32, i32
  }
  func.func @transform_3(%arg0: i32) -> (i32, i32) {
    %c0_i32 = arith.constant 0 : i32
    %c0_i32_0 = arith.constant 0 : i32
    return %arg0, %c0_i32 : i32, i32
  }
  func.func @transform_4(%arg0: i32) -> (i32, i32) {
    %c0_i32 = arith.constant 0 : i32
    %c0_i32_0 = arith.constant 0 : i32
    return %arg0, %c0_i32 : i32, i32
  }
  func.func @transform_5(%arg0: i32) -> (i32, i32) {
    %c0_i32 = arith.constant 0 : i32
    %c0_i32_0 = arith.constant 0 : i32
    %c0_i32_1 = arith.constant 0 : i32
    return %c0_i32, %c0_i32_0 : i32, i32
  }
  func.func @transform_6(%arg0: i32) -> (i32, i32) {
    %c0_i32 = arith.constant 0 : i32
    %c0_i32_0 = arith.constant 0 : i32
    return %arg0, %c0_i32 : i32, i32
  }
  func.func @transform_7(%arg0: i32) -> (i32, i32) {
    %c0_i32 = arith.constant 0 : i32
    %c0_i32_0 = arith.constant 0 : i32
    %c0_i32_1 = arith.constant 0 : i32
    return %c0_i32, %c0_i32_0 : i32, i32
  }
  func.func @transform_8(%arg0: i32) -> (i32, i32) {
    %c0_i32 = arith.constant 0 : i32
    %c0_i32_0 = arith.constant 0 : i32
    %c0_i32_1 = arith.constant 0 : i32
    return %c0_i32, %c0_i32_0 : i32, i32
  }
  func.func @transform_9(%arg0: i32) -> (i32, i32) {
    %c0_i32 = arith.constant 0 : i32
    %c0_i32_0 = arith.constant 0 : i32
    %c0_i32_1 = arith.constant 0 : i32
    return %c0_i32, %c0_i32_0 : i32, i32
  }
}

</mosaic_0001>

<sc_bundles>
// kernel: kernel.10.cloned.1.call-start
scs
__scs_entry_jumppad:
0x0: {  	(pc) =	sbr.rel $0x88, $3  }
0x1: {  	(tag) =	ssettag $0x0;
	lr =	simm.s32 $0x1  }
0x2: {  	[smem:$0x3F89] =	sst lr;
	_ =	strace $0xD0000000  }
0x3: {  	_ = 	snop  }
0x4: {  	_ = 	snop  }
0x5: {  	_ = 	snop  }
0x6: {  	_ = 	snop  }
0x7: {  	_ = 	snop  }
__scs_overlays_trampoline_lowered:
0x8: {  	[smem:$0x3F98] =	sst s0  }
0x9: {  	[smem:$0x3F99] =	sst s1  }
0xa: {  	[smem:$0x3F9A] =	sst s2  }
0xb: {  	[smem:$0x3F9B] =	sst s3  }
0xc: {  	[smem:$0x3F9C] =	sst s4  }
0xd: {  	[smem:$0x3F9D] =	sst s5  }
0xe: {  	[smem:$0x3F9E] =	sst s6  }
0xf: {  	[smem:$0x3F9F] =	sst s7  }
0x10: {  	[smem:$0x3FA0] =	sst s8  }
0x11: {  	[smem:$0x3FA1] =	sst s9;
	s0 =	simm.s32 @!p0 $0x0  }
0x12: {  	s1 =	sld [smem:$0x3F87];
	s0 =	simm.s32 @p0 $0x1  }
0x13: {  	[smem:$0x3FA2] =	sst s0;
	s0 =	simm.s32 @!p1 $0x0  }
0x14: {  	s2 =	sld [smem:$0x3F86];
	s0 =	simm.s32 @p1 $0x1  }
0x15: {  	[smem:$0x3FA3] =	sst s0;
	s0 =	simm.s32 @!p2 $0x0  }
0x16: {  	s3 =	sld [smem:$0x3FDB];
	s0 =	simm.s32 @p2 $0x1  }
0x17: {  	s4 =	simm.s32 $0x1BF5;
	[smem:$0x3FA5] =	sst s0  }
0x18: {  	s0 =	sld [smem:$0x3F88];
	_ =	swait.ge [sflag:s4], $0x0  }
0x19: {  	s7 =	sld [smem:$0x3F89]  }
0x1a: {  	s8 =	sadd.s32 $0xFFFFE003, lr  }
0x1b: {  	s9 =	sadd.s32 $0xFFFFFEF7, lr;
	s5 =	simm.s32 $0xFFFFFFFF;
	p2 =	slt.u32 s8, $0xFFFFF086  }
0x1c: {  	p1 =	slt.u32 s9, $0xF7A;
	s5 =	simm.s32 @!p2 $0x0  }
0x1d: {  	s5 =	simm.s32 @p1 $0x1;
	p0 =	seq.s32 s7, s2  }
0x1e: {  	s7 =	smul.u32 @!p0 $0xF7A, s2;
	p2 =	seq.s32 @!p0 s5, $0x0  }
0x1f: {  	s9 =	smul.u32 $0xF7A, s1;
	s8 =	simm.s32 @!p0 $0x1BF5;
	p2 =	por !p2, p0  }
0x20: {  	[sflag:s8] =	ssyncset.s32 @!p0 $0xFFFFF086;
	s6 =	sadd.s32 @!p0 s3, s7;
	s7 =	simm.s32 @!p0 $0x108  }
0x21: {  	s3 =	sadd.s32 s3, s9;
	s6 =	sadd.s32 @!p0 $0x88, s6;
	s7 =	simm.s32 @p2 $0x1082  }
0x22: {  	[simem:s7], [sflag:s8] =	dma.local @!p0 [hbm:s6], $0xF7A  }
0x23: {  	s9 =	sor.u32 $0xD0000000, s2;
	s6 =	simm.s32 $0x108;
	_ =	swait.ge @!p0 [sflag:s8], $0x0  }
0x24: {  	s3 =	sadd.s32 $0x88, s3;
	s6 =	simm.s32 @!p1 $0x1082;
	[sflag:s4] =	ssyncset.s32 $0xFFFFF086  }
0x25: {  	[simem:s6], [sflag:s4] =	dma.local [hbm:s3], $0xF7A  }
0x26: {  	[smem:$0x3F89] =	sst s1;
	(tag) =	ssettag s2;
	_ =	strace s9  }
0x27: {  	s1 =	sld [smem:$0x3F99]  }
0x28: {  	s2 =	sld [smem:$0x3F9A]  }
0x29: {  	s4 =	sld [smem:$0x3F9C]  }
0x2a: {  	p0 =	seq.s32 s5, $0x0;
	s5 =	sld [smem:$0x3F9D]  }
0x2b: {  	s6 =	sld [smem:$0x3F9E]  }
0x2c: {  	s7 =	sld [smem:$0x3F9F]  }
0x2d: {  	s3 =	simm.s32 $0x108;
	s8 =	sld [smem:$0x3FA0]  }
0x2e: {  	s3 =	simm.s32 @!p0 $0x1082;
	s9 =	sld [smem:$0x3FA1]  }
0x2f: {  	lr =	sadd.s32 s0, s3;
	s0 =	sld [smem:$0x3F98]  }
0x30: {  	s3 =	sld [smem:$0x3F9B]  }
0x31: {  	[smem:$0x3FA4] =	sst s10  }
0x32: {  	s10 =	sld [smem:$0x3FA2];
	_ =	sdelay $0x3  }
0x33: {  	p0 =	seq.s32 s10, $0x1;
	s10 =	sld [smem:$0x3FA4];
	_ =	sdelay $0x3  }
0x34: {  	[smem:$0x3FA4] =	sst s10  }
0x35: {  	s10 =	sld [smem:$0x3FA3];
	_ =	sdelay $0x3  }
0x36: {  	p1 =	seq.s32 s10, $0x1;
	s10 =	sld [smem:$0x3FA4];
	_ =	sdelay $0x3  }
0x37: {  	[smem:$0x3FA4] =	sst s10  }
0x38: {  	s10 =	sld [smem:$0x3FA5]  }
0x39: {  	_ = 	snop;
	(pc) =	sbr.ind lr, $3  }
0x3a: {  	_ = 	snop  }
0x3b: {  	_ = 	snop  }
0x3c: {  	p2 =	seq.s32 s10, $0x1;
	s10 =	sld [smem:$0x3FA4]  }
0x3d: {  	_ =	shalt  }
0x3e: {  	_ =	shalt  }
0x3f: {  	_ =	shalt  }
0x40: {  	_ =	shalt  }
0x41: {  	_ =	shalt  }
0x42: {  	_ =	shalt  }
0x43: {  	_ =	shalt  }
0x44: {  	_ =	shalt  }
0x45: {  	_ =	shalt  }
0x46: {  	_ =	shalt  }
0x47: {  	_ =	shalt  }
0x48: {  	_ =	shalt  }
0x49: {  	_ =	shalt  }
0x4a: {  	_ =	shalt  }
0x4b: {  	_ =	shalt  }
0x4c: {  	_ =	shalt  }
0x4d: {  	_ =	shalt  }
0x4e: {  	_ =	shalt  }
0x4f: {  	_ =	shalt  }
0x50: {  	_ =	shalt  }
0x51: {  	_ =	shalt  }
0x52: {  	_ =	shalt  }
0x53: {  	_ =	shalt  }
0x54: {  	_ =	shalt  }
0x55: {  	_ =	shalt  }
0x56: {  	_ =	shalt  }
0x57: {  	_ =	shalt  }
0x58: {  	_ =	shalt  }
0x59: {  	_ =	shalt  }
0x5a: {  	_ =	shalt  }
0x5b: {  	_ =	shalt  }
0x5c: {  	_ =	shalt  }
0x5d: {  	_ =	shalt  }
0x5e: {  	_ =	shalt  }
0x5f: {  	_ =	shalt  }
0x60: {  	_ =	shalt  }
0x61: {  	_ =	shalt  }
0x62: {  	_ =	shalt  }
0x63: {  	_ =	shalt  }
0x64: {  	_ =	shalt  }
0x65: {  	_ =	shalt  }
0x66: {  	_ =	shalt  }
0x67: {  	_ =	shalt  }
0x68: {  	_ =	shalt  }
0x69: {  	_ =	shalt  }
0x6a: {  	_ =	shalt  }
0x6b: {  	_ =	shalt  }
0x6c: {  	_ =	shalt  }
0x6d: {  	_ =	shalt  }
0x6e: {  	_ =	shalt  }
0x6f: {  	_ =	shalt  }
0x70: {  	_ =	shalt  }
0x71: {  	_ =	shalt  }
0x72: {  	_ =	shalt  }
0x73: {  	_ =	shalt  }
0x74: {  	_ =	shalt  }
0x75: {  	_ =	shalt  }
0x76: {  	_ =	shalt  }
0x77: {  	_ =	shalt  }
0x78: {  	_ =	shalt  }
0x79: {  	_ =	shalt  }
0x7a: {  	_ =	shalt  }
0x7b: {  	_ =	shalt  }
0x7c: {  	_ =	shalt  }
0x7d: {  	_ =	shalt  }
0x7e: {  	_ =	shalt  }
0x7f: {  	_ =	shalt  }
0x80: {  	_ =	shalt  }
0x81: {  	_ =	shalt  }
0x82: {  	_ =	shalt  }
0x83: {  	_ =	shalt  }
0x84: {  	_ =	shalt  }
0x85: {  	_ =	shalt  }
0x86: {  	_ =	shalt  }
0x87: {  	_ =	shalt  }
.Lfunc_end0:
.L_simem_size_0:
called_computation_lowered:
.L_overlay_start_0:
0x88: {  	s2 =	sld [smem:$0x3FD9]  }
0x89: {  	s3 =	sld [smem:$0x3FFE];
	_ =	sdelay $0x1  }
0x8a: {  	s1 =	srdreg.scid  }
0x8b: {  	s0 =	sand.u32 $0x1, s1  }
0x8c: {  	s16 =	sshll.u32 s0, $0xA;
	s2 =	sadd.s32 s3, s2  }
0x8d: {  	s2 =	sadd.s32 s2, s16  }
0x8e: {  	[smem:$0x3FB0] =	sst s2  }
0x8f: {  	_ = 	snop  }
0x90: {  	(tm) =	ssettm $0x1  }
0x91: {  	s17 =	sld [smem:$0x3FFB];
	_ =	sdelay $0x3  }
0x92: {  	_ =	strace s17  }
0x93: {  	s2 =	sld [smem:$0x3FFC];
	_ =	sdelay $0x3  }
0x94: {  	_ =	strace s2  }
0x95: {  	s2 =	sld [smem:$0x3FFD];
	_ =	sdelay $0x3  }
0x96: {  	_ =	strace s2  }
0x97: {  	_ =	strace $0x8FFFFFFF  }
0x98: {  	s18 =	sld [smem:$0x3FDB];
	_ =	sdelay $0x1  }
0x99: {  	s19 =	simm.s32 $_scs_section_size  }
0x9a: {  	s4 =	simm.s32 $_size__tile_overlayer_lowered;
	s5 =	simm.s32 $_tile_overlayer_lowered  }
0x9b: {  	s22 =	simm.s32 $0x1BFF;
	s21 =	sshll.u32 s5, $0x1;
	s2 =	sadd.s32 s19, s18  }
0x9c: {  	s6 =	simm.s32 $0x0;
	s20 =	sshll.u32 s4, $0x1;
	s4 =	sadd.s32 s21, s2  }
0x9d: {  	[timem:s6], [sflag:s22] =	dma.local [hbm:s4], s20  }
0x9e: {  	_ =	swait.ge [sflag:s22], s20  }
0x9f: {  	s3 =	ssub.s32 $0x0, s20;
	[sflag:s22] =	ssyncset.done $0x0  }
0xa0: {  	[sflag:s22] =	ssyncadd.s32 s3;
	_ =	sdelay $0x1  }
0xa1: {  	s23 =	simm.s32 $0x1B8B  }
0xa2: {  	_ =	swait.ge [sflag:s23], $0x1  }
0xa3: {  	[sflag:s23] =	ssyncset.done $0x0  }
0xa4: {  	s25 =	simm.s32 $0x1B8E;
	s24 =	sld [smem:$0x3FFE];
	[sflag:s23] =	ssyncadd.s32 $0xFFFFFFFF  }
0xa5: {  	s26 =	simm.s32 $execute0_lowered;
	[smem:$0x3FD2] =	sst s25  }
0xa6: {  	s4 =	sshll.u32 s26, $0x1;
	_ =	strace $0x80000046;
	[dreg:$0x1] =	wrdreg $0xFFFFFFFF  }
0xa7: {  	s28 =	simm.s32 $_size_execute0_lowered;
	s2 =	sadd.s32 s2, s4;
	[dreg:$0x0] =	wrdreg $0x0  }
0xa8: {  	s4 =	sshll.u32 s28, $0x1;
	[dreg:$0x2] =	wrdreg s2  }
0xa9: {  	[dreg:$0x3] =	wrdreg s4  }
0xaa: {  	[dreg:$0x4] =	wrdreg $0xC0  }
0xab: {  	_ =	task [dreg:s6], $0x5FFFF  }
0xac: {  	[dreg:$0x1] =	wrdreg $0xFFFFFFFF  }
0xad: {  	[dreg:$0x0] =	wrdreg $0x60  }
0xae: {  	[dreg:$0x2] =	wrdreg s24  }
0xaf: {  	[dreg:$0x3] =	wrdreg $0x2B000  }
0xb0: {  	[dreg:$0x4] =	wrdreg $0x9  }
0xb1: {  	_ =	task.clear_ibuf [dreg:s6], $0x5FFFF;
	_ =	strace $0x90000046  }
0xb2: {  	s29 =	simm.s32 $0x9;
	_ =	strace $0x80000048  }
0xb3: {  	_ =	swait.ge [sflag:s29], $0x1  }
0xb4: {  	[sflag:s29] =	ssyncadd.s32 $0xFFFFFFFF  }
0xb5: {  	_ =	strace $0x90000048  }
0xb6: {  	_ =	sfence  }
0xb7: {  	s30 =	sld [smem:$0x0];
	_ =	sdelay $0x2  }
0xb8: {  	s31 =	sshll.u32 s1, $0xD;
	s1 =	sshrl.u32 s1, $0x2  }
0xb9: {  	s3 =	sand.u32 $0x4000, s31;
	s1 =	sadd.s32 s1, s30  }
0xba: {  	s0 =	sor.u32 s3, s0;
	s1 =	sshll.u32 s1, $0x11  }
0xbb: {  	s0 =	sor.u32 s1, s0  }
0xbc: {  	s0 =	sadd.s32 $0x8F2B, s0  }
0xbd: {  	[sflag:s0] =	ssyncadd.remote.s32 $0x1  }
0xbe: {  	_ =	sfence.sel $0xFFFF  }
0xbf: {  	[dreg:$0x0] =	wrdreg $0xFFFFFFFF;
	(pc) =	sbr.abs _section_cstart, $3  }
0xc0: {  	[dreg:$0x1] =	wrdreg $0xFFFFFFFF  }
0xc1: {  	_ =	task.clear_ibuf [dreg:s6], $0x2FFFF;
	_ =	strace $0x9FFFFFFF  }
0xc2: {  	(tm) =	ssettm $0x7FFFFFFF  }
0xc3: {  	_ =	shalt  }
tec
execute0_lowered:
.L_overlay_start_1:
0x0: {  	(tag) =	ssettag $0x1  }
0x1: {  	s4 =	rddreg [dreg:$0x0]  }
0x2: {  	s2 =	rddreg [dreg:$0x1];
	s3 =	srdreg.scid  }
0x3: {  	s1 =	stileid.u32;
	s0 =	rddreg [dreg:$0x2];
	s10 =	simm.s32 $0x80  }
0x4: {  	s11 =	simm.s32 $0x2800;
	s5 =	sand.u32 $0x1, s3;
	s6 =	smul.u32 $0x280, s1  }
0x5: {  	s3 =	simm.s32 $0x0;
	s7 =	sshll.u32 s5, $0x4;
	s8 =	smul.u32 $0x2800, s5  }
0x6: {  	s12 =	simm.s32 $0x0;
	[smem:$0x7FF] =	sst s3;
	s7 =	sor.u32 s1, s7  }
0x7: {  	s5 =	ssub.s32 $0x2, s5;
	s7 =	smul.u32 $0x500, s7;
	s8 =	sadd.s32 s6, s8  }
0x8: {  	_ =	strace $0x80000047;
	s9 =	sshrl.u32 s5, $0x1;
	s8 =	sshrl.u32 s8, $0x3  }
0x9: {  	s9 =	ssub.s32 s5, s9;
	s7 =	sadd.s32 s7, s4;
	s8 =	sadd.s32 s8, s4  }
0xa: {  	s5 =	sadd.s32 s6, s2;
	s4 =	sadd.s32 $0x7600, s7;
	s6 =	sadd.s32 $0x11600, s8  }
0xb: {  	v0 =	vimm.f32 $0.0e+00;
	v1 =	vimm.f32 $1.000000000e+00;
	s7 =	smax.u32 s9, $0x1;
	s8 =	simm.s32 $0x1;
	s9 =	simm.s32 $0x2880  }
.LBB2_1:
0xc: {  	[tilespmem:$0x2880] =	vst v0  }
0xd: {  	[tilespmem:$0x2890] =	vst v0  }
0xe: {  	[tilespmem:$0x28A0] =	vst v0  }
0xf: {  	[tilespmem:$0x28B0] =	vst v0  }
0x10: {  	[tilespmem:$0x28C0] =	vst v0  }
0x11: {  	[tilespmem:$0x28D0] =	vst v0  }
0x12: {  	[tilespmem:$0x28E0] =	vst v0  }
0x13: {  	[tilespmem:$0x28F0] =	vst v0  }
0x14: {  	[tilespmem:$0x2900] =	vst v0  }
0x15: {  	[tilespmem:$0x2910] =	vst v0  }
0x16: {  	[tilespmem:$0x2920] =	vst v0  }
0x17: {  	[tilespmem:$0x2930] =	vst v0  }
0x18: {  	[tilespmem:$0x2940] =	vst v0  }
0x19: {  	[tilespmem:$0x2950] =	vst v0  }
0x1a: {  	[tilespmem:$0x2960] =	vst v0  }
0x1b: {  	[tilespmem:$0x2970] =	vst v0  }
0x1c: {  	[tilespmem:$0x2980] =	vst v0  }
0x1d: {  	[tilespmem:$0x2990] =	vst v0  }
0x1e: {  	[tilespmem:$0x29A0] =	vst v0  }
0x1f: {  	[tilespmem:$0x29B0] =	vst v0  }
0x20: {  	[tilespmem:$0x29C0] =	vst v0  }
0x21: {  	[tilespmem:$0x29D0] =	vst v0  }
0x22: {  	[tilespmem:$0x29E0] =	vst v0  }
0x23: {  	[tilespmem:$0x29F0] =	vst v0  }
0x24: {  	[tilespmem:$0x2A00] =	vst v0  }
0x25: {  	[tilespmem:$0x2A10] =	vst v0  }
0x26: {  	[tilespmem:$0x2A20] =	vst v0  }
0x27: {  	[tilespmem:$0x2A30] =	vst v0  }
0x28: {  	[tilespmem:$0x2A40] =	vst v0  }
0x29: {  	[tilespmem:$0x2A50] =	vst v0  }
0x2a: {  	[tilespmem:$0x2A60] =	vst v0  }
0x2b: {  	[tilespmem:$0x2A70] =	vst v0  }
0x2c: {  	[tilespmem:$0x2A80] =	vst v0  }
0x2d: {  	[tilespmem:$0x2A90] =	vst v0  }
0x2e: {  	[tilespmem:$0x2AA0] =	vst v0  }
0x2f: {  	[tilespmem:$0x2AB0] =	vst v0  }
0x30: {  	[tilespmem:$0x2AC0] =	vst v0  }
0x31: {  	[tilespmem:$0x2AD0] =	vst v0  }
0x32: {  	[tilespmem:$0x2AE0] =	vst v0  }
0x33: {  	[tilespmem:$0x2AF0] =	vst v0  }
0x34: {  	[tilespmem:$0x2800] =	vst v1  }
0x35: {  	[tilespmem:$0x2810] =	vst v1  }
0x36: {  	[tilespmem:$0x2820] =	vst v1  }
0x37: {  	[tilespmem:$0x2830] =	vst v1  }
0x38: {  	[tilespmem:$0x2840] =	vst v1  }
0x39: {  	[tilespmem:$0x2850] =	vst v1  }
0x3a: {  	[tilespmem:$0x2860] =	vst v1  }
0x3b: {  	[tilespmem:$0x2870] =	vst v1  }
0x3c: {  	[tilespmem:s3], [sflag:$0x1] =	stream.linear.gather [hbm4b:s4+s3], $0x2800, $0x38;
	[tilespmem:$0x2D80] =	vst v63  }
0x3d: {  	_ =	swait.ge [sflag:s8], $0x2800  }
0x3e: {  	[sflag:s8] =	ssyncset.done $0x0  }
0x3f: {  	[sflag:s8] =	ssyncadd.s32 $0xFFFFD800  }
0x40: {  	[spmem:s5] =	stream.linear.scatter [tilespmem:s9], [sflag:$0x1], $0x280, $0x38;
	[tilespmem:$0x2D80] =	vst v63  }
0x41: {  	_ =	swait.ge [sflag:s8], $0x280  }
0x42: {  	[sflag:s8] =	ssyncset.done $0x0  }
0x43: {  	[sflag:s8] =	ssyncadd.s32 $0xFFFFFD80  }
0x44: {  	s13 =	simm.s32 $0x0;
	[bflag:$0x0] =	sbarrier.arrive $0xFFFF  }
0x45: {  	[spmem:s2] =	stream.indirect.scatter.add.f32 [tilespmem:s11], [sflag:$0x1], $0x1, s13, s10, $0xb8;
	[tilespmem:$0x2D80] =	vst v63  }
0x46: {  	_ =	swait.ge [sflag:s8], $0x80  }
0x47: {  	s13 =	simm.s32 $0x200;
	[sflag:s8] =	ssyncset.done $0x0  }
.LBB2_2:
0x48: {  	s14 =	sshra.s32 s13, $0x2;
	[sflag:s8] =	ssyncadd.s32 $0xFFFFFF80;
	p0 =	sne.s32 s13, $0x9E00  }
0x49: {  	[spmem:s2] =	stream.indirect.scatter.add.f32 [tilespmem:s11], [sflag:$0x1], $0x1, s14, s10, $0xb8;
	[tilespmem:$0x2D80] =	vst v63  }
.Ltmp0:
0x4a: {  	_ = 	snop;
	(pc) =	sbr.rel @p0 .LBB2_2-.Ltmp0, $4  }
0x4b: {  	_ = 	snop  }
0x4c: {  	s13 =	sadd.s32 $0x200, s13  }
0x4d: {  	_ =	swait.ge [sflag:s8], $0x80  }
0x4e: {  	[sflag:s8] =	ssyncset.done $0x0  }
0x4f: {  	[sflag:s8] =	ssyncadd.s32 $0xFFFFFF80  }
0x50: {  	[bflag:$0x0] =	sbarrier.arrive $0xFFFF  }
0x51: {  	[tilespmem:s9], [sflag:$0x1] =	stream.linear.gather [spmem:s5], $0x280, $0x38;
	[tilespmem:$0x2D80] =	vst v63  }
0x52: {  	s12 =	sadd.s32 $0x1, s12;
	_ =	swait.ge [sflag:s8], $0x280  }
0x53: {  	p0 =	sne.s32 s12, s7;
	[sflag:s8] =	ssyncset.done $0x0  }
.Ltmp1:
0x54: {  	[sflag:s8] =	ssyncadd.s32 $0xFFFFFD80;
	(pc) =	sbr.rel @p0 .LBB2_1-.Ltmp1, $4  }
0x55: {  	[hbm4b:s6+s3] =	stream.linear.scatter [tilespmem:s9], [sflag:$0x1], $0x280, $0x38;
	[tilespmem:$0x2D80] =	vst v63  }
0x56: {  	_ =	swait.ge [sflag:s8], $0x280  }
0x57: {  	[sflag:s8] =	ssyncset.done $0x0  }
0x58: {  	[sflag:s8] =	ssyncadd.s32 $0xFFFFFD80  }
0x59: {  	_ =	sfence.sel $0x180000  }
0x5a: {  	[bflag:$0x0] =	sbarrier.arrive $0xFFFF  }
0x5b: {  	p0 =	sne.s32 s1, $0x0;
	_ =	strace $0x90000047  }
0x5c: {  	s0 =	sadd.s32 @!p0 $0x100000, s0;
	[bflag:$0x2] =	sbarrier.arrive $0xFFFF  }
0x5d: {  	[sflag:s0] =	ssyncadd.tile.s32 @!p0 $0x1;
	_ =	shalt  }
.Lfunc_end2:
_tile_overlayer_lowered:
.L_overlay_start_2:
0x5e: {  	(tag) =	ssettag $0x2  }
0x5f: {  	s0 =	rddreg [dreg:$0x0];
	s2 =	stileid.u32  }
0x60: {  	s1 =	rddreg [dreg:$0x1];
	p0 =	sne.s32 s2, $0x0  }
0x61: {  	s3 =	rddreg [dreg:$0x2];
	[bflag:$0x3] =	sbarrier.arrive $0xFFFF;
	s2 =	simm.s32 @!p0 $0x1C01  }
0x62: {  	[timem:s3], [sflag:s2] =	dma.local @!p0 [hbm:s0], s1  }
0x63: {  	s0 =	simm.s32 @!p0 $0x1  }
0x64: {  	_ =	swait.ge @!p0 [sflag:s0], s1  }
0x65: {  	s1 =	ssub.s32 @!p0 $0x0, s1;
	[sflag:s0] =	ssyncset.done @!p0 $0x0  }
0x66: {  	[sflag:s0] =	ssyncadd.s32 @!p0 s1  }
0x67: {  	[bflag:$0x3] =	sbarrier.arrive $0xFFFF  }
0x68: {  	_ =	shalt  }

// kernel: kernel.13.cloned.1.call-start
scs
__scs_entry_jumppad:
0x0: {  	(pc) =	sbr.rel $0x88, $3  }
0x1: {  	(tag) =	ssettag $0x0;
	lr =	simm.s32 $0x1  }
0x2: {  	[smem:$0x3F89] =	sst lr;
	_ =	strace $0xD0000000  }
0x3: {  	_ = 	snop  }
0x4: {  	_ = 	snop  }
0x5: {  	_ = 	snop  }
0x6: {  	_ = 	snop  }
0x7: {  	_ = 	snop  }
__scs_overlays_trampoline_lowered:
0x8: {  	[smem:$0x3F98] =	sst s0  }
0x9: {  	[smem:$0x3F99] =	sst s1  }
0xa: {  	[smem:$0x3F9A] =	sst s2  }
0xb: {  	[smem:$0x3F9B] =	sst s3  }
0xc: {  	[smem:$0x3F9C] =	sst s4  }
0xd: {  	[smem:$0x3F9D] =	sst s5  }
0xe: {  	[smem:$0x3F9E] =	sst s6  }
0xf: {  	[smem:$0x3F9F] =	sst s7  }
0x10: {  	[smem:$0x3FA0] =	sst s8  }
0x11: {  	[smem:$0x3FA1] =	sst s9;
	s0 =	simm.s32 @!p0 $0x0  }
0x12: {  	s1 =	sld [smem:$0x3F87];
	s0 =	simm.s32 @p0 $0x1  }
0x13: {  	[smem:$0x3FA2] =	sst s0;
	s0 =	simm.s32 @!p1 $0x0  }
0x14: {  	s2 =	sld [smem:$0x3F86];
	s0 =	simm.s32 @p1 $0x1  }
0x15: {  	[smem:$0x3FA3] =	sst s0;
	s0 =	simm.s32 @!p2 $0x0  }
0x16: {  	s3 =	sld [smem:$0x3FDB];
	s0 =	simm.s32 @p2 $0x1  }
0x17: {  	s4 =	simm.s32 $0x1BF5;
	[smem:$0x3FA5] =	sst s0  }
0x18: {  	s0 =	sld [smem:$0x3F88];
	_ =	swait.ge [sflag:s4], $0x0  }
0x19: {  	s7 =	sld [smem:$0x3F89]  }
0x1a: {  	s8 =	sadd.s32 $0xFFFFE003, lr  }
0x1b: {  	s9 =	sadd.s32 $0xFFFFFEF7, lr;
	s5 =	simm.s32 $0xFFFFFFFF;
	p2 =	slt.u32 s8, $0xFFFFF086  }
0x1c: {  	p1 =	slt.u32 s9, $0xF7A;
	s5 =	simm.s32 @!p2 $0x0  }
0x1d: {  	s5 =	simm.s32 @p1 $0x1;
	p0 =	seq.s32 s7, s2  }
0x1e: {  	s7 =	smul.u32 @!p0 $0xF7A, s2;
	p2 =	seq.s32 @!p0 s5, $0x0  }
0x1f: {  	s9 =	smul.u32 $0xF7A, s1;
	s8 =	simm.s32 @!p0 $0x1BF5;
	p2 =	por !p2, p0  }
0x20: {  	[sflag:s8] =	ssyncset.s32 @!p0 $0xFFFFF086;
	s6 =	sadd.s32 @!p0 s3, s7;
	s7 =	simm.s32 @!p0 $0x108  }
0x21: {  	s3 =	sadd.s32 s3, s9;
	s6 =	sadd.s32 @!p0 $0x88, s6;
	s7 =	simm.s32 @p2 $0x1082  }
0x22: {  	[simem:s7], [sflag:s8] =	dma.local @!p0 [hbm:s6], $0xF7A  }
0x23: {  	s9 =	sor.u32 $0xD0000000, s2;
	s6 =	simm.s32 $0x108;
	_ =	swait.ge @!p0 [sflag:s8], $0x0  }
0x24: {  	s3 =	sadd.s32 $0x88, s3;
	s6 =	simm.s32 @!p1 $0x1082;
	[sflag:s4] =	ssyncset.s32 $0xFFFFF086  }
0x25: {  	[simem:s6], [sflag:s4] =	dma.local [hbm:s3], $0xF7A  }
0x26: {  	[smem:$0x3F89] =	sst s1;
	(tag) =	ssettag s2;
	_ =	strace s9  }
0x27: {  	s1 =	sld [smem:$0x3F99]  }
0x28: {  	s2 =	sld [smem:$0x3F9A]  }
0x29: {  	s4 =	sld [smem:$0x3F9C]  }
0x2a: {  	p0 =	seq.s32 s5, $0x0;
	s5 =	sld [smem:$0x3F9D]  }
0x2b: {  	s6 =	sld [smem:$0x3F9E]  }
0x2c: {  	s7 =	sld [smem:$0x3F9F]  }
0x2d: {  	s3 =	simm.s32 $0x108;
	s8 =	sld [smem:$0x3FA0]  }
0x2e: {  	s3 =	simm.s32 @!p0 $0x1082;
	s9 =	sld [smem:$0x3FA1]  }
0x2f: {  	lr =	sadd.s32 s0, s3;
	s0 =	sld [smem:$0x3F98]  }
0x30: {  	s3 =	sld [smem:$0x3F9B]  }
0x31: {  	[smem:$0x3FA4] =	sst s10  }
0x32: {  	s10 =	sld [smem:$0x3FA2];
	_ =	sdelay $0x3  }
0x33: {  	p0 =	seq.s32 s10, $0x1;
	s10 =	sld [smem:$0x3FA4];
	_ =	sdelay $0x3  }
0x34: {  	[smem:$0x3FA4] =	sst s10  }
0x35: {  	s10 =	sld [smem:$0x3FA3];
	_ =	sdelay $0x3  }
0x36: {  	p1 =	seq.s32 s10, $0x1;
	s10 =	sld [smem:$0x3FA4];
	_ =	sdelay $0x3  }
0x37: {  	[smem:$0x3FA4] =	sst s10  }
0x38: {  	s10 =	sld [smem:$0x3FA5]  }
0x39: {  	_ = 	snop;
	(pc) =	sbr.ind lr, $3  }
0x3a: {  	_ = 	snop  }
0x3b: {  	_ = 	snop  }
0x3c: {  	p2 =	seq.s32 s10, $0x1;
	s10 =	sld [smem:$0x3FA4]  }
0x3d: {  	_ =	shalt  }
0x3e: {  	_ =	shalt  }
0x3f: {  	_ =	shalt  }
0x40: {  	_ =	shalt  }
0x41: {  	_ =	shalt  }
0x42: {  	_ =	shalt  }
0x43: {  	_ =	shalt  }
0x44: {  	_ =	shalt  }
0x45: {  	_ =	shalt  }
0x46: {  	_ =	shalt  }
0x47: {  	_ =	shalt  }
0x48: {  	_ =	shalt  }
0x49: {  	_ =	shalt  }
0x4a: {  	_ =	shalt  }
0x4b: {  	_ =	shalt  }
0x4c: {  	_ =	shalt  }
0x4d: {  	_ =	shalt  }
0x4e: {  	_ =	shalt  }
0x4f: {  	_ =	shalt  }
0x50: {  	_ =	shalt  }
0x51: {  	_ =	shalt  }
0x52: {  	_ =	shalt  }
0x53: {  	_ =	shalt  }
0x54: {  	_ =	shalt  }
0x55: {  	_ =	shalt  }
0x56: {  	_ =	shalt  }
0x57: {  	_ =	shalt  }
0x58: {  	_ =	shalt  }
0x59: {  	_ =	shalt  }
0x5a: {  	_ =	shalt  }
0x5b: {  	_ =	shalt  }
0x5c: {  	_ =	shalt  }
0x5d: {  	_ =	shalt  }
0x5e: {  	_ =	shalt  }
0x5f: {  	_ =	shalt  }
0x60: {  	_ =	shalt  }
0x61: {  	_ =	shalt  }
0x62: {  	_ =	shalt  }
0x63: {  	_ =	shalt  }
0x64: {  	_ =	shalt  }
0x65: {  	_ =	shalt  }
0x66: {  	_ =	shalt  }
0x67: {  	_ =	shalt  }
0x68: {  	_ =	shalt  }
0x69: {  	_ =	shalt  }
0x6a: {  	_ =	shalt  }
0x6b: {  	_ =	shalt  }
0x6c: {  	_ =	shalt  }
0x6d: {  	_ =	shalt  }
0x6e: {  	_ =	shalt  }
0x6f: {  	_ =	shalt  }
0x70: {  	_ =	shalt  }
0x71: {  	_ =	shalt  }
0x72: {  	_ =	shalt  }
0x73: {  	_ =	shalt  }
0x74: {  	_ =	shalt  }
0x75: {  	_ =	shalt  }
0x76: {  	_ =	shalt  }
0x77: {  	_ =	shalt  }
0x78: {  	_ =	shalt  }
0x79: {  	_ =	shalt  }
0x7a: {  	_ =	shalt  }
0x7b: {  	_ =	shalt  }
0x7c: {  	_ =	shalt  }
0x7d: {  	_ =	shalt  }
0x7e: {  	_ =	shalt  }
0x7f: {  	_ =	shalt  }
0x80: {  	_ =	shalt  }
0x81: {  	_ =	shalt  }
0x82: {  	_ =	shalt  }
0x83: {  	_ =	shalt  }
0x84: {  	_ =	shalt  }
0x85: {  	_ =	shalt  }
0x86: {  	_ =	shalt  }
0x87: {  	_ =	shalt  }
.Lfunc_end0:
.L_simem_size_0:
called_computation.1_lowered:
.L_overlay_start_0:
0x88: {  	s2 =	sld [smem:$0x3FD9]  }
0x89: {  	s3 =	sld [smem:$0x3FFE];
	_ =	sdelay $0x1  }
0x8a: {  	s1 =	srdreg.scid  }
0x8b: {  	s0 =	sand.u32 $0x1, s1  }
0x8c: {  	s16 =	sshll.u32 s0, $0xA;
	s2 =	sadd.s32 s3, s2  }
0x8d: {  	s2 =	sadd.s32 s2, s16  }
0x8e: {  	[smem:$0x3FB0] =	sst s2  }
0x8f: {  	_ = 	snop  }
0x90: {  	(tm) =	ssettm $0x1  }
0x91: {  	s17 =	sld [smem:$0x3FFB];
	_ =	sdelay $0x3  }
0x92: {  	_ =	strace s17  }
0x93: {  	s2 =	sld [smem:$0x3FFC];
	_ =	sdelay $0x3  }
0x94: {  	_ =	strace s2  }
0x95: {  	s2 =	sld [smem:$0x3FFD];
	_ =	sdelay $0x3  }
0x96: {  	_ =	strace s2  }
0x97: {  	_ =	strace $0x8FFFFFFF  }
0x98: {  	s18 =	sld [smem:$0x3FDB];
	_ =	sdelay $0x1  }
0x99: {  	s19 =	simm.s32 $_scs_section_size  }
0x9a: {  	s4 =	simm.s32 $_size__tile_overlayer_lowered;
	s5 =	simm.s32 $_tile_overlayer_lowered  }
0x9b: {  	s22 =	simm.s32 $0x1BFF;
	s21 =	sshll.u32 s5, $0x1;
	s2 =	sadd.s32 s19, s18  }
0x9c: {  	s6 =	simm.s32 $0x0;
	s20 =	sshll.u32 s4, $0x1;
	s4 =	sadd.s32 s21, s2  }
0x9d: {  	[timem:s6], [sflag:s22] =	dma.local [hbm:s4], s20  }
0x9e: {  	_ =	swait.ge [sflag:s22], s20  }
0x9f: {  	s3 =	ssub.s32 $0x0, s20;
	[sflag:s22] =	ssyncset.done $0x0  }
0xa0: {  	[sflag:s22] =	ssyncadd.s32 s3;
	_ =	sdelay $0x1  }
0xa1: {  	s23 =	simm.s32 $0x1B8B  }
0xa2: {  	_ =	swait.ge [sflag:s23], $0x1  }
0xa3: {  	[sflag:s23] =	ssyncset.done $0x0  }
0xa4: {  	s25 =	simm.s32 $0x1B8E;
	s24 =	sld [smem:$0x3FFE];
	[sflag:s23] =	ssyncadd.s32 $0xFFFFFFFF  }
0xa5: {  	s26 =	simm.s32 $execute0_lowered;
	[smem:$0x3FD2] =	sst s25  }
0xa6: {  	s4 =	sshll.u32 s26, $0x1;
	_ =	strace $0x80000049;
	[dreg:$0x1] =	wrdreg $0xFFFFFFFF  }
0xa7: {  	s28 =	simm.s32 $_size_execute0_lowered;
	s2 =	sadd.s32 s2, s4;
	[dreg:$0x0] =	wrdreg $0x0  }
0xa8: {  	s4 =	sshll.u32 s28, $0x1;
	[dreg:$0x2] =	wrdreg s2  }
0xa9: {  	[dreg:$0x3] =	wrdreg s4  }
0xaa: {  	[dreg:$0x4] =	wrdreg $0xC0  }
0xab: {  	_ =	task [dreg:s6], $0x5FFFF  }
0xac: {  	[dreg:$0x1] =	wrdreg $0xFFFFFFFF  }
0xad: {  	[dreg:$0x0] =	wrdreg $0x60  }
0xae: {  	[dreg:$0x2] =	wrdreg s24  }
0xaf: {  	[dreg:$0x3] =	wrdreg $0x90000  }
0xb0: {  	[dreg:$0x4] =	wrdreg $0x9  }
0xb1: {  	_ =	task.clear_ibuf [dreg:s6], $0x5FFFF;
	_ =	strace $0x90000049  }
0xb2: {  	s29 =	simm.s32 $0x9;
	_ =	strace $0x8000004B  }
0xb3: {  	_ =	swait.ge [sflag:s29], $0x1  }
0xb4: {  	[sflag:s29] =	ssyncadd.s32 $0xFFFFFFFF  }
0xb5: {  	_ =	strace $0x9000004B  }
0xb6: {  	_ =	sfence  }
0xb7: {  	s30 =	sld [smem:$0x0];
	_ =	sdelay $0x2  }
0xb8: {  	s31 =	sshll.u32 s1, $0xD;
	s1 =	sshrl.u32 s1, $0x2  }
0xb9: {  	s3 =	sand.u32 $0x4000, s31;
	s1 =	sadd.s32 s1, s30  }
0xba: {  	s0 =	sor.u32 s3, s0;
	s1 =	sshll.u32 s1, $0x11  }
0xbb: {  	s0 =	sor.u32 s1, s0  }
0xbc: {  	s0 =	sadd.s32 $0x8F2B, s0  }
0xbd: {  	[sflag:s0] =	ssyncadd.remote.s32 $0x1  }
0xbe: {  	_ =	sfence.sel $0xFFFF  }
0xbf: {  	[dreg:$0x0] =	wrdreg $0xFFFFFFFF;
	(pc) =	sbr.abs _section_cstart, $3  }
0xc0: {  	[dreg:$0x1] =	wrdreg $0xFFFFFFFF  }
0xc1: {  	_ =	task.clear_ibuf [dreg:s6], $0x2FFFF;
	_ =	strace $0x9FFFFFFF  }
0xc2: {  	(tm) =	ssettm $0x7FFFFFFF  }
0xc3: {  	_ =	shalt  }
tec
execute0_lowered:
.L_overlay_start_1:
0x0: {  	(tag) =	ssettag $0x1  }
0x1: {  	s0 =	srdreg.scid;
	s5 =	rddreg [dreg:$0x0]  }
0x2: {  	s2 =	rddreg [dreg:$0x1];
	s1 =	stileid.u32  }
0x3: {  	s3 =	simm.s32 $0x0;
	s19 =	simm.s32 $0x80;
	s20 =	simm.s32 $0x0  }
0x4: {  	s6 =	sand.u32 $0x1, s0;
	s0 =	rddreg [dreg:$0x2];
	s8 =	smul.u32 $0x50000, s1  }
0x5: {  	[smem:$0x7FF] =	sst s3;
	s11 =	smul.u32 $0x14000, s1;
	s15 =	sadd.s32 $0x9B600, s5  }
0x6: {  	s4 =	sshll.u32 s6, $0x4;
	_ =	strace $0x8000004A;
	s30 =	ssub.s32 $0x2, s6  }
0x7: {  	s14 =	smul.u32 $0x140000, s6;
	s4 =	sor.u32 s1, s4;
	s9 =	sshrl.u32 s30, $0x1  }
0x8: {  	s8 =	sshrl.u32 s8, $0x2;
	s12 =	sadd.s32 $0x4000, s11;
	s13 =	sadd.s32 $0x8000, s11  }
0x9: {  	s17 =	sadd.s32 $0xC000, s11;
	s18 =	sadd.s32 $0x10000, s11;
	s7 =	smul.u32 $0xA00, s4  }
0xa: {  	s4 =	sadd.s32 $0x4D200, s5;
	s16 =	ssub.s32 s30, s9;
	s6 =	sadd.s32 s12, s2  }
0xb: {  	s11 =	sadd.s32 s11, s14;
	s9 =	sadd.s32 s18, s2;
	s12 =	sadd.s32 s14, s12  }
0xc: {  	s18 =	sadd.s32 s14, s18;
	s11 =	sshrl.u32 s11, $0x3;
	s12 =	sshrl.u32 s12, $0x3  }
0xd: {  	s31 =	sshrl.u32 s18, $0x3;
	s16 =	smax.u32 s16, $0x1;
	s18 =	simm.s32 $0x1  }
0xe: {  	s10 =	sadd.s32 s7, s5;
	s5 =	sadd.s32 s8, s2;
	s7 =	sadd.s32 s13, s2  }
0xf: {  	s8 =	sadd.s32 s17, s2;
	s11 =	sadd.s32 s15, s11;
	s13 =	sadd.s32 s14, s13  }
0x10: {  	s12 =	sadd.s32 s15, s12;
	s17 =	sadd.s32 s14, s17;
	s13 =	sshrl.u32 s13, $0x3  }
0x11: {  	s10 =	sadd.s32 $0x39200, s10;
	s17 =	sshrl.u32 s17, $0x3;
	s13 =	sadd.s32 s15, s13  }
0x12: {  	v0 =	vimm.f32 $0.0e+00;
	s14 =	sadd.s32 s15, s17;
	s15 =	sadd.s32 s15, s31;
	s17 =	simm.s32 $0x5000  }
.LBB2_1:
0x13: {  	s21 =	sand.u32 $0xFE00, s3  }
0x14: {  	s22 =	sand.u32 $0x70, s3;
	s23 =	sshrl.u32 s21, $0x2  }
0x15: {  	s21 =	simm.s32 $0x40;
	s23 =	sor.u32 s22, s23;
	s22 =	simm.s32 $0x0  }
.LBB2_2:
0x16: {  	p0 =	sne.s32 s21, $0xFFC0  }
0x17: {  	[tilespmem:s23+$0x5000] =	vst v0;
	s22 =	sadd.s32 $0x10, s22;
	s23 =	smov.u32 s21;
	s21 =	sadd.s32 $0x40, s21  }
.Ltmp0:
0x18: {  	(pc) =	sbr.rel @p0 .LBB2_2-.Ltmp0, $4  }
0x19: {  	_ = 	snop  }
0x1a: {  	s23 =	sand.u32 $0xFE00, s23  }
0x1b: {  	s24 =	sand.u32 $0x70, s22;
	s23 =	sshrl.u32 s23, $0x2  }
0x1c: {  	s23 =	sor.u32 s24, s23  }
0x1d: {  	[tilespmem:s23+$0x5000] =	vst v0  }
0x1e: {  	[spmem:s5] =	stream.linear.scatter [tilespmem:s17], [sflag:$0x1], $0x4000, $0x38;
	[tilespmem:$0x1D000] =	vst v63  }
0x1f: {  	_ =	swait.ge [sflag:s18], $0x4000  }
0x20: {  	[sflag:s18] =	ssyncset.done $0x0  }
0x21: {  	[sflag:s18] =	ssyncadd.s32 $0xFFFFC000  }
0x22: {  	[spmem:s6] =	stream.linear.scatter [tilespmem:s17], [sflag:$0x1], $0x4000, $0x38;
	[tilespmem:$0x1D000] =	vst v63  }
0x23: {  	_ =	swait.ge [sflag:s18], $0x4000  }
0x24: {  	[sflag:s18] =	ssyncset.done $0x0  }
0x25: {  	[sflag:s18] =	ssyncadd.s32 $0xFFFFC000  }
0x26: {  	[spmem:s7] =	stream.linear.scatter [tilespmem:s17], [sflag:$0x1], $0x4000, $0x38;
	[tilespmem:$0x1D000] =	vst v63  }
0x27: {  	_ =	swait.ge [sflag:s18], $0x4000  }
0x28: {  	[sflag:s18] =	ssyncset.done $0x0  }
0x29: {  	[sflag:s18] =	ssyncadd.s32 $0xFFFFC000  }
0x2a: {  	[spmem:s8] =	stream.linear.scatter [tilespmem:s17], [sflag:$0x1], $0x4000, $0x38;
	[tilespmem:$0x1D000] =	vst v63  }
0x2b: {  	_ =	swait.ge [sflag:s18], $0x4000  }
0x2c: {  	[sflag:s18] =	ssyncset.done $0x0  }
0x2d: {  	[sflag:s18] =	ssyncadd.s32 $0xFFFFC000  }
0x2e: {  	[spmem:s9] =	stream.linear.scatter [tilespmem:s17], [sflag:$0x1], $0x4000, $0x38;
	[tilespmem:$0x1D000] =	vst v63  }
0x2f: {  	_ =	swait.ge [sflag:s18], $0x4000  }
0x30: {  	[sflag:s18] =	ssyncset.done $0x0  }
0x31: {  	[sflag:s18] =	ssyncadd.s32 $0xFFFFC000  }
0x32: {  	s21 =	simm.s32 $0x0;
	[bflag:$0x0] =	sbarrier.arrive $0xFFFF  }
0x33: {  	[tilespmem:s21], [sflag:$0x1] =	stream.linear.gather [hbm4b:s10+s21], $0x5000, $0x38;
	[tilespmem:$0x1D000] =	vst v63  }
0x34: {  	_ =	swait.ge [sflag:s18], $0x5000  }
0x35: {  	[sflag:s18] =	ssyncset.done $0x0  }
0x36: {  	s30 =	simm.s32 $0x0;
	[sflag:s18] =	ssyncadd.s32 $0xFFFFB000  }
0x37: {  	[tilespmem:s17], [sflag:$0x1] =	stream.indirect.gather [hbm4b:s4+s19], $0x80, s30, s19, $0xb8;
	[tilespmem:$0x1D000] =	vst v63  }
0x38: {  	_ =	swait.ge [sflag:s18], $0x4000  }
0x39: {  	[sflag:s18] =	ssyncset.done $0x0  }
0x3a: {  	s31 =	simm.s32 $0x80;
	[sflag:s18] =	ssyncadd.s32 $0xFFFFC000  }
0x3b: {  	[spmem:s2] =	stream.indirect.scatter.add.f32 [tilespmem:s17], [sflag:$0x1], $0x80, s31, s19, $0xb8;
	[tilespmem:$0x1D000] =	vst v63  }
0x3c: {  	_ =	swait.ge [sflag:s18], $0x4000  }
0x3d: {  	s22 =	simm.s32 $0x800;
	s21 =	simm.s32 $0x400;
	[sflag:s18] =	ssyncset.done $0x0  }
.LBB2_4:
0x3e: {  	s23 =	sshra.s32 s21, $0x2  }
0x3f: {  	[sflag:s18] =	ssyncadd.s32 $0xFFFFC000;
	s21 =	smov.u32 s22;
	s24 =	sadd.s32 $0x400, s22  }
0x40: {  	[tilespmem:s17], [sflag:$0x1] =	stream.indirect.gather [hbm4b:s4+s19], $0x80, s23, s19, $0xb8;
	[tilespmem:$0x1D000] =	vst v63  }
0x41: {  	p0 =	sne.s32 s22, $0x13C00;
	_ =	swait.ge [sflag:s18], $0x4000  }
.Ltmp1:
0x42: {  	[sflag:s18] =	ssyncset.done $0x0;
	(pc) =	sbr.rel @p0 .LBB2_4-.Ltmp1, $4  }
0x43: {  	s22 =	sadd.s32 $0x80, s23;
	[sflag:s18] =	ssyncadd.s32 $0xFFFFC000  }
0x44: {  	[spmem:s2] =	stream.indirect.scatter.add.f32 [tilespmem:s17], [sflag:$0x1], $0x80, s22, s19, $0xb8;
	[tilespmem:$0x1D000] =	vst v63  }
0x45: {  	_ =	swait.ge [sflag:s18], $0x4000  }
0x46: {  	s22 =	smov.u32 s24;
	[sflag:s18] =	ssyncset.done $0x0  }
0x47: {  	s21 =	sshra.s32 s21, $0x2;
	[sflag:s18] =	ssyncadd.s32 $0xFFFFC000  }
0x48: {  	[tilespmem:s17], [sflag:$0x1] =	stream.indirect.gather [hbm4b:s4+s19], $0x80, s21, s19, $0xb8;
	[tilespmem:$0x1D000] =	vst v63  }
0x49: {  	_ =	swait.ge [sflag:s18], $0x4000  }
0x4a: {  	[sflag:s18] =	ssyncset.done $0x0  }
0x4b: {  	s21 =	sadd.s32 $0x80, s21;
	[sflag:s18] =	ssyncadd.s32 $0xFFFFC000  }
0x4c: {  	[spmem:s2] =	stream.indirect.scatter.add.f32 [tilespmem:s17], [sflag:$0x1], $0x80, s21, s19, $0xb8;
	[tilespmem:$0x1D000] =	vst v63  }
0x4d: {  	_ =	swait.ge [sflag:s18], $0x4000  }
0x4e: {  	[sflag:s18] =	ssyncset.done $0x0  }
0x4f: {  	[sflag:s18] =	ssyncadd.s32 $0xFFFFC000  }
0x50: {  	[bflag:$0x0] =	sbarrier.arrive $0xFFFF  }
0x51: {  	[tilespmem:s17], [sflag:$0x1] =	stream.linear.gather [spmem:s5], $0x4000, $0x38;
	[tilespmem:$0x1D000] =	vst v63  }
0x52: {  	_ =	swait.ge [sflag:s18], $0x4000  }
0x53: {  	[sflag:s18] =	ssyncset.done $0x0  }
0x54: {  	[sflag:s18] =	ssyncadd.s32 $0xFFFFC000  }
0x55: {  	[hbm4b:s11+s3] =	stream.linear.scatter [tilespmem:s17], [sflag:$0x1], $0x4000, $0x38;
	[tilespmem:$0x1D000] =	vst v63  }
0x56: {  	_ =	swait.ge [sflag:s18], $0x4000  }
0x57: {  	[sflag:s18] =	ssyncset.done $0x0  }
0x58: {  	[sflag:s18] =	ssyncadd.s32 $0xFFFFC000  }
0x59: {  	[tilespmem:s17], [sflag:$0x1] =	stream.linear.gather [spmem:s6], $0x4000, $0x38;
	[tilespmem:$0x1D000] =	vst v63  }
0x5a: {  	_ =	swait.ge [sflag:s18], $0x4000  }
0x5b: {  	[sflag:s18] =	ssyncset.done $0x0  }
0x5c: {  	[sflag:s18] =	ssyncadd.s32 $0xFFFFC000  }
0x5d: {  	[hbm4b:s12+s3] =	stream.linear.scatter [tilespmem:s17], [sflag:$0x1], $0x4000, $0x38;
	[tilespmem:$0x1D000] =	vst v63  }
0x5e: {  	_ =	swait.ge [sflag:s18], $0x4000  }
0x5f: {  	[sflag:s18] =	ssyncset.done $0x0  }
0x60: {  	[sflag:s18] =	ssyncadd.s32 $0xFFFFC000  }
0x61: {  	[tilespmem:s17], [sflag:$0x1] =	stream.linear.gather [spmem:s7], $0x4000, $0x38;
	[tilespmem:$0x1D000] =	vst v63  }
0x62: {  	_ =	swait.ge [sflag:s18], $0x4000  }
0x63: {  	[sflag:s18] =	ssyncset.done $0x0  }
0x64: {  	[sflag:s18] =	ssyncadd.s32 $0xFFFFC000  }
0x65: {  	[hbm4b:s13+s3] =	stream.linear.scatter [tilespmem:s17], [sflag:$0x1], $0x4000, $0x38;
	[tilespmem:$0x1D000] =	vst v63  }
0x66: {  	_ =	swait.ge [sflag:s18], $0x4000  }
0x67: {  	[sflag:s18] =	ssyncset.done $0x0  }
0x68: {  	[sflag:s18] =	ssyncadd.s32 $0xFFFFC000  }
0x69: {  	[tilespmem:s17], [sflag:$0x1] =	stream.linear.gather [spmem:s8], $0x4000, $0x38;
	[tilespmem:$0x1D000] =	vst v63  }
0x6a: {  	_ =	swait.ge [sflag:s18], $0x4000  }
0x6b: {  	[sflag:s18] =	ssyncset.done $0x0  }
0x6c: {  	[sflag:s18] =	ssyncadd.s32 $0xFFFFC000  }
0x6d: {  	[hbm4b:s14+s3] =	stream.linear.scatter [tilespmem:s17], [sflag:$0x1], $0x4000, $0x38;
	[tilespmem:$0x1D000] =	vst v63  }
0x6e: {  	_ =	swait.ge [sflag:s18], $0x4000  }
0x6f: {  	[sflag:s18] =	ssyncset.done $0x0  }
0x70: {  	[sflag:s18] =	ssyncadd.s32 $0xFFFFC000  }
0x71: {  	[tilespmem:s17], [sflag:$0x1] =	stream.linear.gather [spmem:s9], $0x4000, $0x38;
	[tilespmem:$0x1D000] =	vst v63  }
0x72: {  	s20 =	sadd.s32 $0x1, s20;
	_ =	swait.ge [sflag:s18], $0x4000  }
0x73: {  	p0 =	sne.s32 s20, s16;
	[sflag:s18] =	ssyncset.done $0x0  }
.Ltmp2:
0x74: {  	[sflag:s18] =	ssyncadd.s32 $0xFFFFC000;
	(pc) =	sbr.rel @p0 .LBB2_1-.Ltmp2, $4  }
0x75: {  	[hbm4b:s15+s3] =	stream.linear.scatter [tilespmem:s17], [sflag:$0x1], $0x4000, $0x38;
	[tilespmem:$0x1D000] =	vst v63  }
0x76: {  	_ =	swait.ge [sflag:s18], $0x4000  }
0x77: {  	[sflag:s18] =	ssyncset.done $0x0  }
0x78: {  	[sflag:s18] =	ssyncadd.s32 $0xFFFFC000  }
0x79: {  	_ =	sfence.sel $0x180000  }
0x7a: {  	[bflag:$0x0] =	sbarrier.arrive $0xFFFF  }
0x7b: {  	p0 =	sne.s32 s1, $0x0;
	_ =	strace $0x9000004A  }
0x7c: {  	s0 =	sadd.s32 @!p0 $0x100000, s0;
	[bflag:$0x2] =	sbarrier.arrive $0xFFFF  }
0x7d: {  	[sflag:s0] =	ssyncadd.tile.s32 @!p0 $0x1;
	_ =	shalt  }
.Lfunc_end2:
_tile_overlayer_lowered:
.L_overlay_start_2:
0x7e: {  	(tag) =	ssettag $0x2  }
0x7f: {  	s0 =	rddreg [dreg:$0x0];
	s2 =	stileid.u32  }
0x80: {  	s1 =	rddreg [dreg:$0x1];
	p0 =	sne.s32 s2, $0x0  }
0x81: {  	s3 =	rddreg [dreg:$0x2];
	[bflag:$0x3] =	sbarrier.arrive $0xFFFF;
	s2 =	simm.s32 @!p0 $0x1C01  }
0x82: {  	[timem:s3], [sflag:s2] =	dma.local @!p0 [hbm:s0], s1  }
0x83: {  	s0 =	simm.s32 @!p0 $0x1  }
0x84: {  	_ =	swait.ge @!p0 [sflag:s0], s1  }
0x85: {  	s1 =	ssub.s32 @!p0 $0x0, s1;
	[sflag:s0] =	ssyncset.done @!p0 $0x0  }
0x86: {  	[sflag:s0] =	ssyncadd.s32 @!p0 s1  }
0x87: {  	[bflag:$0x3] =	sbarrier.arrive $0xFFFF  }
0x88: {  	_ =	shalt  }

// kernel: kernel.16.cloned.1.call-start
scs
__scs_entry_jumppad:
0x0: {  	(pc) =	sbr.rel $0x88, $3  }
0x1: {  	(tag) =	ssettag $0x0;
	lr =	simm.s32 $0x1  }
0x2: {  	[smem:$0x3F89] =	sst lr;
	_ =	strace $0xD0000000  }
0x3: {  	_ = 	snop  }
0x4: {  	_ = 	snop  }
0x5: {  	_ = 	snop  }
0x6: {  	_ = 	snop  }
0x7: {  	_ = 	snop  }
__scs_overlays_trampoline_lowered:
0x8: {  	[smem:$0x3F98] =	sst s0  }
0x9: {  	[smem:$0x3F99] =	sst s1  }
0xa: {  	[smem:$0x3F9A] =	sst s2  }
0xb: {  	[smem:$0x3F9B] =	sst s3  }
0xc: {  	[smem:$0x3F9C] =	sst s4  }
0xd: {  	[smem:$0x3F9D] =	sst s5  }
0xe: {  	[smem:$0x3F9E] =	sst s6  }
0xf: {  	[smem:$0x3F9F] =	sst s7  }
0x10: {  	[smem:$0x3FA0] =	sst s8  }
0x11: {  	[smem:$0x3FA1] =	sst s9;
	s0 =	simm.s32 @!p0 $0x0  }
0x12: {  	s1 =	sld [smem:$0x3F87];
	s0 =	simm.s32 @p0 $0x1  }
0x13: {  	[smem:$0x3FA2] =	sst s0;
	s0 =	simm.s32 @!p1 $0x0  }
0x14: {  	s2 =	sld [smem:$0x3F86];
	s0 =	simm.s32 @p1 $0x1  }
0x15: {  	[smem:$0x3FA3] =	sst s0;
	s0 =	simm.s32 @!p2 $0x0  }
0x16: {  	s3 =	sld [smem:$0x3FDB];
	s0 =	simm.s32 @p2 $0x1  }
0x17: {  	s4 =	simm.s32 $0x1BF5;
	[smem:$0x3FA5] =	sst s0  }
0x18: {  	s0 =	sld [smem:$0x3F88];
	_ =	swait.ge [sflag:s4], $0x0  }
0x19: {  	s7 =	sld [smem:$0x3F89]  }
0x1a: {  	s8 =	sadd.s32 $0xFFFFE003, lr  }
0x1b: {  	s9 =	sadd.s32 $0xFFFFFEF7, lr;
	s5 =	simm.s32 $0xFFFFFFFF;
	p2 =	slt.u32 s8, $0xFFFFF086  }
0x1c: {  	p1 =	slt.u32 s9, $0xF7A;
	s5 =	simm.s32 @!p2 $0x0  }
0x1d: {  	s5 =	simm.s32 @p1 $0x1;
	p0 =	seq.s32 s7, s2  }
0x1e: {  	s7 =	smul.u32 @!p0 $0xF7A, s2;
	p2 =	seq.s32 @!p0 s5, $0x0  }
0x1f: {  	s9 =	smul.u32 $0xF7A, s1;
	s8 =	simm.s32 @!p0 $0x1BF5;
	p2 =	por !p2, p0  }
0x20: {  	[sflag:s8] =	ssyncset.s32 @!p0 $0xFFFFF086;
	s6 =	sadd.s32 @!p0 s3, s7;
	s7 =	simm.s32 @!p0 $0x108  }
0x21: {  	s3 =	sadd.s32 s3, s9;
	s6 =	sadd.s32 @!p0 $0x88, s6;
	s7 =	simm.s32 @p2 $0x1082  }
0x22: {  	[simem:s7], [sflag:s8] =	dma.local @!p0 [hbm:s6], $0xF7A  }
0x23: {  	s9 =	sor.u32 $0xD0000000, s2;
	s6 =	simm.s32 $0x108;
	_ =	swait.ge @!p0 [sflag:s8], $0x0  }
0x24: {  	s3 =	sadd.s32 $0x88, s3;
	s6 =	simm.s32 @!p1 $0x1082;
	[sflag:s4] =	ssyncset.s32 $0xFFFFF086  }
0x25: {  	[simem:s6], [sflag:s4] =	dma.local [hbm:s3], $0xF7A  }
0x26: {  	[smem:$0x3F89] =	sst s1;
	(tag) =	ssettag s2;
	_ =	strace s9  }
0x27: {  	s1 =	sld [smem:$0x3F99]  }
0x28: {  	s2 =	sld [smem:$0x3F9A]  }
0x29: {  	s4 =	sld [smem:$0x3F9C]  }
0x2a: {  	p0 =	seq.s32 s5, $0x0;
	s5 =	sld [smem:$0x3F9D]  }
0x2b: {  	s6 =	sld [smem:$0x3F9E]  }
0x2c: {  	s7 =	sld [smem:$0x3F9F]  }
0x2d: {  	s3 =	simm.s32 $0x108;
	s8 =	sld [smem:$0x3FA0]  }
0x2e: {  	s3 =	simm.s32 @!p0 $0x1082;
	s9 =	sld [smem:$0x3FA1]  }
0x2f: {  	lr =	sadd.s32 s0, s3;
	s0 =	sld [smem:$0x3F98]  }
0x30: {  	s3 =	sld [smem:$0x3F9B]  }
0x31: {  	[smem:$0x3FA4] =	sst s10  }
0x32: {  	s10 =	sld [smem:$0x3FA2];
	_ =	sdelay $0x3  }
0x33: {  	p0 =	seq.s32 s10, $0x1;
	s10 =	sld [smem:$0x3FA4];
	_ =	sdelay $0x3  }
0x34: {  	[smem:$0x3FA4] =	sst s10  }
0x35: {  	s10 =	sld [smem:$0x3FA3];
	_ =	sdelay $0x3  }
0x36: {  	p1 =	seq.s32 s10, $0x1;
	s10 =	sld [smem:$0x3FA4];
	_ =	sdelay $0x3  }
0x37: {  	[smem:$0x3FA4] =	sst s10  }
0x38: {  	s10 =	sld [smem:$0x3FA5]  }
0x39: {  	_ = 	snop;
	(pc) =	sbr.ind lr, $3  }
0x3a: {  	_ = 	snop  }
0x3b: {  	_ = 	snop  }
0x3c: {  	p2 =	seq.s32 s10, $0x1;
	s10 =	sld [smem:$0x3FA4]  }
0x3d: {  	_ =	shalt  }
0x3e: {  	_ =	shalt  }
0x3f: {  	_ =	shalt  }
0x40: {  	_ =	shalt  }
0x41: {  	_ =	shalt  }
0x42: {  	_ =	shalt  }
0x43: {  	_ =	shalt  }
0x44: {  	_ =	shalt  }
0x45: {  	_ =	shalt  }
0x46: {  	_ =	shalt  }
0x47: {  	_ =	shalt  }
0x48: {  	_ =	shalt  }
0x49: {  	_ =	shalt  }
0x4a: {  	_ =	shalt  }
0x4b: {  	_ =	shalt  }
0x4c: {  	_ =	shalt  }
0x4d: {  	_ =	shalt  }
0x4e: {  	_ =	shalt  }
0x4f: {  	_ =	shalt  }
0x50: {  	_ =	shalt  }
0x51: {  	_ =	shalt  }
0x52: {  	_ =	shalt  }
0x53: {  	_ =	shalt  }
0x54: {  	_ =	shalt  }
0x55: {  	_ =	shalt  }
0x56: {  	_ =	shalt  }
0x57: {  	_ =	shalt  }
0x58: {  	_ =	shalt  }
0x59: {  	_ =	shalt  }
0x5a: {  	_ =	shalt  }
0x5b: {  	_ =	shalt  }
0x5c: {  	_ =	shalt  }
0x5d: {  	_ =	shalt  }
0x5e: {  	_ =	shalt  }
0x5f: {  	_ =	shalt  }
0x60: {  	_ =	shalt  }
0x61: {  	_ =	shalt  }
0x62: {  	_ =	shalt  }
0x63: {  	_ =	shalt  }
0x64: {  	_ =	shalt  }
0x65: {  	_ =	shalt  }
0x66: {  	_ =	shalt  }
0x67: {  	_ =	shalt  }
0x68: {  	_ =	shalt  }
0x69: {  	_ =	shalt  }
0x6a: {  	_ =	shalt  }
0x6b: {  	_ =	shalt  }
0x6c: {  	_ =	shalt  }
0x6d: {  	_ =	shalt  }
0x6e: {  	_ =	shalt  }
0x6f: {  	_ =	shalt  }
0x70: {  	_ =	shalt  }
0x71: {  	_ =	shalt  }
0x72: {  	_ =	shalt  }
0x73: {  	_ =	shalt  }
0x74: {  	_ =	shalt  }
0x75: {  	_ =	shalt  }
0x76: {  	_ =	shalt  }
0x77: {  	_ =	shalt  }
0x78: {  	_ =	shalt  }
0x79: {  	_ =	shalt  }
0x7a: {  	_ =	shalt  }
0x7b: {  	_ =	shalt  }
0x7c: {  	_ =	shalt  }
0x7d: {  	_ =	shalt  }
0x7e: {  	_ =	shalt  }
0x7f: {  	_ =	shalt  }
0x80: {  	_ =	shalt  }
0x81: {  	_ =	shalt  }
0x82: {  	_ =	shalt  }
0x83: {  	_ =	shalt  }
0x84: {  	_ =	shalt  }
0x85: {  	_ =	shalt  }
0x86: {  	_ =	shalt  }
0x87: {  	_ =	shalt  }
.Lfunc_end0:
.L_simem_size_0:
called_computation.2_lowered:
.L_overlay_start_0:
0x88: {  	s2 =	sld [smem:$0x3FD9]  }
0x89: {  	s3 =	sld [smem:$0x3FFE];
	_ =	sdelay $0x1  }
0x8a: {  	s1 =	srdreg.scid  }
0x8b: {  	s0 =	sand.u32 $0x1, s1  }
0x8c: {  	s16 =	sshll.u32 s0, $0xA;
	s2 =	sadd.s32 s3, s2  }
0x8d: {  	s2 =	sadd.s32 s2, s16  }
0x8e: {  	[smem:$0x3FB0] =	sst s2  }
0x8f: {  	_ = 	snop  }
0x90: {  	(tm) =	ssettm $0x1  }
0x91: {  	s17 =	sld [smem:$0x3FFB];
	_ =	sdelay $0x3  }
0x92: {  	_ =	strace s17  }
0x93: {  	s2 =	sld [smem:$0x3FFC];
	_ =	sdelay $0x3  }
0x94: {  	_ =	strace s2  }
0x95: {  	s2 =	sld [smem:$0x3FFD];
	_ =	sdelay $0x3  }
0x96: {  	_ =	strace s2  }
0x97: {  	_ =	strace $0x8FFFFFFF  }
0x98: {  	s18 =	sld [smem:$0x3FDB];
	_ =	sdelay $0x1  }
0x99: {  	s19 =	simm.s32 $_scs_section_size  }
0x9a: {  	s4 =	simm.s32 $_size__tile_overlayer_lowered;
	s5 =	simm.s32 $_tile_overlayer_lowered  }
0x9b: {  	s22 =	simm.s32 $0x1BFF;
	s21 =	sshll.u32 s5, $0x1;
	s2 =	sadd.s32 s19, s18  }
0x9c: {  	s6 =	simm.s32 $0x0;
	s20 =	sshll.u32 s4, $0x1;
	s4 =	sadd.s32 s21, s2  }
0x9d: {  	[timem:s6], [sflag:s22] =	dma.local [hbm:s4], s20  }
0x9e: {  	_ =	swait.ge [sflag:s22], s20  }
0x9f: {  	s3 =	ssub.s32 $0x0, s20;
	[sflag:s22] =	ssyncset.done $0x0  }
0xa0: {  	[sflag:s22] =	ssyncadd.s32 s3;
	_ =	sdelay $0x1  }
0xa1: {  	s23 =	simm.s32 $0x1B8B  }
0xa2: {  	_ =	swait.ge [sflag:s23], $0x1  }
0xa3: {  	[sflag:s23] =	ssyncset.done $0x0  }
0xa4: {  	s25 =	simm.s32 $0x1B8E;
	s24 =	sld [smem:$0x3FFE];
	[sflag:s23] =	ssyncadd.s32 $0xFFFFFFFF  }
0xa5: {  	s26 =	simm.s32 $execute0_lowered;
	[smem:$0x3FD2] =	sst s25  }
0xa6: {  	s4 =	sshll.u32 s26, $0x1;
	_ =	strace $0x8000004C;
	[dreg:$0x1] =	wrdreg $0xFFFFFFFF  }
0xa7: {  	s28 =	simm.s32 $_size_execute0_lowered;
	s2 =	sadd.s32 s2, s4;
	[dreg:$0x0] =	wrdreg $0x0  }
0xa8: {  	s4 =	sshll.u32 s28, $0x1;
	[dreg:$0x2] =	wrdreg s2  }
0xa9: {  	[dreg:$0x3] =	wrdreg s4  }
0xaa: {  	[dreg:$0x4] =	wrdreg $0xC0  }
0xab: {  	_ =	task [dreg:s6], $0x5FFFF  }
0xac: {  	[dreg:$0x1] =	wrdreg $0xFFFFFFFF  }
0xad: {  	[dreg:$0x0] =	wrdreg $0x60  }
0xae: {  	[dreg:$0x2] =	wrdreg s24  }
0xaf: {  	[dreg:$0x3] =	wrdreg $0x90000  }
0xb0: {  	[dreg:$0x4] =	wrdreg $0x9  }
0xb1: {  	_ =	task.clear_ibuf [dreg:s6], $0x5FFFF;
	_ =	strace $0x9000004C  }
0xb2: {  	s29 =	simm.s32 $0x9;
	_ =	strace $0x8000004E  }
0xb3: {  	_ =	swait.ge [sflag:s29], $0x1  }
0xb4: {  	[sflag:s29] =	ssyncadd.s32 $0xFFFFFFFF  }
0xb5: {  	_ =	strace $0x9000004E  }
0xb6: {  	_ =	sfence  }
0xb7: {  	s30 =	sld [smem:$0x0];
	_ =	sdelay $0x2  }
0xb8: {  	s31 =	sshll.u32 s1, $0xD;
	s1 =	sshrl.u32 s1, $0x2  }
0xb9: {  	s3 =	sand.u32 $0x4000, s31;
	s1 =	sadd.s32 s1, s30  }
0xba: {  	s0 =	sor.u32 s3, s0;
	s1 =	sshll.u32 s1, $0x11  }
0xbb: {  	s0 =	sor.u32 s1, s0  }
0xbc: {  	s0 =	sadd.s32 $0x8F2B, s0  }
0xbd: {  	[sflag:s0] =	ssyncadd.remote.s32 $0x1  }
0xbe: {  	_ =	sfence.sel $0xFFFF  }
0xbf: {  	[dreg:$0x0] =	wrdreg $0xFFFFFFFF;
	(pc) =	sbr.abs _section_cstart, $3  }
0xc0: {  	[dreg:$0x1] =	wrdreg $0xFFFFFFFF  }
0xc1: {  	_ =	task.clear_ibuf [dreg:s6], $0x2FFFF;
	_ =	strace $0x9FFFFFFF  }
0xc2: {  	(tm) =	ssettm $0x7FFFFFFF  }
0xc3: {  	_ =	shalt  }
tec
execute0_lowered:
.L_overlay_start_1:
0x0: {  	(tag) =	ssettag $0x1  }
0x1: {  	s0 =	srdreg.scid;
	s5 =	rddreg [dreg:$0x0]  }
0x2: {  	s2 =	rddreg [dreg:$0x1];
	s1 =	stileid.u32  }
0x3: {  	s3 =	simm.s32 $0x0;
	s19 =	simm.s32 $0x80;
	s20 =	simm.s32 $0x0  }
0x4: {  	s6 =	sand.u32 $0x1, s0;
	s0 =	rddreg [dreg:$0x2];
	s8 =	smul.u32 $0x50000, s1  }
0x5: {  	[smem:$0x7FF] =	sst s3;
	s11 =	smul.u32 $0x14000, s1;
	s15 =	sadd.s32 $0x9B600, s5  }
0x6: {  	s4 =	sshll.u32 s6, $0x4;
	_ =	strace $0x8000004D;
	s30 =	ssub.s32 $0x2, s6  }
0x7: {  	s14 =	smul.u32 $0x140000, s6;
	s4 =	sor.u32 s1, s4;
	s9 =	sshrl.u32 s30, $0x1  }
0x8: {  	s8 =	sshrl.u32 s8, $0x2;
	s12 =	sadd.s32 $0x4000, s11;
	s13 =	sadd.s32 $0x8000, s11  }
0x9: {  	s17 =	sadd.s32 $0xC000, s11;
	s18 =	sadd.s32 $0x10000, s11;
	s7 =	smul.u32 $0xA00, s4  }
0xa: {  	s4 =	sadd.s32 $0x4D200, s5;
	s16 =	ssub.s32 s30, s9;
	s6 =	sadd.s32 s12, s2  }
0xb: {  	s11 =	sadd.s32 s11, s14;
	s9 =	sadd.s32 s18, s2;
	s12 =	sadd.s32 s14, s12  }
0xc: {  	s18 =	sadd.s32 s14, s18;
	s11 =	sshrl.u32 s11, $0x3;
	s12 =	sshrl.u32 s12, $0x3  }
0xd: {  	s31 =	sshrl.u32 s18, $0x3;
	s16 =	smax.u32 s16, $0x1;
	s18 =	simm.s32 $0x1  }
0xe: {  	s10 =	sadd.s32 s7, s5;
	s5 =	sadd.s32 s8, s2;
	s7 =	sadd.s32 s13, s2  }
0xf: {  	s8 =	sadd.s32 s17, s2;
	s11 =	sadd.s32 s15, s11;
	s13 =	sadd.s32 s14, s13  }
0x10: {  	s12 =	sadd.s32 s15, s12;
	s17 =	sadd.s32 s14, s17;
	s13 =	sshrl.u32 s13, $0x3  }
0x11: {  	s10 =	sadd.s32 $0x39200, s10;
	s17 =	sshrl.u32 s17, $0x3;
	s13 =	sadd.s32 s15, s13  }
0x12: {  	v0 =	vimm.f32 $0.0e+00;
	s14 =	sadd.s32 s15, s17;
	s15 =	sadd.s32 s15, s31;
	s17 =	simm.s32 $0x5000  }
.LBB2_1:
0x13: {  	s21 =	sand.u32 $0xFE00, s3  }
0x14: {  	s22 =	sand.u32 $0x70, s3;
	s23 =	sshrl.u32 s21, $0x2  }
0x15: {  	s21 =	simm.s32 $0x40;
	s23 =	sor.u32 s22, s23;
	s22 =	simm.s32 $0x0  }
.LBB2_2:
0x16: {  	p0 =	sne.s32 s21, $0xFFC0  }
0x17: {  	[tilespmem:s23+$0x5000] =	vst v0;
	s22 =	sadd.s32 $0x10, s22;
	s23 =	smov.u32 s21;
	s21 =	sadd.s32 $0x40, s21  }
.Ltmp0:
0x18: {  	(pc) =	sbr.rel @p0 .LBB2_2-.Ltmp0, $4  }
0x19: {  	_ = 	snop  }
0x1a: {  	s23 =	sand.u32 $0xFE00, s23  }
0x1b: {  	s24 =	sand.u32 $0x70, s22;
	s23 =	sshrl.u32 s23, $0x2  }
0x1c: {  	s23 =	sor.u32 s24, s23  }
0x1d: {  	[tilespmem:s23+$0x5000] =	vst v0  }
0x1e: {  	[spmem:s5] =	stream.linear.scatter [tilespmem:s17], [sflag:$0x1], $0x4000, $0x38;
	[tilespmem:$0x1D000] =	vst v63  }
0x1f: {  	_ =	swait.ge [sflag:s18], $0x4000  }
0x20: {  	[sflag:s18] =	ssyncset.done $0x0  }
0x21: {  	[sflag:s18] =	ssyncadd.s32 $0xFFFFC000  }
0x22: {  	[spmem:s6] =	stream.linear.scatter [tilespmem:s17], [sflag:$0x1], $0x4000, $0x38;
	[tilespmem:$0x1D000] =	vst v63  }
0x23: {  	_ =	swait.ge [sflag:s18], $0x4000  }
0x24: {  	[sflag:s18] =	ssyncset.done $0x0  }
0x25: {  	[sflag:s18] =	ssyncadd.s32 $0xFFFFC000  }
0x26: {  	[spmem:s7] =	stream.linear.scatter [tilespmem:s17], [sflag:$0x1], $0x4000, $0x38;
	[tilespmem:$0x1D000] =	vst v63  }
0x27: {  	_ =	swait.ge [sflag:s18], $0x4000  }
0x28: {  	[sflag:s18] =	ssyncset.done $0x0  }
0x29: {  	[sflag:s18] =	ssyncadd.s32 $0xFFFFC000  }
0x2a: {  	[spmem:s8] =	stream.linear.scatter [tilespmem:s17], [sflag:$0x1], $0x4000, $0x38;
	[tilespmem:$0x1D000] =	vst v63  }
0x2b: {  	_ =	swait.ge [sflag:s18], $0x4000  }
0x2c: {  	[sflag:s18] =	ssyncset.done $0x0  }
0x2d: {  	[sflag:s18] =	ssyncadd.s32 $0xFFFFC000  }
0x2e: {  	[spmem:s9] =	stream.linear.scatter [tilespmem:s17], [sflag:$0x1], $0x4000, $0x38;
	[tilespmem:$0x1D000] =	vst v63  }
0x2f: {  	_ =	swait.ge [sflag:s18], $0x4000  }
0x30: {  	[sflag:s18] =	ssyncset.done $0x0  }
0x31: {  	[sflag:s18] =	ssyncadd.s32 $0xFFFFC000  }
0x32: {  	s21 =	simm.s32 $0x0;
	[bflag:$0x0] =	sbarrier.arrive $0xFFFF  }
0x33: {  	[tilespmem:s21], [sflag:$0x1] =	stream.linear.gather [hbm4b:s10+s21], $0x5000, $0x38;
	[tilespmem:$0x1D000] =	vst v63  }
0x34: {  	_ =	swait.ge [sflag:s18], $0x5000  }
0x35: {  	[sflag:s18] =	ssyncset.done $0x0  }
0x36: {  	s30 =	simm.s32 $0x0;
	[sflag:s18] =	ssyncadd.s32 $0xFFFFB000  }
0x37: {  	[tilespmem:s17], [sflag:$0x1] =	stream.indirect.gather [hbm4b:s4+s19], $0x80, s30, s19, $0xb8;
	[tilespmem:$0x1D000] =	vst v63  }
0x38: {  	_ =	swait.ge [sflag:s18], $0x4000  }
0x39: {  	[sflag:s18] =	ssyncset.done $0x0  }
0x3a: {  	s31 =	simm.s32 $0x80;
	[sflag:s18] =	ssyncadd.s32 $0xFFFFC000  }
0x3b: {  	[spmem:s2] =	stream.indirect.scatter.add.f32 [tilespmem:s17], [sflag:$0x1], $0x80, s31, s19, $0xb8;
	[tilespmem:$0x1D000] =	vst v63  }
0x3c: {  	_ =	swait.ge [sflag:s18], $0x4000  }
0x3d: {  	s22 =	simm.s32 $0x800;
	s21 =	simm.s32 $0x400;
	[sflag:s18] =	ssyncset.done $0x0  }
.LBB2_4:
0x3e: {  	s23 =	sshra.s32 s21, $0x2  }
0x3f: {  	[sflag:s18] =	ssyncadd.s32 $0xFFFFC000;
	s21 =	smov.u32 s22;
	s24 =	sadd.s32 $0x400, s22  }
0x40: {  	[tilespmem:s17], [sflag:$0x1] =	stream.indirect.gather [hbm4b:s4+s19], $0x80, s23, s19, $0xb8;
	[tilespmem:$0x1D000] =	vst v63  }
0x41: {  	p0 =	sne.s32 s22, $0x13C00;
	_ =	swait.ge [sflag:s18], $0x4000  }
.Ltmp1:
0x42: {  	[sflag:s18] =	ssyncset.done $0x0;
	(pc) =	sbr.rel @p0 .LBB2_4-.Ltmp1, $4  }
0x43: {  	s22 =	sadd.s32 $0x80, s23;
	[sflag:s18] =	ssyncadd.s32 $0xFFFFC000  }
0x44: {  	[spmem:s2] =	stream.indirect.scatter.add.f32 [tilespmem:s17], [sflag:$0x1], $0x80, s22, s19, $0xb8;
	[tilespmem:$0x1D000] =	vst v63  }
0x45: {  	_ =	swait.ge [sflag:s18], $0x4000  }
0x46: {  	s22 =	smov.u32 s24;
	[sflag:s18] =	ssyncset.done $0x0  }
0x47: {  	s21 =	sshra.s32 s21, $0x2;
	[sflag:s18] =	ssyncadd.s32 $0xFFFFC000  }
0x48: {  	[tilespmem:s17], [sflag:$0x1] =	stream.indirect.gather [hbm4b:s4+s19], $0x80, s21, s19, $0xb8;
	[tilespmem:$0x1D000] =	vst v63  }
0x49: {  	_ =	swait.ge [sflag:s18], $0x4000  }
0x4a: {  	[sflag:s18] =	ssyncset.done $0x0  }
0x4b: {  	s21 =	sadd.s32 $0x80, s21;
	[sflag:s18] =	ssyncadd.s32 $0xFFFFC000  }
0x4c: {  	[spmem:s2] =	stream.indirect.scatter.add.f32 [tilespmem:s17], [sflag:$0x1], $0x80, s21, s19, $0xb8;
	[tilespmem:$0x1D000] =	vst v63  }
0x4d: {  	_ =	swait.ge [sflag:s18], $0x4000  }
0x4e: {  	[sflag:s18] =	ssyncset.done $0x0  }
0x4f: {  	[sflag:s18] =	ssyncadd.s32 $0xFFFFC000  }
0x50: {  	[bflag:$0x0] =	sbarrier.arrive $0xFFFF  }
0x51: {  	[tilespmem:s17], [sflag:$0x1] =	stream.linear.gather [spmem:s5], $0x4000, $0x38;
	[tilespmem:$0x1D000] =	vst v63  }
0x52: {  	_ =	swait.ge [sflag:s18], $0x4000  }
0x53: {  	[sflag:s18] =	ssyncset.done $0x0  }
0x54: {  	[sflag:s18] =	ssyncadd.s32 $0xFFFFC000  }
0x55: {  	[hbm4b:s11+s3] =	stream.linear.scatter [tilespmem:s17], [sflag:$0x1], $0x4000, $0x38;
	[tilespmem:$0x1D000] =	vst v63  }
0x56: {  	_ =	swait.ge [sflag:s18], $0x4000  }
0x57: {  	[sflag:s18] =	ssyncset.done $0x0  }
0x58: {  	[sflag:s18] =	ssyncadd.s32 $0xFFFFC000  }
0x59: {  	[tilespmem:s17], [sflag:$0x1] =	stream.linear.gather [spmem:s6], $0x4000, $0x38;
	[tilespmem:$0x1D000] =	vst v63  }
0x5a: {  	_ =	swait.ge [sflag:s18], $0x4000  }
0x5b: {  	[sflag:s18] =	ssyncset.done $0x0  }
0x5c: {  	[sflag:s18] =	ssyncadd.s32 $0xFFFFC000  }
0x5d: {  	[hbm4b:s12+s3] =	stream.linear.scatter [tilespmem:s17], [sflag:$0x1], $0x4000, $0x38;
	[tilespmem:$0x1D000] =	vst v63  }
0x5e: {  	_ =	swait.ge [sflag:s18], $0x4000  }
0x5f: {  	[sflag:s18] =	ssyncset.done $0x0  }
0x60: {  	[sflag:s18] =	ssyncadd.s32 $0xFFFFC000  }
0x61: {  	[tilespmem:s17], [sflag:$0x1] =	stream.linear.gather [spmem:s7], $0x4000, $0x38;
	[tilespmem:$0x1D000] =	vst v63  }
0x62: {  	_ =	swait.ge [sflag:s18], $0x4000  }
0x63: {  	[sflag:s18] =	ssyncset.done $0x0  }
0x64: {  	[sflag:s18] =	ssyncadd.s32 $0xFFFFC000  }
0x65: {  	[hbm4b:s13+s3] =	stream.linear.scatter [tilespmem:s17], [sflag:$0x1], $0x4000, $0x38;
	[tilespmem:$0x1D000] =	vst v63  }
0x66: {  	_ =	swait.ge [sflag:s18], $0x4000  }
0x67: {  	[sflag:s18] =	ssyncset.done $0x0  }
0x68: {  	[sflag:s18] =	ssyncadd.s32 $0xFFFFC000  }
0x69: {  	[tilespmem:s17], [sflag:$0x1] =	stream.linear.gather [spmem:s8], $0x4000, $0x38;
	[tilespmem:$0x1D000] =	vst v63  }
0x6a: {  	_ =	swait.ge [sflag:s18], $0x4000  }
0x6b: {  	[sflag:s18] =	ssyncset.done $0x0  }
0x6c: {  	[sflag:s18] =	ssyncadd.s32 $0xFFFFC000  }
0x6d: {  	[hbm4b:s14+s3] =	stream.linear.scatter [tilespmem:s17], [sflag:$0x1], $0x4000, $0x38;
	[tilespmem:$0x1D000] =	vst v63  }
0x6e: {  	_ =	swait.ge [sflag:s18], $0x4000  }
0x6f: {  	[sflag:s18] =	ssyncset.done $0x0  }
0x70: {  	[sflag:s18] =	ssyncadd.s32 $0xFFFFC000  }
0x71: {  	[tilespmem:s17], [sflag:$0x1] =	stream.linear.gather [spmem:s9], $0x4000, $0x38;
	[tilespmem:$0x1D000] =	vst v63  }
0x72: {  	s20 =	sadd.s32 $0x1, s20;
	_ =	swait.ge [sflag:s18], $0x4000  }
0x73: {  	p0 =	sne.s32 s20, s16;
	[sflag:s18] =	ssyncset.done $0x0  }
.Ltmp2:
0x74: {  	[sflag:s18] =	ssyncadd.s32 $0xFFFFC000;
	(pc) =	sbr.rel @p0 .LBB2_1-.Ltmp2, $4  }
0x75: {  	[hbm4b:s15+s3] =	stream.linear.scatter [tilespmem:s17], [sflag:$0x1], $0x4000, $0x38;
	[tilespmem:$0x1D000] =	vst v63  }
0x76: {  	_ =	swait.ge [sflag:s18], $0x4000  }
0x77: {  	[sflag:s18] =	ssyncset.done $0x0  }
0x78: {  	[sflag:s18] =	ssyncadd.s32 $0xFFFFC000  }
0x79: {  	_ =	sfence.sel $0x180000  }
0x7a: {  	[bflag:$0x0] =	sbarrier.arrive $0xFFFF  }
0x7b: {  	p0 =	sne.s32 s1, $0x0;
	_ =	strace $0x9000004D  }
0x7c: {  	s0 =	sadd.s32 @!p0 $0x100000, s0;
	[bflag:$0x2] =	sbarrier.arrive $0xFFFF  }
0x7d: {  	[sflag:s0] =	ssyncadd.tile.s32 @!p0 $0x1;
	_ =	shalt  }
.Lfunc_end2:
_tile_overlayer_lowered:
.L_overlay_start_2:
0x7e: {  	(tag) =	ssettag $0x2  }
0x7f: {  	s0 =	rddreg [dreg:$0x0];
	s2 =	stileid.u32  }
0x80: {  	s1 =	rddreg [dreg:$0x1];
	p0 =	sne.s32 s2, $0x0  }
0x81: {  	s3 =	rddreg [dreg:$0x2];
	[bflag:$0x3] =	sbarrier.arrive $0xFFFF;
	s2 =	simm.s32 @!p0 $0x1C01  }
0x82: {  	[timem:s3], [sflag:s2] =	dma.local @!p0 [hbm:s0], s1  }
0x83: {  	s0 =	simm.s32 @!p0 $0x1  }
0x84: {  	_ =	swait.ge @!p0 [sflag:s0], s1  }
0x85: {  	s1 =	ssub.s32 @!p0 $0x0, s1;
	[sflag:s0] =	ssyncset.done @!p0 $0x0  }
0x86: {  	[sflag:s0] =	ssyncadd.s32 @!p0 s1  }
0x87: {  	[bflag:$0x3] =	sbarrier.arrive $0xFFFF  }
0x88: {  	_ =	shalt  }

// kernel: kernel.19.cloned.1.call-start
scs
__scs_entry_jumppad:
0x0: {  	(pc) =	sbr.rel $0x88, $3  }
0x1: {  	(tag) =	ssettag $0x0;
	lr =	simm.s32 $0x1  }
0x2: {  	[smem:$0x3F89] =	sst lr;
	_ =	strace $0xD0000000  }
0x3: {  	_ = 	snop  }
0x4: {  	_ = 	snop  }
0x5: {  	_ = 	snop  }
0x6: {  	_ = 	snop  }
0x7: {  	_ = 	snop  }
__scs_overlays_trampoline_lowered:
0x8: {  	[smem:$0x3F98] =	sst s0  }
0x9: {  	[smem:$0x3F99] =	sst s1  }
0xa: {  	[smem:$0x3F9A] =	sst s2  }
0xb: {  	[smem:$0x3F9B] =	sst s3  }
0xc: {  	[smem:$0x3F9C] =	sst s4  }
0xd: {  	[smem:$0x3F9D] =	sst s5  }
0xe: {  	[smem:$0x3F9E] =	sst s6  }
0xf: {  	[smem:$0x3F9F] =	sst s7  }
0x10: {  	[smem:$0x3FA0] =	sst s8  }
0x11: {  	[smem:$0x3FA1] =	sst s9;
	s0 =	simm.s32 @!p0 $0x0  }
0x12: {  	s1 =	sld [smem:$0x3F87];
	s0 =	simm.s32 @p0 $0x1  }
0x13: {  	[smem:$0x3FA2] =	sst s0;
	s0 =	simm.s32 @!p1 $0x0  }
0x14: {  	s2 =	sld [smem:$0x3F86];
	s0 =	simm.s32 @p1 $0x1  }
0x15: {  	[smem:$0x3FA3] =	sst s0;
	s0 =	simm.s32 @!p2 $0x0  }
0x16: {  	s3 =	sld [smem:$0x3FDB];
	s0 =	simm.s32 @p2 $0x1  }
0x17: {  	s4 =	simm.s32 $0x1BF5;
	[smem:$0x3FA5] =	sst s0  }
0x18: {  	s0 =	sld [smem:$0x3F88];
	_ =	swait.ge [sflag:s4], $0x0  }
0x19: {  	s7 =	sld [smem:$0x3F89]  }
0x1a: {  	s8 =	sadd.s32 $0xFFFFE003, lr  }
0x1b: {  	s9 =	sadd.s32 $0xFFFFFEF7, lr;
	s5 =	simm.s32 $0xFFFFFFFF;
	p2 =	slt.u32 s8, $0xFFFFF086  }
0x1c: {  	p1 =	slt.u32 s9, $0xF7A;
	s5 =	simm.s32 @!p2 $0x0  }
0x1d: {  	s5 =	simm.s32 @p1 $0x1;
	p0 =	seq.s32 s7, s2  }
0x1e: {  	s7 =	smul.u32 @!p0 $0xF7A, s2;
	p2 =	seq.s32 @!p0 s5, $0x0  }
0x1f: {  	s9 =	smul.u32 $0xF7A, s1;
	s8 =	simm.s32 @!p0 $0x1BF5;
	p2 =	por !p2, p0  }
0x20: {  	[sflag:s8] =	ssyncset.s32 @!p0 $0xFFFFF086;
	s6 =	sadd.s32 @!p0 s3, s7;
	s7 =	simm.s32 @!p0 $0x108  }
0x21: {  	s3 =	sadd.s32 s3, s9;
	s6 =	sadd.s32 @!p0 $0x88, s6;
	s7 =	simm.s32 @p2 $0x1082  }
0x22: {  	[simem:s7], [sflag:s8] =	dma.local @!p0 [hbm:s6], $0xF7A  }
0x23: {  	s9 =	sor.u32 $0xD0000000, s2;
	s6 =	simm.s32 $0x108;
	_ =	swait.ge @!p0 [sflag:s8], $0x0  }
0x24: {  	s3 =	sadd.s32 $0x88, s3;
	s6 =	simm.s32 @!p1 $0x1082;
	[sflag:s4] =	ssyncset.s32 $0xFFFFF086  }
0x25: {  	[simem:s6], [sflag:s4] =	dma.local [hbm:s3], $0xF7A  }
0x26: {  	[smem:$0x3F89] =	sst s1;
	(tag) =	ssettag s2;
	_ =	strace s9  }
0x27: {  	s1 =	sld [smem:$0x3F99]  }
0x28: {  	s2 =	sld [smem:$0x3F9A]  }
0x29: {  	s4 =	sld [smem:$0x3F9C]  }
0x2a: {  	p0 =	seq.s32 s5, $0x0;
	s5 =	sld [smem:$0x3F9D]  }
0x2b: {  	s6 =	sld [smem:$0x3F9E]  }
0x2c: {  	s7 =	sld [smem:$0x3F9F]  }
0x2d: {  	s3 =	simm.s32 $0x108;
	s8 =	sld [smem:$0x3FA0]  }
0x2e: {  	s3 =	simm.s32 @!p0 $0x1082;
	s9 =	sld [smem:$0x3FA1]  }
0x2f: {  	lr =	sadd.s32 s0, s3;
	s0 =	sld [smem:$0x3F98]  }
0x30: {  	s3 =	sld [smem:$0x3F9B]  }
0x31: {  	[smem:$0x3FA4] =	sst s10  }
0x32: {  	s10 =	sld [smem:$0x3FA2];
	_ =	sdelay $0x3  }
0x33: {  	p0 =	seq.s32 s10, $0x1;
	s10 =	sld [smem:$0x3FA4];
	_ =	sdelay $0x3  }
0x34: {  	[smem:$0x3FA4] =	sst s10  }
0x35: {  	s10 =	sld [smem:$0x3FA3];
	_ =	sdelay $0x3  }
0x36: {  	p1 =	seq.s32 s10, $0x1;
	s10 =	sld [smem:$0x3FA4];
	_ =	sdelay $0x3  }
0x37: {  	[smem:$0x3FA4] =	sst s10  }
0x38: {  	s10 =	sld [smem:$0x3FA5]  }
0x39: {  	_ = 	snop;
	(pc) =	sbr.ind lr, $3  }
0x3a: {  	_ = 	snop  }
0x3b: {  	_ = 	snop  }
0x3c: {  	p2 =	seq.s32 s10, $0x1;
	s10 =	sld [smem:$0x3FA4]  }
0x3d: {  	_ =	shalt  }
0x3e: {  	_ =	shalt  }
0x3f: {  	_ =	shalt  }
0x40: {  	_ =	shalt  }
0x41: {  	_ =	shalt  }
0x42: {  	_ =	shalt  }
0x43: {  	_ =	shalt  }
0x44: {  	_ =	shalt  }
0x45: {  	_ =	shalt  }
0x46: {  	_ =	shalt  }
0x47: {  	_ =	shalt  }
0x48: {  	_ =	shalt  }
0x49: {  	_ =	shalt  }
0x4a: {  	_ =	shalt  }
0x4b: {  	_ =	shalt  }
0x4c: {  	_ =	shalt  }
0x4d: {  	_ =	shalt  }
0x4e: {  	_ =	shalt  }
0x4f: {  	_ =	shalt  }
0x50: {  	_ =	shalt  }
0x51: {  	_ =	shalt  }
0x52: {  	_ =	shalt  }
0x53: {  	_ =	shalt  }
0x54: {  	_ =	shalt  }
0x55: {  	_ =	shalt  }
0x56: {  	_ =	shalt  }
0x57: {  	_ =	shalt  }
0x58: {  	_ =	shalt  }
0x59: {  	_ =	shalt  }
0x5a: {  	_ =	shalt  }
0x5b: {  	_ =	shalt  }
0x5c: {  	_ =	shalt  }
0x5d: {  	_ =	shalt  }
0x5e: {  	_ =	shalt  }
0x5f: {  	_ =	shalt  }
0x60: {  	_ =	shalt  }
0x61: {  	_ =	shalt  }
0x62: {  	_ =	shalt  }
0x63: {  	_ =	shalt  }
0x64: {  	_ =	shalt  }
0x65: {  	_ =	shalt  }
0x66: {  	_ =	shalt  }
0x67: {  	_ =	shalt  }
0x68: {  	_ =	shalt  }
0x69: {  	_ =	shalt  }
0x6a: {  	_ =	shalt  }
0x6b: {  	_ =	shalt  }
0x6c: {  	_ =	shalt  }
0x6d: {  	_ =	shalt  }
0x6e: {  	_ =	shalt  }
0x6f: {  	_ =	shalt  }
0x70: {  	_ =	shalt  }
0x71: {  	_ =	shalt  }
0x72: {  	_ =	shalt  }
0x73: {  	_ =	shalt  }
0x74: {  	_ =	shalt  }
0x75: {  	_ =	shalt  }
0x76: {  	_ =	shalt  }
0x77: {  	_ =	shalt  }
0x78: {  	_ =	shalt  }
0x79: {  	_ =	shalt  }
0x7a: {  	_ =	shalt  }
0x7b: {  	_ =	shalt  }
0x7c: {  	_ =	shalt  }
0x7d: {  	_ =	shalt  }
0x7e: {  	_ =	shalt  }
0x7f: {  	_ =	shalt  }
0x80: {  	_ =	shalt  }
0x81: {  	_ =	shalt  }
0x82: {  	_ =	shalt  }
0x83: {  	_ =	shalt  }
0x84: {  	_ =	shalt  }
0x85: {  	_ =	shalt  }
0x86: {  	_ =	shalt  }
0x87: {  	_ =	shalt  }
.Lfunc_end0:
.L_simem_size_0:
called_computation.3_lowered:
.L_overlay_start_0:
0x88: {  	s2 =	sld [smem:$0x3FD9]  }
0x89: {  	s3 =	sld [smem:$0x3FFE];
	_ =	sdelay $0x1  }
0x8a: {  	s1 =	srdreg.scid  }
0x8b: {  	s0 =	sand.u32 $0x1, s1  }
0x8c: {  	s16 =	sshll.u32 s0, $0xA;
	s2 =	sadd.s32 s3, s2  }
0x8d: {  	s2 =	sadd.s32 s2, s16  }
0x8e: {  	[smem:$0x3FB0] =	sst s2  }
0x8f: {  	_ = 	snop  }
0x90: {  	(tm) =	ssettm $0x1  }
0x91: {  	s17 =	sld [smem:$0x3FFB];
	_ =	sdelay $0x3  }
0x92: {  	_ =	strace s17  }
0x93: {  	s2 =	sld [smem:$0x3FFC];
	_ =	sdelay $0x3  }
0x94: {  	_ =	strace s2  }
0x95: {  	s2 =	sld [smem:$0x3FFD];
	_ =	sdelay $0x3  }
0x96: {  	_ =	strace s2  }
0x97: {  	_ =	strace $0x8FFFFFFF  }
0x98: {  	s18 =	sld [smem:$0x3FDB];
	_ =	sdelay $0x1  }
0x99: {  	s19 =	simm.s32 $_scs_section_size  }
0x9a: {  	s4 =	simm.s32 $_size__tile_overlayer_lowered;
	s5 =	simm.s32 $_tile_overlayer_lowered  }
0x9b: {  	s22 =	simm.s32 $0x1BFF;
	s21 =	sshll.u32 s5, $0x1;
	s2 =	sadd.s32 s19, s18  }
0x9c: {  	s6 =	simm.s32 $0x0;
	s20 =	sshll.u32 s4, $0x1;
	s4 =	sadd.s32 s21, s2  }
0x9d: {  	[timem:s6], [sflag:s22] =	dma.local [hbm:s4], s20  }
0x9e: {  	_ =	swait.ge [sflag:s22], s20  }
0x9f: {  	s3 =	ssub.s32 $0x0, s20;
	[sflag:s22] =	ssyncset.done $0x0  }
0xa0: {  	[sflag:s22] =	ssyncadd.s32 s3;
	_ =	sdelay $0x1  }
0xa1: {  	s23 =	simm.s32 $0x1B8B  }
0xa2: {  	_ =	swait.ge [sflag:s23], $0x1  }
0xa3: {  	[sflag:s23] =	ssyncset.done $0x0  }
0xa4: {  	s25 =	simm.s32 $0x1B8E;
	s24 =	sld [smem:$0x3FFE];
	[sflag:s23] =	ssyncadd.s32 $0xFFFFFFFF  }
0xa5: {  	s26 =	simm.s32 $execute0_lowered;
	[smem:$0x3FD2] =	sst s25  }
0xa6: {  	s4 =	sshll.u32 s26, $0x1;
	_ =	strace $0x8000004F;
	[dreg:$0x1] =	wrdreg $0xFFFFFFFF  }
0xa7: {  	s28 =	simm.s32 $_size_execute0_lowered;
	s2 =	sadd.s32 s2, s4;
	[dreg:$0x0] =	wrdreg $0x0  }
0xa8: {  	s4 =	sshll.u32 s28, $0x1;
	[dreg:$0x2] =	wrdreg s2  }
0xa9: {  	[dreg:$0x3] =	wrdreg s4  }
0xaa: {  	[dreg:$0x4] =	wrdreg $0xC0  }
0xab: {  	_ =	task [dreg:s6], $0x5FFFF  }
0xac: {  	[dreg:$0x1] =	wrdreg $0xFFFFFFFF  }
0xad: {  	[dreg:$0x0] =	wrdreg $0x60  }
0xae: {  	[dreg:$0x2] =	wrdreg s24  }
0xaf: {  	[dreg:$0x3] =	wrdreg $0x90000  }
0xb0: {  	[dreg:$0x4] =	wrdreg $0x9  }
0xb1: {  	_ =	task.clear_ibuf [dreg:s6], $0x5FFFF;
	_ =	strace $0x9000004F  }
0xb2: {  	s29 =	simm.s32 $0x9;
	_ =	strace $0x80000051  }
0xb3: {  	_ =	swait.ge [sflag:s29], $0x1  }
0xb4: {  	[sflag:s29] =	ssyncadd.s32 $0xFFFFFFFF  }
0xb5: {  	_ =	strace $0x90000051  }
0xb6: {  	_ =	sfence  }
0xb7: {  	s30 =	sld [smem:$0x0];
	_ =	sdelay $0x2  }
0xb8: {  	s31 =	sshll.u32 s1, $0xD;
	s1 =	sshrl.u32 s1, $0x2  }
0xb9: {  	s3 =	sand.u32 $0x4000, s31;
	s1 =	sadd.s32 s1, s30  }
0xba: {  	s0 =	sor.u32 s3, s0;
	s1 =	sshll.u32 s1, $0x11  }
0xbb: {  	s0 =	sor.u32 s1, s0  }
0xbc: {  	s0 =	sadd.s32 $0x8F2B, s0  }
0xbd: {  	[sflag:s0] =	ssyncadd.remote.s32 $0x1  }
0xbe: {  	_ =	sfence.sel $0xFFFF  }
0xbf: {  	[dreg:$0x0] =	wrdreg $0xFFFFFFFF;
	(pc) =	sbr.abs _section_cstart, $3  }
0xc0: {  	[dreg:$0x1] =	wrdreg $0xFFFFFFFF  }
0xc1: {  	_ =	task.clear_ibuf [dreg:s6], $0x2FFFF;
	_ =	strace $0x9FFFFFFF  }
0xc2: {  	(tm) =	ssettm $0x7FFFFFFF  }
0xc3: {  	_ =	shalt  }
tec
execute0_lowered:
.L_overlay_start_1:
0x0: {  	(tag) =	ssettag $0x1  }
0x1: {  	s0 =	srdreg.scid;
	s5 =	rddreg [dreg:$0x0]  }
0x2: {  	s2 =	rddreg [dreg:$0x1];
	s1 =	stileid.u32  }
0x3: {  	s3 =	simm.s32 $0x0;
	s19 =	simm.s32 $0x80;
	s20 =	simm.s32 $0x0  }
0x4: {  	s6 =	sand.u32 $0x1, s0;
	s0 =	rddreg [dreg:$0x2];
	s8 =	smul.u32 $0x50000, s1  }
0x5: {  	[smem:$0x7FF] =	sst s3;
	s11 =	smul.u32 $0x14000, s1;
	s15 =	sadd.s32 $0x9B600, s5  }
0x6: {  	s4 =	sshll.u32 s6, $0x4;
	_ =	strace $0x80000050;
	s30 =	ssub.s32 $0x2, s6  }
0x7: {  	s14 =	smul.u32 $0x140000, s6;
	s4 =	sor.u32 s1, s4;
	s9 =	sshrl.u32 s30, $0x1  }
0x8: {  	s8 =	sshrl.u32 s8, $0x2;
	s12 =	sadd.s32 $0x4000, s11;
	s13 =	sadd.s32 $0x8000, s11  }
0x9: {  	s17 =	sadd.s32 $0xC000, s11;
	s18 =	sadd.s32 $0x10000, s11;
	s7 =	smul.u32 $0xA00, s4  }
0xa: {  	s4 =	sadd.s32 $0x4D200, s5;
	s16 =	ssub.s32 s30, s9;
	s6 =	sadd.s32 s12, s2  }
0xb: {  	s11 =	sadd.s32 s11, s14;
	s9 =	sadd.s32 s18, s2;
	s12 =	sadd.s32 s14, s12  }
0xc: {  	s18 =	sadd.s32 s14, s18;
	s11 =	sshrl.u32 s11, $0x3;
	s12 =	sshrl.u32 s12, $0x3  }
0xd: {  	s31 =	sshrl.u32 s18, $0x3;
	s16 =	smax.u32 s16, $0x1;
	s18 =	simm.s32 $0x1  }
0xe: {  	s10 =	sadd.s32 s7, s5;
	s5 =	sadd.s32 s8, s2;
	s7 =	sadd.s32 s13, s2  }
0xf: {  	s8 =	sadd.s32 s17, s2;
	s11 =	sadd.s32 s15, s11;
	s13 =	sadd.s32 s14, s13  }
0x10: {  	s12 =	sadd.s32 s15, s12;
	s17 =	sadd.s32 s14, s17;
	s13 =	sshrl.u32 s13, $0x3  }
0x11: {  	s10 =	sadd.s32 $0x39200, s10;
	s17 =	sshrl.u32 s17, $0x3;
	s13 =	sadd.s32 s15, s13  }
0x12: {  	v0 =	vimm.f32 $0.0e+00;
	s14 =	sadd.s32 s15, s17;
	s15 =	sadd.s32 s15, s31;
	s17 =	simm.s32 $0x5000  }
.LBB2_1:
0x13: {  	s21 =	sand.u32 $0xFE00, s3  }
0x14: {  	s22 =	sand.u32 $0x70, s3;
	s23 =	sshrl.u32 s21, $0x2  }
0x15: {  	s21 =	simm.s32 $0x40;
	s23 =	sor.u32 s22, s23;
	s22 =	simm.s32 $0x0  }
.LBB2_2:
0x16: {  	p0 =	sne.s32 s21, $0xFFC0  }
0x17: {  	[tilespmem:s23+$0x5000] =	vst v0;
	s22 =	sadd.s32 $0x10, s22;
	s23 =	smov.u32 s21;
	s21 =	sadd.s32 $0x40, s21  }
.Ltmp0:
0x18: {  	(pc) =	sbr.rel @p0 .LBB2_2-.Ltmp0, $4  }
0x19: {  	_ = 	snop  }
0x1a: {  	s23 =	sand.u32 $0xFE00, s23  }
0x1b: {  	s24 =	sand.u32 $0x70, s22;
	s23 =	sshrl.u32 s23, $0x2  }
0x1c: {  	s23 =	sor.u32 s24, s23  }
0x1d: {  	[tilespmem:s23+$0x5000] =	vst v0  }
0x1e: {  	[spmem:s5] =	stream.linear.scatter [tilespmem:s17], [sflag:$0x1], $0x4000, $0x38;
	[tilespmem:$0x1D000] =	vst v63  }
0x1f: {  	_ =	swait.ge [sflag:s18], $0x4000  }
0x20: {  	[sflag:s18] =	ssyncset.done $0x0  }
0x21: {  	[sflag:s18] =	ssyncadd.s32 $0xFFFFC000  }
0x22: {  	[spmem:s6] =	stream.linear.scatter [tilespmem:s17], [sflag:$0x1], $0x4000, $0x38;
	[tilespmem:$0x1D000] =	vst v63  }
0x23: {  	_ =	swait.ge [sflag:s18], $0x4000  }
0x24: {  	[sflag:s18] =	ssyncset.done $0x0  }
0x25: {  	[sflag:s18] =	ssyncadd.s32 $0xFFFFC000  }
0x26: {  	[spmem:s7] =	stream.linear.scatter [tilespmem:s17], [sflag:$0x1], $0x4000, $0x38;
	[tilespmem:$0x1D000] =	vst v63  }
0x27: {  	_ =	swait.ge [sflag:s18], $0x4000  }
0x28: {  	[sflag:s18] =	ssyncset.done $0x0  }
0x29: {  	[sflag:s18] =	ssyncadd.s32 $0xFFFFC000  }
0x2a: {  	[spmem:s8] =	stream.linear.scatter [tilespmem:s17], [sflag:$0x1], $0x4000, $0x38;
	[tilespmem:$0x1D000] =	vst v63  }
0x2b: {  	_ =	swait.ge [sflag:s18], $0x4000  }
0x2c: {  	[sflag:s18] =	ssyncset.done $0x0  }
0x2d: {  	[sflag:s18] =	ssyncadd.s32 $0xFFFFC000  }
0x2e: {  	[spmem:s9] =	stream.linear.scatter [tilespmem:s17], [sflag:$0x1], $0x4000, $0x38;
	[tilespmem:$0x1D000] =	vst v63  }
0x2f: {  	_ =	swait.ge [sflag:s18], $0x4000  }
0x30: {  	[sflag:s18] =	ssyncset.done $0x0  }
0x31: {  	[sflag:s18] =	ssyncadd.s32 $0xFFFFC000  }
0x32: {  	s21 =	simm.s32 $0x0;
	[bflag:$0x0] =	sbarrier.arrive $0xFFFF  }
0x33: {  	[tilespmem:s21], [sflag:$0x1] =	stream.linear.gather [hbm4b:s10+s21], $0x5000, $0x38;
	[tilespmem:$0x1D000] =	vst v63  }
0x34: {  	_ =	swait.ge [sflag:s18], $0x5000  }
0x35: {  	[sflag:s18] =	ssyncset.done $0x0  }
0x36: {  	s30 =	simm.s32 $0x0;
	[sflag:s18] =	ssyncadd.s32 $0xFFFFB000  }
0x37: {  	[tilespmem:s17], [sflag:$0x1] =	stream.indirect.gather [hbm4b:s4+s19], $0x80, s30, s19, $0xb8;
	[tilespmem:$0x1D000] =	vst v63  }
0x38: {  	_ =	swait.ge [sflag:s18], $0x4000  }
0x39: {  	[sflag:s18] =	ssyncset.done $0x0  }
0x3a: {  	s31 =	simm.s32 $0x80;
	[sflag:s18] =	ssyncadd.s32 $0xFFFFC000  }
0x3b: {  	[spmem:s2] =	stream.indirect.scatter.add.f32 [tilespmem:s17], [sflag:$0x1], $0x80, s31, s19, $0xb8;
	[tilespmem:$0x1D000] =	vst v63  }
0x3c: {  	_ =	swait.ge [sflag:s18], $0x4000  }
0x3d: {  	s22 =	simm.s32 $0x800;
	s21 =	simm.s32 $0x400;
	[sflag:s18] =	ssyncset.done $0x0  }
.LBB2_4:
0x3e: {  	s23 =	sshra.s32 s21, $0x2  }
0x3f: {  	[sflag:s18] =	ssyncadd.s32 $0xFFFFC000;
	s21 =	smov.u32 s22;
	s24 =	sadd.s32 $0x400, s22  }
0x40: {  	[tilespmem:s17], [sflag:$0x1] =	stream.indirect.gather [hbm4b:s4+s19], $0x80, s23, s19, $0xb8;
	[tilespmem:$0x1D000] =	vst v63  }
0x41: {  	p0 =	sne.s32 s22, $0x13C00;
	_ =	swait.ge [sflag:s18], $0x4000  }
.Ltmp1:
0x42: {  	[sflag:s18] =	ssyncset.done $0x0;
	(pc) =	sbr.rel @p0 .LBB2_4-.Ltmp1, $4  }
0x43: {  	s22 =	sadd.s32 $0x80, s23;
	[sflag:s18] =	ssyncadd.s32 $0xFFFFC000  }
0x44: {  	[spmem:s2] =	stream.indirect.scatter.add.f32 [tilespmem:s17], [sflag:$0x1], $0x80, s22, s19, $0xb8;
	[tilespmem:$0x1D000] =	vst v63  }
0x45: {  	_ =	swait.ge [sflag:s18], $0x4000  }
0x46: {  	s22 =	smov.u32 s24;
	[sflag:s18] =	ssyncset.done $0x0  }
0x47: {  	s21 =	sshra.s32 s21, $0x2;
	[sflag:s18] =	ssyncadd.s32 $0xFFFFC000  }
0x48: {  	[tilespmem:s17], [sflag:$0x1] =	stream.indirect.gather [hbm4b:s4+s19], $0x80, s21, s19, $0xb8;
	[tilespmem:$0x1D000] =	vst v63  }
0x49: {  	_ =	swait.ge [sflag:s18], $0x4000  }
0x4a: {  	[sflag:s18] =	ssyncset.done $0x0  }
0x4b: {  	s21 =	sadd.s32 $0x80, s21;
	[sflag:s18] =	ssyncadd.s32 $0xFFFFC000  }
0x4c: {  	[spmem:s2] =	stream.indirect.scatter.add.f32 [tilespmem:s17], [sflag:$0x1], $0x80, s21, s19, $0xb8;
	[tilespmem:$0x1D000] =	vst v63  }
0x4d: {  	_ =	swait.ge [sflag:s18], $0x4000  }
0x4e: {  	[sflag:s18] =	ssyncset.done $0x0  }
0x4f: {  	[sflag:s18] =	ssyncadd.s32 $0xFFFFC000  }
0x50: {  	[bflag:$0x0] =	sbarrier.arrive $0xFFFF  }
0x51: {  	[tilespmem:s17], [sflag:$0x1] =	stream.linear.gather [spmem:s5], $0x4000, $0x38;
	[tilespmem:$0x1D000] =	vst v63  }
0x52: {  	_ =	swait.ge [sflag:s18], $0x4000  }
0x53: {  	[sflag:s18] =	ssyncset.done $0x0  }
0x54: {  	[sflag:s18] =	ssyncadd.s32 $0xFFFFC000  }
0x55: {  	[hbm4b:s11+s3] =	stream.linear.scatter [tilespmem:s17], [sflag:$0x1], $0x4000, $0x38;
	[tilespmem:$0x1D000] =	vst v63  }
0x56: {  	_ =	swait.ge [sflag:s18], $0x4000  }
0x57: {  	[sflag:s18] =	ssyncset.done $0x0  }
0x58: {  	[sflag:s18] =	ssyncadd.s32 $0xFFFFC000  }
0x59: {  	[tilespmem:s17], [sflag:$0x1] =	stream.linear.gather [spmem:s6], $0x4000, $0x38;
	[tilespmem:$0x1D000] =	vst v63  }
0x5a: {  	_ =	swait.ge [sflag:s18], $0x4000  }
0x5b: {  	[sflag:s18] =	ssyncset.done $0x0  }
0x5c: {  	[sflag:s18] =	ssyncadd.s32 $0xFFFFC000  }
0x5d: {  	[hbm4b:s12+s3] =	stream.linear.scatter [tilespmem:s17], [sflag:$0x1], $0x4000, $0x38;
	[tilespmem:$0x1D000] =	vst v63  }
0x5e: {  	_ =	swait.ge [sflag:s18], $0x4000  }
0x5f: {  	[sflag:s18] =	ssyncset.done $0x0  }
0x60: {  	[sflag:s18] =	ssyncadd.s32 $0xFFFFC000  }
0x61: {  	[tilespmem:s17], [sflag:$0x1] =	stream.linear.gather [spmem:s7], $0x4000, $0x38;
	[tilespmem:$0x1D000] =	vst v63  }
0x62: {  	_ =	swait.ge [sflag:s18], $0x4000  }
0x63: {  	[sflag:s18] =	ssyncset.done $0x0  }
0x64: {  	[sflag:s18] =	ssyncadd.s32 $0xFFFFC000  }
0x65: {  	[hbm4b:s13+s3] =	stream.linear.scatter [tilespmem:s17], [sflag:$0x1], $0x4000, $0x38;
	[tilespmem:$0x1D000] =	vst v63  }
0x66: {  	_ =	swait.ge [sflag:s18], $0x4000  }
0x67: {  	[sflag:s18] =	ssyncset.done $0x0  }
0x68: {  	[sflag:s18] =	ssyncadd.s32 $0xFFFFC000  }
0x69: {  	[tilespmem:s17], [sflag:$0x1] =	stream.linear.gather [spmem:s8], $0x4000, $0x38;
	[tilespmem:$0x1D000] =	vst v63  }
0x6a: {  	_ =	swait.ge [sflag:s18], $0x4000  }
0x6b: {  	[sflag:s18] =	ssyncset.done $0x0  }
0x6c: {  	[sflag:s18] =	ssyncadd.s32 $0xFFFFC000  }
0x6d: {  	[hbm4b:s14+s3] =	stream.linear.scatter [tilespmem:s17], [sflag:$0x1], $0x4000, $0x38;
	[tilespmem:$0x1D000] =	vst v63  }
0x6e: {  	_ =	swait.ge [sflag:s18], $0x4000  }
0x6f: {  	[sflag:s18] =	ssyncset.done $0x0  }
0x70: {  	[sflag:s18] =	ssyncadd.s32 $0xFFFFC000  }
0x71: {  	[tilespmem:s17], [sflag:$0x1] =	stream.linear.gather [spmem:s9], $0x4000, $0x38;
	[tilespmem:$0x1D000] =	vst v63  }
0x72: {  	s20 =	sadd.s32 $0x1, s20;
	_ =	swait.ge [sflag:s18], $0x4000  }
0x73: {  	p0 =	sne.s32 s20, s16;
	[sflag:s18] =	ssyncset.done $0x0  }
.Ltmp2:
0x74: {  	[sflag:s18] =	ssyncadd.s32 $0xFFFFC000;
	(pc) =	sbr.rel @p0 .LBB2_1-.Ltmp2, $4  }
0x75: {  	[hbm4b:s15+s3] =	stream.linear.scatter [tilespmem:s17], [sflag:$0x1], $0x4000, $0x38;
	[tilespmem:$0x1D000] =	vst v63  }
0x76: {  	_ =	swait.ge [sflag:s18], $0x4000  }
0x77: {  	[sflag:s18] =	ssyncset.done $0x0  }
0x78: {  	[sflag:s18] =	ssyncadd.s32 $0xFFFFC000  }
0x79: {  	_ =	sfence.sel $0x180000  }
0x7a: {  	[bflag:$0x0] =	sbarrier.arrive $0xFFFF  }
0x7b: {  	p0 =	sne.s32 s1, $0x0;
	_ =	strace $0x90000050  }
0x7c: {  	s0 =	sadd.s32 @!p0 $0x100000, s0;
	[bflag:$0x2] =	sbarrier.arrive $0xFFFF  }
0x7d: {  	[sflag:s0] =	ssyncadd.tile.s32 @!p0 $0x1;
	_ =	shalt  }
.Lfunc_end2:
_tile_overlayer_lowered:
.L_overlay_start_2:
0x7e: {  	(tag) =	ssettag $0x2  }
0x7f: {  	s0 =	rddreg [dreg:$0x0];
	s2 =	stileid.u32  }
0x80: {  	s1 =	rddreg [dreg:$0x1];
	p0 =	sne.s32 s2, $0x0  }
0x81: {  	s3 =	rddreg [dreg:$0x2];
	[bflag:$0x3] =	sbarrier.arrive $0xFFFF;
	s2 =	simm.s32 @!p0 $0x1C01  }
0x82: {  	[timem:s3], [sflag:s2] =	dma.local @!p0 [hbm:s0], s1  }
0x83: {  	s0 =	simm.s32 @!p0 $0x1  }
0x84: {  	_ =	swait.ge @!p0 [sflag:s0], s1  }
0x85: {  	s1 =	ssub.s32 @!p0 $0x0, s1;
	[sflag:s0] =	ssyncset.done @!p0 $0x0  }
0x86: {  	[sflag:s0] =	ssyncadd.s32 @!p0 s1  }
0x87: {  	[bflag:$0x3] =	sbarrier.arrive $0xFFFF  }
0x88: {  	_ =	shalt  }

</sc_bundles>
